<compile_context>
chip_gen: v7x
topology: tpu7x:2x2x1
jax: 0.10.2.dev20260603
libtpu: 0.0.44.dev20260713+nightly
codegen_flags: <defaults>
</compile_context>

<pallas_src>
import functools

import numpy as np
import jax
import jax.numpy as jnp
from jax import lax
from jax.experimental import pallas as pl
from jax.experimental.pallas import tpu as pltpu
from jax.experimental.pallas import tpu_sc as plsc

_B, _T, _N, _F = 16, 24, 300, 32
_HID, _FF, _HEADS, _OC, _OF = 128, 256, 4, 64, 14
_E = 3000
_NP = 304
_EP = 3072
_CSZ = 92672
_NEG = -1e30
_SCALE = 1.0 / float(np.sqrt(_HID))


def _ln(x, g, b):
    ones = jnp.full((x.shape[-1], 1), 1.0 / x.shape[-1], jnp.float32)
    m = jnp.dot(x, ones, preferred_element_type=jnp.float32)
    ex2 = jnp.dot(x * x, ones, preferred_element_type=jnp.float32)
    v = ex2 - m * m
    return (x - m) * lax.rsqrt(v + 1e-5) * g + b


def _lnn(x):
    ones = jnp.full((x.shape[-1], 1), 1.0 / x.shape[-1], jnp.float32)
    m = jnp.dot(x, ones, preferred_element_type=jnp.float32)
    ex2 = jnp.dot(x * x, ones, preferred_element_type=jnp.float32)
    return (x - m) * lax.rsqrt(ex2 - m * m + 1e-5)


def _nt(a, b):
    return lax.dot_general(a, b, (((1,), (1,)), ((), ())))


def _softmax(s):
    m = jnp.max(s, -1, keepdims=True)
    e = jnp.exp(s - m)
    return e / jnp.sum(e, -1, keepdims=True)


_NW = 16
_EW = _EP // _NW
_CZ = _CSZ // _NW


def _count_body(src_hbm, dst_hbm, out_hbm, s_v, f_v, ones_v, z_v, c_sh):
    wid = lax.axis_index("s")

    def zbody(i, carry):
        z_v[pl.ds(i * 16, 16)] = jnp.zeros((16,), jnp.float32)
        return carry
    lax.fori_loop(0, _CZ // 16, zbody, 0)
    pltpu.sync_copy(z_v, c_sh.at[pl.ds(wid * _CZ, _CZ)])
    plsc.subcore_barrier()

    ebase = wid * _EW
    pltpu.sync_copy(src_hbm.at[pl.ds(ebase, _EW)], s_v)
    pltpu.sync_copy(dst_hbm.at[pl.ds(ebase, _EW)], f_v)

    def body(i, carry):
        sl = pl.ds(i * 16, 16)
        f_v[sl] = f_v[sl] * _NP + s_v[sl]
        ones_v[sl] = jnp.ones((16,), jnp.float32)
        return carry
    lax.fori_loop(0, _EW // 16, body, 0)
    pltpu.sync_copy(ones_v, c_sh.at[f_v], add=True)
    plsc.subcore_barrier()

    @pl.when(wid == 0)
    def _():
        pltpu.sync_copy(c_sh, out_hbm)


@functools.cache
def _edge_counts_kernel():
    return pl.kernel(
        _count_body,
        mesh=plsc.VectorSubcoreMesh(core_axis_name="c", subcore_axis_name="s",
                                    num_cores=1),
        out_type=jax.ShapeDtypeStruct((_CSZ,), jnp.float32),
        scratch_types=[
            pltpu.VMEM((_EW,), jnp.int32),
            pltpu.VMEM((_EW,), jnp.int32),
            pltpu.VMEM((_EW,), jnp.float32),
            pltpu.VMEM((_CZ,), jnp.float32),
            pltpu.VMEM_SHARED((_CSZ,), jnp.float32),
        ],
    )
assert _EW % 16 == 0 and _CZ % 16 == 0 and _NP * _NP < _CSZ


def _bf(x):
    return x.astype(jnp.bfloat16)


def _mm(a, b):
    return jnp.dot(_bf(a), _bf(b), preferred_element_type=jnp.float32)


def _ntf(a, b):
    return lax.dot_general(_bf(a), _bf(b), (((1,), (1,)), ((), ())),
                           preferred_element_type=jnp.float32)


def _enc_body(x_ref, wqkv, bqkv, wo, bo, wsk, bsk,
              wkv, bkv, wq2, bq2, wo2, bo2, g3, be3, wf1, bf1, wf2, bf2,
              out_ref, qkv_s, o_s, kv_s, s2_s):
    tril = (lax.broadcasted_iota(jnp.int32, (_NP, _NP), 0)
            >= lax.broadcasted_iota(jnp.int32, (_NP, _NP), 1))
    x2d = x_ref[0].reshape(_T * _NP, _F)
    h = _lnn(x2d)
    qkv_s[...] = (_mm(h, wqkv[...]) + bqkv[...]) \
        .astype(jnp.bfloat16).reshape(_T, _NP, 3 * _HID)

    def attn(t):
        q = qkv_s[t, :, :_HID]
        k = qkv_s[t, :, _HID:2 * _HID]
        v = qkv_s[t, :, 2 * _HID:]
        e = jnp.exp(jnp.where(tril, _ntf(q, k), _NEG))
        o = jnp.dot(_bf(e), v, preferred_element_type=jnp.float32)
        o_s[t] = (o / jnp.sum(e, -1, keepdims=True)).astype(jnp.bfloat16)

    for t in range(_T):
        attn(t)

    o2d = o_s[...].reshape(_T * _NP, _HID)
    x1 = _mm(x2d, wsk[...]) + bsk[...] + \
        jnp.dot(o2d, _bf(wo[...]), preferred_element_type=jnp.float32) + bo[...]
    h2 = _lnn(x1)
    kv_s[...] = _mm(h2, wkv[...]) + bkv[...]

    x1l = x1[(_T - 1) * _NP:, :]
    h2l = h2[(_T - 1) * _NP:, :]
    q2 = _mm(h2l, wq2[...]) + bq2[...]
    ones_h = jnp.full((_HID, 1), 1.0, jnp.float32)
    for t in range(_T):
        s2_s[:, t:t + 1] = jnp.dot(
            q2 * kv_s[t * _NP:(t + 1) * _NP, :_HID], ones_h,
            preferred_element_type=jnp.float32)
    lane = lax.broadcasted_iota(jnp.int32, (_NP, _HID), 1)
    p2 = _softmax(jnp.where(lane < _T, s2_s[...], _NEG))
    acc = jnp.zeros((_NP, _HID), jnp.float32)
    for t in range(_T):
        acc = acc + p2[:, t:t + 1] * kv_s[t * _NP:(t + 1) * _NP, _HID:]
    x2 = x1l + _mm(acc, wo2[...]) + bo2[...]
    h3 = _ln(x2, g3[...], be3[...])
    f = jnp.maximum(_mm(h3, wf1[...]) + bf1[...], 0.0)
    out_ref[0] = x2 + _mm(f, wf2[...]) + bf2[...]


def _gat_body(h_ref, c_ref, wg1, ar_s1, ar_d1, bg1, wg2, ar_s2, ar_d2, bg2,
              wf, bf, out_ref):
    ii = lax.broadcasted_iota(jnp.int32, (_NP, _NP), 0)
    jj = lax.broadcasted_iota(jnp.int32, (_NP, _NP), 1)
    C = c_ref[...] + jnp.where(ii == jj, 1.0, 0.0)
    h = h_ref[0]

    def gat(hg, asr, adc):
        A = adc + asr
        A = jnp.maximum(A, 0.2 * A)
        e = C * jnp.exp(A)
        o = jnp.dot(_bf(e), _bf(hg), preferred_element_type=jnp.float32)
        return o / (jnp.sum(e, -1, keepdims=True) + 1e-16)

    hg = _mm(h, wg1[...])
    adc = _nt(hg, ar_d1[...])
    asr = _nt(ar_s1[...], hg)
    ch = _HID // _HEADS
    outs = [gat(hg[:, k * ch:(k + 1) * ch],
                asr[k:k + 1, :], adc[:, k:k + 1]) for k in range(_HEADS)]
    g = jnp.concatenate(outs, axis=1) + bg1[...]
    h1 = jnp.where(g > 0, g, jnp.exp(g) - 1.0)

    hg2 = _mm(h1, wg2[...])
    o2 = gat(hg2, _nt(ar_s2[...], hg2), _nt(hg2, ar_d2[...])) + bg2[...]
    out_ref[0] = _mm(o2, wf[...]) + bf[...]


def _full_spec(shape):
    nd = len(shape)
    return pl.BlockSpec(shape, lambda b, _n=nd: (0,) * _n)


def _encoder_call(xp, wlist):
    in_specs = [pl.BlockSpec((1, _T, _NP, _F), lambda b: (b, 0, 0, 0))]
    in_specs += [_full_spec(w.shape) for w in wlist]
    return pl.pallas_call(
        _enc_body,
        grid=(_B,),
        in_specs=in_specs,
        out_specs=pl.BlockSpec((1, _NP, _HID), lambda b: (b, 0, 0)),
        out_shape=jax.ShapeDtypeStruct((_B, _NP, _HID), jnp.float32),
        scratch_shapes=[
            pltpu.VMEM((_T, _NP, 3 * _HID), jnp.bfloat16),
            pltpu.VMEM((_T, _NP, _HID), jnp.bfloat16),
            pltpu.VMEM((_T * _NP, 2 * _HID), jnp.float32),
            pltpu.VMEM((_NP, _HID), jnp.float32),
        ],
    )(xp, *wlist)


def _gat_call(hl, C, wlist):
    in_specs = [pl.BlockSpec((1, _NP, _HID), lambda b: (b, 0, 0)),
                _full_spec((_NP, _NP))]
    in_specs += [_full_spec(w.shape) for w in wlist]
    return pl.pallas_call(
        _gat_body,
        grid=(_B,),
        in_specs=in_specs,
        out_specs=pl.BlockSpec((1, _NP, _OF), lambda b: (b, 0, 0)),
        out_shape=jax.ShapeDtypeStruct((_B, _NP, _OF), jnp.float32),
    )(hl, C, *wlist)


def _head_rows(a):
    heads, ch = a.shape
    return (jnp.eye(heads, dtype=a.dtype)[:, :, None] * a[None, :, :]) \
        .reshape(heads, heads * ch)


def _prep_weights(p):
    r1 = lambda v: v.reshape(1, -1)
    wqkv = jnp.concatenate([p['Wq_t'] * _SCALE, p['Wk_t'], p['Wv_t']], axis=1)
    bqkv = jnp.concatenate([p['bq_t'] * _SCALE, p['bk_t'], p['bv_t']])
    wkv = jnp.concatenate([p['Wk_s'], p['Wv_s']], axis=1)
    bkv = jnp.concatenate([p['bk_s'], p['bv_s']])
    wq2 = p['Wq_s'] * _SCALE
    bq2 = p['bq_s'] * _SCALE
    enc = [p['g1'][:, None] * wqkv, r1(p['be1'] @ wqkv + bqkv),
           p['Wo_t'], r1(p['bo_t']), p['W_skip'], r1(p['b_skip']),
           p['g2'][:, None] * wkv, r1(p['be2'] @ wkv + bkv),
           p['g2'][:, None] * wq2, r1(p['be2'] @ wq2 + bq2),
           p['Wo_s'], r1(p['bo_s']),
           r1(p['g3']), r1(p['be3']),
           p['W_ff1'], r1(p['b_ff1']), p['W_ff2'], r1(p['b_ff2'])]
    gat = [p['W_g1'], _head_rows(p['a_s1']), _head_rows(p['a_d1']),
           r1(p['b_g1']), p['W_g2'], p['a_s2'], p['a_d2'], r1(p['b_g2']),
           p['W_f'], r1(p['b_f'])]
    return enc, gat


def kernel(x, edge_index, params):
    xp = jnp.pad(x, ((0, 0), (0, 0), (0, _NP - _N), (0, 0)))
    ei = edge_index.astype(jnp.int32)
    src = jnp.concatenate([ei[0], jnp.zeros((_EP - _E,), jnp.int32)])
    dst = jnp.concatenate([ei[1], jnp.full((_EP - _E,), _NP, jnp.int32)])

    C = _edge_counts_kernel()(src, dst)
    C = C[:_NP * _NP].reshape(_NP, _NP)

    enc_w, gat_w = _prep_weights(params)
    hl = _encoder_call(xp, enc_w)
    out = _gat_call(hl, C, gat_w)
    return jnp.transpose(out[:, :_N, :], (0, 2, 1))

# --- scband reference (transcript-rebuilt; emitter-appended) ---
"""Pipeline reference for scband-pfgat-11562051961041 (READ-ONLY COPY).

The authoritative reference and input builder live on the scoring server;
editing this copy changes nothing except your own understanding.
"""

import jax, jax.numpy as jnp
import numpy as np

B, T, N, F_IN = 16, 24, 300, 32
HID, FF, HEADS, OUT_CH, OUT_FEAT = 128, 256, 4, 64, 14
E = 3000

def layer_norm(x, g, b, eps=1e-5):
    m = x.mean(-1, keepdims=True)
    v = ((x - m) ** 2).mean(-1, keepdims=True)
    return (x - m) / jnp.sqrt(v + eps) * g + b

def mha(x, Wq, bq, Wk, bk, Wv, bv, Wo, bo, axis, causal):
    # single-head attention (tsl SpatioTemporalTransformerLayer default n_heads=1)
    q = x @ Wq + bq
    k = x @ Wk + bk
    v = x @ Wv + bv
    if axis == 1:
        q = jnp.swapaxes(q, 1, 2); k = jnp.swapaxes(k, 1, 2); v = jnp.swapaxes(v, 1, 2)
    L = q.shape[2]
    scale = 1.0 / np.sqrt(q.shape[-1])
    scores = jnp.einsum('bnld,bnmd->bnlm', q, k) * scale
    if causal:
        mask = jnp.tril(jnp.ones((L, L), dtype=bool))
        scores = jnp.where(mask, scores, -jnp.inf)
    attn = jax.nn.softmax(scores, axis=-1)
    out = jnp.einsum('bnlm,bnmd->bnld', attn, v)
    if axis == 1:
        out = jnp.swapaxes(out, 1, 2)
    return out @ Wo + bo

def st_layer(x, p):
    h = layer_norm(x, p['g1'], p['be1'])
    t = mha(h, p['Wq_t'], p['bq_t'], p['Wk_t'], p['bk_t'], p['Wv_t'], p['bv_t'], p['Wo_t'], p['bo_t'], 1, True)
    x = (x @ p['W_skip'] + p['b_skip']) + t
    h2 = layer_norm(x, p['g2'], p['be2'])
    s = mha(h2, p['Wq_s'], p['bq_s'], p['Wk_s'], p['bk_s'], p['Wv_s'], p['bv_s'], p['Wo_s'], p['bo_s'], 2, False)
    x = x + s
    h3 = layer_norm(x, p['g3'], p['be3'])
    h3 = jax.nn.relu(h3 @ p['W_ff1'] + p['b_ff1'])
    x = x + (h3 @ p['W_ff2'] + p['b_ff2'])
    return x

def gat_conv(x, src, dst, W, a_src, a_dst, bias, heads, out_ch, concat, num_nodes):
    # PyG GATConv with default add_self_loops=True
    loop = jnp.arange(num_nodes, dtype=src.dtype)
    s = jnp.concatenate([src, loop])
    d = jnp.concatenate([dst, loop])
    h = (x @ W).reshape(num_nodes, heads, out_ch)
    alpha = (h * a_src).sum(-1)[s] + (h * a_dst).sum(-1)[d]
    alpha = jnp.where(alpha > 0, alpha, 0.2 * alpha)  # leaky_relu(0.2)
    amax = jax.ops.segment_max(alpha, d, num_segments=num_nodes)
    ex = jnp.exp(alpha - amax[d])
    denom = jax.ops.segment_sum(ex, d, num_segments=num_nodes)
    coef = ex / (denom[d] + 1e-16)
    out = jax.ops.segment_sum(h[s] * coef[:, :, None], d, num_segments=num_nodes)
    out = out.reshape(num_nodes, heads * out_ch) if concat else out.mean(axis=1)
    return out + bias

def _forward(x, params, edge_index):
    Bb, Tt, Nn, _ = x.shape
    xp = jnp.transpose(x, (0, 2, 1, 3))  # [B, N, T, F] as in Encoder.forward
    h = st_layer(xp, params)             # [B, N, T, HID]
    h = h[:, :, -1, :].reshape(Bb * Nn, -1)
    Ee = edge_index.shape[1]
    offs = jnp.repeat(jnp.arange(Bb), Ee) * Nn
    src = jnp.tile(edge_index[0], Bb) + offs
    dst = jnp.tile(edge_index[1], Bb) + offs
    nn_tot = Bb * Nn
    h = jax.nn.elu(gat_conv(h, src, dst, params['W_g1'], params['a_s1'], params['a_d1'], params['b_g1'], HEADS, HID // HEADS, True, nn_tot))
    h = gat_conv(h, src, dst, params['W_g2'], params['a_s2'], params['a_d2'], params['b_g2'], 1, OUT_CH, False, nn_tot)
    h = h.reshape(Bb, Nn, OUT_CH)
    out = h @ params['W_f'] + params['b_f']
    return jnp.transpose(out, (0, 2, 1))

def setup_inputs(seed: int = 0):
    key = jax.random.key(seed)
    def rn(i, shape):
        sc = float(np.sqrt(2.0 / sum(shape)))
        return sc * jax.random.normal(jax.random.fold_in(key, i), shape, dtype=jnp.float32)
    x = jax.random.normal(jax.random.fold_in(key, 0), (B, T, N, F_IN), dtype=jnp.float32)
    edge_index = jax.random.randint(jax.random.fold_in(key, 1), (2, E), 0, N)
    p = {}
    p['W_skip'] = rn(10, (F_IN, HID)); p['b_skip'] = jnp.zeros((HID,), jnp.float32)
    p['g1'] = jnp.ones((F_IN,), jnp.float32); p['be1'] = jnp.zeros((F_IN,), jnp.float32)
    p['Wq_t'] = rn(11, (F_IN, HID)); p['bq_t'] = jnp.zeros((HID,), jnp.float32)
    p['Wk_t'] = rn(12, (F_IN, HID)); p['bk_t'] = jnp.zeros((HID,), jnp.float32)
    p['Wv_t'] = rn(13, (F_IN, HID)); p['bv_t'] = jnp.zeros((HID,), jnp.float32)
    p['Wo_t'] = rn(14, (HID, HID)); p['bo_t'] = jnp.zeros((HID,), jnp.float32)
    p['g2'] = jnp.ones((HID,), jnp.float32); p['be2'] = jnp.zeros((HID,), jnp.float32)
    p['Wq_s'] = rn(15, (HID, HID)); p['bq_s'] = jnp.zeros((HID,), jnp.float32)
    p['Wk_s'] = rn(16, (HID, HID)); p['bk_s'] = jnp.zeros((HID,), jnp.float32)
    p['Wv_s'] = rn(17, (HID, HID)); p['bv_s'] = jnp.zeros((HID,), jnp.float32)
    p['Wo_s'] = rn(18, (HID, HID)); p['bo_s'] = jnp.zeros((HID,), jnp.float32)
    p['g3'] = jnp.ones((HID,), jnp.float32); p['be3'] = jnp.zeros((HID,), jnp.float32)
    p['W_ff1'] = rn(19, (HID, FF)); p['b_ff1'] = jnp.zeros((FF,), jnp.float32)
    p['W_ff2'] = rn(20, (FF, HID)); p['b_ff2'] = jnp.zeros((HID,), jnp.float32)
    p['W_g1'] = rn(21, (HID, HID)); p['a_s1'] = rn(22, (HEADS, HID // HEADS)); p['a_d1'] = rn(23, (HEADS, HID // HEADS)); p['b_g1'] = jnp.zeros((HID,), jnp.float32)
    p['W_g2'] = rn(24, (HID, OUT_CH)); p['a_s2'] = rn(25, (1, OUT_CH)); p['a_d2'] = rn(26, (1, OUT_CH)); p['b_g2'] = jnp.zeros((OUT_CH,), jnp.float32)
    p['W_f'] = rn(27, (OUT_CH, OUT_FEAT)); p['b_f'] = jnp.zeros((OUT_FEAT,), jnp.float32)
    return {"x": x, "edge_index": edge_index, "params": p}

def reference(x, edge_index, params):
    return _forward(x, params, edge_index)

if __name__ == "__main__":
    import jax
    _d = setup_inputs()
    print(jax.jit(kernel)(*tuple(_d.values())))

</pallas_src>

<mosaic_0001>
#map = affine_map<(d0, d1) -> (0)>
module attributes {stable_mosaic.version = 14 : i64} {
  func.func @_count_body(%arg0: i32, %arg1: i32, %arg2: memref<3072xi32, #tpu.memory_space<hbm>>, %arg3: memref<3072xi32, #tpu.memory_space<hbm>>, %arg4: memref<92672xf32, #tpu.memory_space<hbm>>, %arg5: memref<192xi32, #tpu.memory_space<vmem>>, %arg6: memref<192xi32, #tpu.memory_space<vmem>>, %arg7: memref<192xf32, #tpu.memory_space<vmem>>, %arg8: memref<5792xf32, #tpu.memory_space<vmem>>, %arg9: memref<92672xf32, #tpu.memory_space<vmem_shared>>) attributes {dimension_semantics = [#tpu.dimension_semantics<core_parallel>, #tpu.dimension_semantics<subcore_parallel>], iteration_bounds = array<i64: 1, 16>, scalar_prefetch = 0 : i64, scratch_operands = 5 : i64, tpu.core_type = #tpu.core_type<sc_vector_subcore>, window_params = [{transform_indices = #map}, {transform_indices = #map}, {transform_indices = #map}]} {
    %scan3A = arith.constant 0 : i32
    %scan3A_0 = arith.constant 0 : i32
    %scan3A_1 = arith.constant 362 : i32
    %scan3A_2 = arith.addi %scan3A_0, %scan3A_1 : i32
    %scan3A_3 = arith.constant 1 : i32
    scf.for %scan3A_17 = %scan3A_0 to %scan3A_2 step %scan3A_3  : i32 {
      %broadcast_in_dim3A = arith.constant 0.000000e+00 : f32
      %broadcast_in_dim3A_18 = vector.broadcast %broadcast_in_dim3A : f32 to vector<16xf32>
      %mul3A_19 = arith.constant 16 : i32
      %mul3A_20 = arith.muli %scan3A_17, %mul3A_19 : i32
      %swap3A = arith.index_cast %mul3A_20 : i32 to index
      %swap3A_21 = tpu.vector_load %arg8[%swap3A] {strides = array<i32>} : memref<5792xf32, #tpu.memory_space<vmem>>, vector<16xf32>,
      %swap3A_22 = vector.shape_cast %swap3A_21 : vector<16xf32> to vector<16xf32>
      %swap3A_23 = vector.shape_cast %broadcast_in_dim3A_18 : vector<16xf32> to vector<16xf32>
      tpu.vector_store %arg8[%swap3A], %swap3A_23 {strides = array<i32>} : memref<5792xf32, #tpu.memory_space<vmem>>, vector<16xf32>,
    }
    %scan3A_4 = arith.constant 362 : i32
    %mul3A = arith.constant 5792 : i32
    %mul3A_5 = arith.muli %arg1, %mul3A : i32
    "tpu.region"() ({
      %run_scoped3A = tpu.sem_alloc : memref<!tpu.dma_semaphore, #tpu.memory_space<semaphore_mem>>
      %dma_start3A = tpu.memref_slice %arg9[%mul3A_5] : memref<92672xf32, #tpu.memory_space<vmem_shared>> -> memref<5792xf32, #tpu.memory_space<vmem_shared>>
      %dma_start3A_17 = tpu.memref_slice %arg9[%mul3A_5] : memref<92672xf32, #tpu.memory_space<vmem_shared>> -> memref<5792xf32, #tpu.memory_space<vmem_shared>>
      tpu.enqueue_dma source(%arg8 : memref<5792xf32, #tpu.memory_space<vmem>>) target(%dma_start3A_17 : memref<5792xf32, #tpu.memory_space<vmem_shared>>) target_semaphore(%run_scoped3A : memref<!tpu.dma_semaphore, #tpu.memory_space<semaphore_mem>>)
      %dma_wait3A = tpu.memref_slice %arg9[%mul3A_5] : memref<92672xf32, #tpu.memory_space<vmem_shared>> -> memref<5792xf32, #tpu.memory_space<vmem_shared>>
      %dma_wait3A_18 = tpu.memref_slice %arg9[%mul3A_5] : memref<92672xf32, #tpu.memory_space<vmem_shared>> -> memref<5792xf32, #tpu.memory_space<vmem_shared>>
      tpu.wait_dma2 semaphore(%run_scoped3A : memref<!tpu.dma_semaphore, #tpu.memory_space<semaphore_mem>>) src(%arg8 : memref<5792xf32, #tpu.memory_space<vmem>>) dst(%dma_wait3A_18 : memref<5792xf32, #tpu.memory_space<vmem_shared>>)
      tpu.yield
    }) : () -> ()
    %barrier3A = arith.constant 0 : index
    tpu.barrier barrier_id(%barrier3A)
    %mul3A_6 = arith.constant 192 : i32
    %mul3A_7 = arith.muli %arg1, %mul3A_6 : i32
    "tpu.region"() ({
      %run_scoped3A = tpu.sem_alloc : memref<!tpu.dma_semaphore, #tpu.memory_space<semaphore_mem>>
      %dma_start3A = tpu.memref_slice %arg2[%mul3A_7] : memref<3072xi32, #tpu.memory_space<hbm>> -> memref<192xi32, #tpu.memory_space<hbm>>
      %dma_start3A_17 = tpu.memref_slice %arg2[%mul3A_7] : memref<3072xi32, #tpu.memory_space<hbm>> -> memref<192xi32, #tpu.memory_space<hbm>>
      tpu.enqueue_dma source(%dma_start3A_17 : memref<192xi32, #tpu.memory_space<hbm>>) target(%arg5 : memref<192xi32, #tpu.memory_space<vmem>>) target_semaphore(%run_scoped3A : memref<!tpu.dma_semaphore, #tpu.memory_space<semaphore_mem>>)
      %dma_wait3A = tpu.memref_slice %arg2[%mul3A_7] : memref<3072xi32, #tpu.memory_space<hbm>> -> memref<192xi32, #tpu.memory_space<hbm>>
      %dma_wait3A_18 = tpu.memref_slice %arg2[%mul3A_7] : memref<3072xi32, #tpu.memory_space<hbm>> -> memref<192xi32, #tpu.memory_space<hbm>>
      tpu.wait_dma2 semaphore(%run_scoped3A : memref<!tpu.dma_semaphore, #tpu.memory_space<semaphore_mem>>) src(%dma_wait3A_18 : memref<192xi32, #tpu.memory_space<hbm>>) dst(%arg5 : memref<192xi32, #tpu.memory_space<vmem>>)
      tpu.yield
    }) : () -> ()
    "tpu.region"() ({
      %run_scoped3A = tpu.sem_alloc : memref<!tpu.dma_semaphore, #tpu.memory_space<semaphore_mem>>
      %dma_start3A = tpu.memref_slice %arg3[%mul3A_7] : memref<3072xi32, #tpu.memory_space<hbm>> -> memref<192xi32, #tpu.memory_space<hbm>>
      %dma_start3A_17 = tpu.memref_slice %arg3[%mul3A_7] : memref<3072xi32, #tpu.memory_space<hbm>> -> memref<192xi32, #tpu.memory_space<hbm>>
      tpu.enqueue_dma source(%dma_start3A_17 : memref<192xi32, #tpu.memory_space<hbm>>) target(%arg6 : memref<192xi32, #tpu.memory_space<vmem>>) target_semaphore(%run_scoped3A : memref<!tpu.dma_semaphore, #tpu.memory_space<semaphore_mem>>)
      %dma_wait3A = tpu.memref_slice %arg3[%mul3A_7] : memref<3072xi32, #tpu.memory_space<hbm>> -> memref<192xi32, #tpu.memory_space<hbm>>
      %dma_wait3A_18 = tpu.memref_slice %arg3[%mul3A_7] : memref<3072xi32, #tpu.memory_space<hbm>> -> memref<192xi32, #tpu.memory_space<hbm>>
      tpu.wait_dma2 semaphore(%run_scoped3A : memref<!tpu.dma_semaphore, #tpu.memory_space<semaphore_mem>>) src(%dma_wait3A_18 : memref<192xi32, #tpu.memory_space<hbm>>) dst(%arg6 : memref<192xi32, #tpu.memory_space<vmem>>)
      tpu.yield
    }) : () -> ()
    %scan3A_8 = arith.constant 0 : i32
    %scan3A_9 = arith.constant 0 : i32
    %scan3A_10 = arith.constant 12 : i32
    %scan3A_11 = arith.addi %scan3A_9, %scan3A_10 : i32
    %scan3A_12 = arith.constant 1 : i32
    scf.for %scan3A_17 = %scan3A_9 to %scan3A_11 step %scan3A_12  : i32 {
      %mul3A_18 = arith.constant 16 : i32
      %mul3A_19 = arith.muli %scan3A_17, %mul3A_18 : i32
      %get3A = arith.index_cast %mul3A_19 : i32 to index
      %get3A_20 = tpu.vector_load %arg6[%get3A] {strides = array<i32>} : memref<192xi32, #tpu.memory_space<vmem>>, vector<16xi32>,
      %get3A_21 = vector.shape_cast %get3A_20 : vector<16xi32> to vector<16xi32>
      %mul3A_22 = arith.constant 304 : i32
      %mul3A_23 = vector.broadcast %mul3A_22 : i32 to vector<16xi32>
      %mul3A_24 = arith.muli %get3A_21, %mul3A_23 : vector<16xi32>
      %get3A_25 = arith.index_cast %mul3A_19 : i32 to index
      %get3A_26 = tpu.vector_load %arg5[%get3A_25] {strides = array<i32>} : memref<192xi32, #tpu.memory_space<vmem>>, vector<16xi32>,
      %get3A_27 = vector.shape_cast %get3A_26 : vector<16xi32> to vector<16xi32>
      %add3A = arith.addi %mul3A_24, %get3A_27 : vector<16xi32>
      %swap3A = arith.index_cast %mul3A_19 : i32 to index
      %swap3A_28 = tpu.vector_load %arg6[%swap3A] {strides = array<i32>} : memref<192xi32, #tpu.memory_space<vmem>>, vector<16xi32>,
      %swap3A_29 = vector.shape_cast %swap3A_28 : vector<16xi32> to vector<16xi32>
      %swap3A_30 = vector.shape_cast %add3A : vector<16xi32> to vector<16xi32>
      tpu.vector_store %arg6[%swap3A], %swap3A_30 {strides = array<i32>} : memref<192xi32, #tpu.memory_space<vmem>>, vector<16xi32>,
      %broadcast_in_dim3A = arith.constant 1.000000e+00 : f32
      %broadcast_in_dim3A_31 = vector.broadcast %broadcast_in_dim3A : f32 to vector<16xf32>
      %swap3A_32 = arith.index_cast %mul3A_19 : i32 to index
      %swap3A_33 = tpu.vector_load %arg7[%swap3A_32] {strides = array<i32>} : memref<192xf32, #tpu.memory_space<vmem>>, vector<16xf32>,
      %swap3A_34 = vector.shape_cast %swap3A_33 : vector<16xf32> to vector<16xf32>
      %swap3A_35 = vector.shape_cast %broadcast_in_dim3A_31 : vector<16xf32> to vector<16xf32>
      tpu.vector_store %arg7[%swap3A_32], %swap3A_35 {strides = array<i32>} : memref<192xf32, #tpu.memory_space<vmem>>, vector<16xf32>,
    }
    %scan3A_13 = arith.constant 12 : i32
    "tpu.region"() ({
      %run_scoped3A = tpu.sem_alloc : memref<!tpu.dma_semaphore, #tpu.memory_space<semaphore_mem>>
      %dma_start3A = arith.constant 0 : i32
      %dma_start3A_17 = tpu.memref_slice %arg9[%dma_start3A] : memref<92672xf32, #tpu.memory_space<vmem_shared>> -> memref<92672xf32, #tpu.memory_space<vmem_shared>>
      tpu.enqueue_indirect_dma source(%arg7 : memref<192xf32, #tpu.memory_space<vmem>>) target(%dma_start3A_17 : memref<92672xf32, #tpu.memory_space<vmem_shared>>) offsets(%arg6 : memref<192xi32, #tpu.memory_space<vmem>>) semaphore(%run_scoped3A : memref<!tpu.dma_semaphore, #tpu.memory_space<semaphore_mem>>) {add = true}
      %dma_wait3A = arith.constant 0 : i32
      %dma_wait3A_18 = tpu.memref_slice %arg9[%dma_wait3A] : memref<92672xf32, #tpu.memory_space<vmem_shared>> -> memref<92672xf32, #tpu.memory_space<vmem_shared>>
      tpu.wait_indirect_dma semaphore(%run_scoped3A : memref<!tpu.dma_semaphore, #tpu.memory_space<semaphore_mem>>) src(%arg7 : memref<192xf32, #tpu.memory_space<vmem>>) dst(%dma_wait3A_18 : memref<92672xf32, #tpu.memory_space<vmem_shared>>)
      tpu.yield
    }) : () -> ()
    %barrier3A_14 = arith.constant 0 : index
    tpu.barrier barrier_id(%barrier3A_14)
    %eq3A = arith.constant 0 : i32
    %eq3A_15 = arith.cmpi eq, %arg1, %eq3A : i32
    %convert_element_type3A = arith.extui %eq3A_15 : i1 to i32
    %cond3A = arith.constant 0 : i32
    %cond3A_16 = arith.cmpi ne, %convert_element_type3A, %cond3A : i32
    scf.if %cond3A_16 {
      "tpu.region"() ({
        %run_scoped3A = tpu.sem_alloc : memref<!tpu.dma_semaphore, #tpu.memory_space<semaphore_mem>>
        tpu.enqueue_dma source(%arg9 : memref<92672xf32, #tpu.memory_space<vmem_shared>>) target(%arg4 : memref<92672xf32, #tpu.memory_space<hbm>>) target_semaphore(%run_scoped3A : memref<!tpu.dma_semaphore, #tpu.memory_space<semaphore_mem>>)
        tpu.wait_dma2 semaphore(%run_scoped3A : memref<!tpu.dma_semaphore, #tpu.memory_space<semaphore_mem>>) src(%arg9 : memref<92672xf32, #tpu.memory_space<vmem_shared>>) dst(%arg4 : memref<92672xf32, #tpu.memory_space<hbm>>)
        tpu.yield
      }) : () -> ()
    } else {
    }
    return
  }
}

module attributes {stable_mosaic.version = 14 : i64} {
  func.func @_gat_body(%arg0: i32, %arg1: memref<1x304x128xf32, #tpu.memory_space<vmem>>, %arg2: memref<304x304xf32, #tpu.memory_space<vmem>>, %arg3: memref<128x128xf32, #tpu.memory_space<vmem>>, %arg4: memref<4x128xf32, #tpu.memory_space<vmem>>, %arg5: memref<4x128xf32, #tpu.memory_space<vmem>>, %arg6: memref<1x128xf32, #tpu.memory_space<vmem>>, %arg7: memref<128x64xf32, #tpu.memory_space<vmem>>, %arg8: memref<1x64xf32, #tpu.memory_space<vmem>>, %arg9: memref<1x64xf32, #tpu.memory_space<vmem>>, %arg10: memref<1x64xf32, #tpu.memory_space<vmem>>, %arg11: memref<64x14xf32, #tpu.memory_space<vmem>>, %arg12: memref<1x14xf32, #tpu.memory_space<vmem>>, %arg13: memref<1x304x14xf32, #tpu.memory_space<vmem>>) attributes {dimension_semantics = [#tpu.dimension_semantics<arbitrary>], iteration_bounds = array<i64: 16>, scalar_prefetch = 0 : i64, scratch_operands = 0 : i64, tpu.core_type = #tpu.core_type<tc>, window_params = [{transform_indices = @transform_0, window_bounds = array<i64: 1, 304, 128>}, {pipeline_mode = #tpu.pipeline_mode<synchronous>, transform_indices = @transform_1, window_bounds = array<i64: 304, 304>}, {pipeline_mode = #tpu.pipeline_mode<synchronous>, transform_indices = @transform_2, window_bounds = array<i64: 128, 128>}, {pipeline_mode = #tpu.pipeline_mode<synchronous>, transform_indices = @transform_3, window_bounds = array<i64: 4, 128>}, {pipeline_mode = #tpu.pipeline_mode<synchronous>, transform_indices = @transform_4, window_bounds = array<i64: 4, 128>}, {pipeline_mode = #tpu.pipeline_mode<synchronous>, transform_indices = @transform_5, window_bounds = array<i64: 1, 128>}, {pipeline_mode = #tpu.pipeline_mode<synchronous>, transform_indices = @transform_6, window_bounds = array<i64: 128, 64>}, {pipeline_mode = #tpu.pipeline_mode<synchronous>, transform_indices = @transform_7, window_bounds = array<i64: 1, 64>}, {pipeline_mode = #tpu.pipeline_mode<synchronous>, transform_indices = @transform_8, window_bounds = array<i64: 1, 64>}, {pipeline_mode = #tpu.pipeline_mode<synchronous>, transform_indices = @transform_9, window_bounds = array<i64: 1, 64>}, {pipeline_mode = #tpu.pipeline_mode<synchronous>, transform_indices = @transform_10, window_bounds = array<i64: 64, 14>}, {pipeline_mode = #tpu.pipeline_mode<synchronous>, transform_indices = @transform_11, window_bounds = array<i64: 1, 14>}, {transform_indices = @transform_12, window_bounds = array<i64: 1, 304, 14>}]} {
    %iota3A = tpu.iota {dimensions = array<i32: 0>} : vector<304x304xi32>
    %iota3A_0 = tpu.iota {dimensions = array<i32: 1>} : vector<304x304xi32>
    %get3A = arith.constant 0 : index
    %get3A_1 = arith.constant 0 : index
    %get3A_2 = vector.load %arg2[%get3A, %get3A_1] : memref<304x304xf32, #tpu.memory_space<vmem>>, vector<304x304xf32>
    %eq3A = arith.cmpi eq, %iota3A, %iota3A_0 : vector<304x304xi32>
    %jit3A = arith.constant 1.000000e+00 : f32
    %jit3A_3 = arith.constant 0.000000e+00 : f32
    %broadcast_in_dim3A = vector.broadcast %jit3A : f32 to vector<304x304xf32>
    %broadcast_in_dim3A_4 = vector.broadcast %jit3A_3 : f32 to vector<304x304xf32>
    %select_n3A = arith.select %eq3A, %broadcast_in_dim3A, %broadcast_in_dim3A_4 : vector<304x304xi1>, vector<304x304xf32>
    %add3A = arith.addf %get3A_2, %select_n3A : vector<304x304xf32>
    %get3A_5 = arith.constant 0 : index
    %get3A_6 = arith.constant 0 : index
    %get3A_7 = arith.constant 0 : index
    %get3A_8 = vector.load %arg1[%get3A_5, %get3A_6, %get3A_7] : memref<1x304x128xf32, #tpu.memory_space<vmem>>, vector<1x304x128xf32>
    %get3A_9 = vector.shape_cast %get3A_8 : vector<1x304x128xf32> to vector<304x128xf32>
    %get3A_10 = arith.constant 0 : index
    %get3A_11 = arith.constant 0 : index
    %get3A_12 = vector.load %arg3[%get3A_10, %get3A_11] : memref<128x128xf32, #tpu.memory_space<vmem>>, vector<128x128xf32>
    %convert_element_type3A = arith.truncf %get3A_9 : vector<304x128xf32> to vector<304x128xbf16>
    %convert_element_type3A_13 = arith.truncf %get3A_12 : vector<128x128xf32> to vector<128x128xbf16>
    %dot_general3A = arith.constant dense<0.000000e+00> : vector<304x128xf32>
    %dot_general3A_14 = tpu.matmul %convert_element_type3A, %convert_element_type3A_13, %dot_general3A {dimension_numbers = #tpu.dot_dimension_numbers<[1], [0], [0], [1], [0, 0, 1, 1], [], []>, transpose_lhs_hint = false} : vector<304x128xbf16>, vector<128x128xbf16>, vector<304x128xf32> -> vector<304x128xf32>
    %get3A_15 = arith.constant 0 : index
    %get3A_16 = arith.constant 0 : index
    %get3A_17 = vector.load %arg5[%get3A_15, %get3A_16] : memref<4x128xf32, #tpu.memory_space<vmem>>, vector<4x128xf32>
    %dot_general3A_18 = arith.constant dense<0.000000e+00> : vector<304x4xf32>
    %dot_general3A_19 = tpu.matmul %dot_general3A_14, %get3A_17, %dot_general3A_18 {dimension_numbers = #tpu.dot_dimension_numbers<[1], [1], [0], [0], [0, 0, 1, 0], [], []>, transpose_lhs_hint = false} : vector<304x128xf32>, vector<4x128xf32>, vector<304x4xf32> -> vector<304x4xf32>
    %get3A_20 = arith.constant 0 : index
    %get3A_21 = arith.constant 0 : index
    %get3A_22 = vector.load %arg4[%get3A_20, %get3A_21] : memref<4x128xf32, #tpu.memory_space<vmem>>, vector<4x128xf32>
    %dot_general3A_23 = arith.constant dense<0.000000e+00> : vector<4x304xf32>
    %dot_general3A_24 = tpu.matmul %get3A_22, %dot_general3A_14, %dot_general3A_23 {dimension_numbers = #tpu.dot_dimension_numbers<[1], [1], [0], [0], [0, 0, 1, 0], [], []>, transpose_lhs_hint = false} : vector<4x128xf32>, vector<304x128xf32>, vector<4x304xf32> -> vector<4x304xf32>
    %slice3A = vector.extract_strided_slice %dot_general3A_14 {offsets = [0, 0], sizes = [304, 32], strides = [1, 1]} : vector<304x128xf32> to vector<304x32xf32>
    %slice3A_25 = vector.extract_strided_slice %dot_general3A_24 {offsets = [0, 0], sizes = [1, 304], strides = [1, 1]} : vector<4x304xf32> to vector<1x304xf32>
    %slice3A_26 = vector.extract_strided_slice %dot_general3A_19 {offsets = [0, 0], sizes = [304, 1], strides = [1, 1]} : vector<304x4xf32> to vector<304x1xf32>
    %add3A_27 = vector.broadcast %slice3A_26 : vector<304x1xf32> to vector<304x304xf32>
    %add3A_28 = vector.broadcast %slice3A_25 : vector<1x304xf32> to vector<304x304xf32>
    %add3A_29 = arith.addf %add3A_27, %add3A_28 : vector<304x304xf32>
    %mul3A = arith.constant 2.000000e-01 : f32
    %mul3A_30 = vector.broadcast %mul3A : f32 to vector<304x304xf32>
    %mul3A_31 = arith.mulf %mul3A_30, %add3A_29 : vector<304x304xf32>
    %max3A = arith.maximumf %add3A_29, %mul3A_31 : vector<304x304xf32>
    %exp3A = math.exp %max3A : vector<304x304xf32>
    %mul3A_32 = arith.mulf %add3A, %exp3A : vector<304x304xf32>
    %convert_element_type3A_33 = arith.truncf %mul3A_32 : vector<304x304xf32> to vector<304x304xbf16>
    %convert_element_type3A_34 = arith.truncf %slice3A : vector<304x32xf32> to vector<304x32xbf16>
    %dot_general3A_35 = arith.constant dense<0.000000e+00> : vector<304x32xf32>
    %dot_general3A_36 = tpu.matmul %convert_element_type3A_33, %convert_element_type3A_34, %dot_general3A_35 {dimension_numbers = #tpu.dot_dimension_numbers<[1], [0], [0], [1], [0, 0, 1, 1], [], []>, transpose_lhs_hint = false} : vector<304x304xbf16>, vector<304x32xbf16>, vector<304x32xf32> -> vector<304x32xf32>
    %reduce_sum3A = arith.constant dense<0.000000e+00> : vector<304xf32>
    %reduce_sum3A_37 = vector.multi_reduction <add>, %mul3A_32, %reduce_sum3A [1] : vector<304x304xf32> to vector<304xf32>
    %broadcast_in_dim3A_38 = vector.shape_cast %reduce_sum3A_37 : vector<304xf32> to vector<304x1xf32>
    %add3A_39 = arith.constant 1.000000e-16 : f32
    %add3A_40 = vector.broadcast %add3A_39 : f32 to vector<304x1xf32>
    %add3A_41 = arith.addf %broadcast_in_dim3A_38, %add3A_40 : vector<304x1xf32>
    %div3A = vector.broadcast %add3A_41 : vector<304x1xf32> to vector<304x32xf32>
    %div3A_42 = arith.divf %dot_general3A_36, %div3A : vector<304x32xf32>
    %slice3A_43 = vector.extract_strided_slice %dot_general3A_14 {offsets = [0, 32], sizes = [304, 32], strides = [1, 1]} : vector<304x128xf32> to vector<304x32xf32>
    %slice3A_44 = vector.extract_strided_slice %dot_general3A_24 {offsets = [1, 0], sizes = [1, 304], strides = [1, 1]} : vector<4x304xf32> to vector<1x304xf32>
    %slice3A_45 = vector.extract_strided_slice %dot_general3A_19 {offsets = [0, 1], sizes = [304, 1], strides = [1, 1]} : vector<304x4xf32> to vector<304x1xf32>
    %add3A_46 = vector.broadcast %slice3A_45 : vector<304x1xf32> to vector<304x304xf32>
    %add3A_47 = vector.broadcast %slice3A_44 : vector<1x304xf32> to vector<304x304xf32>
    %add3A_48 = arith.addf %add3A_46, %add3A_47 : vector<304x304xf32>
    %mul3A_49 = arith.constant 2.000000e-01 : f32
    %mul3A_50 = vector.broadcast %mul3A_49 : f32 to vector<304x304xf32>
    %mul3A_51 = arith.mulf %mul3A_50, %add3A_48 : vector<304x304xf32>
    %max3A_52 = arith.maximumf %add3A_48, %mul3A_51 : vector<304x304xf32>
    %exp3A_53 = math.exp %max3A_52 : vector<304x304xf32>
    %mul3A_54 = arith.mulf %add3A, %exp3A_53 : vector<304x304xf32>
    %convert_element_type3A_55 = arith.truncf %mul3A_54 : vector<304x304xf32> to vector<304x304xbf16>
    %convert_element_type3A_56 = arith.truncf %slice3A_43 : vector<304x32xf32> to vector<304x32xbf16>
    %dot_general3A_57 = arith.constant dense<0.000000e+00> : vector<304x32xf32>
    %dot_general3A_58 = tpu.matmul %convert_element_type3A_55, %convert_element_type3A_56, %dot_general3A_57 {dimension_numbers = #tpu.dot_dimension_numbers<[1], [0], [0], [1], [0, 0, 1, 1], [], []>, transpose_lhs_hint = false} : vector<304x304xbf16>, vector<304x32xbf16>, vector<304x32xf32> -> vector<304x32xf32>
    %reduce_sum3A_59 = arith.constant dense<0.000000e+00> : vector<304xf32>
    %reduce_sum3A_60 = vector.multi_reduction <add>, %mul3A_54, %reduce_sum3A_59 [1] : vector<304x304xf32> to vector<304xf32>
    %broadcast_in_dim3A_61 = vector.shape_cast %reduce_sum3A_60 : vector<304xf32> to vector<304x1xf32>
    %add3A_62 = arith.constant 1.000000e-16 : f32
    %add3A_63 = vector.broadcast %add3A_62 : f32 to vector<304x1xf32>
    %add3A_64 = arith.addf %broadcast_in_dim3A_61, %add3A_63 : vector<304x1xf32>
    %div3A_65 = vector.broadcast %add3A_64 : vector<304x1xf32> to vector<304x32xf32>
    %div3A_66 = arith.divf %dot_general3A_58, %div3A_65 : vector<304x32xf32>
    %slice3A_67 = vector.extract_strided_slice %dot_general3A_14 {offsets = [0, 64], sizes = [304, 32], strides = [1, 1]} : vector<304x128xf32> to vector<304x32xf32>
    %slice3A_68 = vector.extract_strided_slice %dot_general3A_24 {offsets = [2, 0], sizes = [1, 304], strides = [1, 1]} : vector<4x304xf32> to vector<1x304xf32>
    %slice3A_69 = vector.extract_strided_slice %dot_general3A_19 {offsets = [0, 2], sizes = [304, 1], strides = [1, 1]} : vector<304x4xf32> to vector<304x1xf32>
    %add3A_70 = vector.broadcast %slice3A_69 : vector<304x1xf32> to vector<304x304xf32>
    %add3A_71 = vector.broadcast %slice3A_68 : vector<1x304xf32> to vector<304x304xf32>
    %add3A_72 = arith.addf %add3A_70, %add3A_71 : vector<304x304xf32>
    %mul3A_73 = arith.constant 2.000000e-01 : f32
    %mul3A_74 = vector.broadcast %mul3A_73 : f32 to vector<304x304xf32>
    %mul3A_75 = arith.mulf %mul3A_74, %add3A_72 : vector<304x304xf32>
    %max3A_76 = arith.maximumf %add3A_72, %mul3A_75 : vector<304x304xf32>
    %exp3A_77 = math.exp %max3A_76 : vector<304x304xf32>
    %mul3A_78 = arith.mulf %add3A, %exp3A_77 : vector<304x304xf32>
    %convert_element_type3A_79 = arith.truncf %mul3A_78 : vector<304x304xf32> to vector<304x304xbf16>
    %convert_element_type3A_80 = arith.truncf %slice3A_67 : vector<304x32xf32> to vector<304x32xbf16>
    %dot_general3A_81 = arith.constant dense<0.000000e+00> : vector<304x32xf32>
    %dot_general3A_82 = tpu.matmul %convert_element_type3A_79, %convert_element_type3A_80, %dot_general3A_81 {dimension_numbers = #tpu.dot_dimension_numbers<[1], [0], [0], [1], [0, 0, 1, 1], [], []>, transpose_lhs_hint = false} : vector<304x304xbf16>, vector<304x32xbf16>, vector<304x32xf32> -> vector<304x32xf32>
    %reduce_sum3A_83 = arith.constant dense<0.000000e+00> : vector<304xf32>
    %reduce_sum3A_84 = vector.multi_reduction <add>, %mul3A_78, %reduce_sum3A_83 [1] : vector<304x304xf32> to vector<304xf32>
    %broadcast_in_dim3A_85 = vector.shape_cast %reduce_sum3A_84 : vector<304xf32> to vector<304x1xf32>
    %add3A_86 = arith.constant 1.000000e-16 : f32
    %add3A_87 = vector.broadcast %add3A_86 : f32 to vector<304x1xf32>
    %add3A_88 = arith.addf %broadcast_in_dim3A_85, %add3A_87 : vector<304x1xf32>
    %div3A_89 = vector.broadcast %add3A_88 : vector<304x1xf32> to vector<304x32xf32>
    %div3A_90 = arith.divf %dot_general3A_82, %div3A_89 : vector<304x32xf32>
    %slice3A_91 = vector.extract_strided_slice %dot_general3A_14 {offsets = [0, 96], sizes = [304, 32], strides = [1, 1]} : vector<304x128xf32> to vector<304x32xf32>
    %slice3A_92 = vector.extract_strided_slice %dot_general3A_24 {offsets = [3, 0], sizes = [1, 304], strides = [1, 1]} : vector<4x304xf32> to vector<1x304xf32>
    %slice3A_93 = vector.extract_strided_slice %dot_general3A_19 {offsets = [0, 3], sizes = [304, 1], strides = [1, 1]} : vector<304x4xf32> to vector<304x1xf32>
    %add3A_94 = vector.broadcast %slice3A_93 : vector<304x1xf32> to vector<304x304xf32>
    %add3A_95 = vector.broadcast %slice3A_92 : vector<1x304xf32> to vector<304x304xf32>
    %add3A_96 = arith.addf %add3A_94, %add3A_95 : vector<304x304xf32>
    %mul3A_97 = arith.constant 2.000000e-01 : f32
    %mul3A_98 = vector.broadcast %mul3A_97 : f32 to vector<304x304xf32>
    %mul3A_99 = arith.mulf %mul3A_98, %add3A_96 : vector<304x304xf32>
    %max3A_100 = arith.maximumf %add3A_96, %mul3A_99 : vector<304x304xf32>
    %exp3A_101 = math.exp %max3A_100 : vector<304x304xf32>
    %mul3A_102 = arith.mulf %add3A, %exp3A_101 : vector<304x304xf32>
    %convert_element_type3A_103 = arith.truncf %mul3A_102 : vector<304x304xf32> to vector<304x304xbf16>
    %convert_element_type3A_104 = arith.truncf %slice3A_91 : vector<304x32xf32> to vector<304x32xbf16>
    %dot_general3A_105 = arith.constant dense<0.000000e+00> : vector<304x32xf32>
    %dot_general3A_106 = tpu.matmul %convert_element_type3A_103, %convert_element_type3A_104, %dot_general3A_105 {dimension_numbers = #tpu.dot_dimension_numbers<[1], [0], [0], [1], [0, 0, 1, 1], [], []>, transpose_lhs_hint = false} : vector<304x304xbf16>, vector<304x32xbf16>, vector<304x32xf32> -> vector<304x32xf32>
    %reduce_sum3A_107 = arith.constant dense<0.000000e+00> : vector<304xf32>
    %reduce_sum3A_108 = vector.multi_reduction <add>, %mul3A_102, %reduce_sum3A_107 [1] : vector<304x304xf32> to vector<304xf32>
    %broadcast_in_dim3A_109 = vector.shape_cast %reduce_sum3A_108 : vector<304xf32> to vector<304x1xf32>
    %add3A_110 = arith.constant 1.000000e-16 : f32
    %add3A_111 = vector.broadcast %add3A_110 : f32 to vector<304x1xf32>
    %add3A_112 = arith.addf %broadcast_in_dim3A_109, %add3A_111 : vector<304x1xf32>
    %div3A_113 = vector.broadcast %add3A_112 : vector<304x1xf32> to vector<304x32xf32>
    %div3A_114 = arith.divf %dot_general3A_106, %div3A_113 : vector<304x32xf32>
    %concatenate3A = tpu.concatenate %div3A_42, %div3A_66, %div3A_90, %div3A_114 in 1 : vector<304x32xf32>, vector<304x32xf32>, vector<304x32xf32>, vector<304x32xf32> -> vector<304x128xf32>
    %get3A_115 = arith.constant 0 : index
    %get3A_116 = arith.constant 0 : index
    %get3A_117 = vector.load %arg6[%get3A_115, %get3A_116] : memref<1x128xf32, #tpu.memory_space<vmem>>, vector<1x128xf32>
    %add3A_118 = vector.broadcast %get3A_117 : vector<1x128xf32> to vector<304x128xf32>
    %add3A_119 = arith.addf %concatenate3A, %add3A_118 : vector<304x128xf32>
    %gt3A = arith.constant 0.000000e+00 : f32
    %gt3A_120 = vector.broadcast %gt3A : f32 to vector<304x128xf32>
    %gt3A_121 = arith.cmpf ogt, %add3A_119, %gt3A_120 : vector<304x128xf32>
    %exp3A_122 = math.exp %add3A_119 : vector<304x128xf32>
    %sub3A = arith.constant 1.000000e+00 : f32
    %sub3A_123 = vector.broadcast %sub3A : f32 to vector<304x128xf32>
    %sub3A_124 = arith.subf %exp3A_122, %sub3A_123 : vector<304x128xf32>
    %select_n3A_125 = arith.select %gt3A_121, %add3A_119, %sub3A_124 : vector<304x128xi1>, vector<304x128xf32>
    %get3A_126 = arith.constant 0 : index
    %get3A_127 = arith.constant 0 : index
    %get3A_128 = vector.load %arg7[%get3A_126, %get3A_127] : memref<128x64xf32, #tpu.memory_space<vmem>>, vector<128x64xf32>
    %convert_element_type3A_129 = arith.truncf %select_n3A_125 : vector<304x128xf32> to vector<304x128xbf16>
    %convert_element_type3A_130 = arith.truncf %get3A_128 : vector<128x64xf32> to vector<128x64xbf16>
    %dot_general3A_131 = arith.constant dense<0.000000e+00> : vector<304x64xf32>
    %dot_general3A_132 = tpu.matmul %convert_element_type3A_129, %convert_element_type3A_130, %dot_general3A_131 {dimension_numbers = #tpu.dot_dimension_numbers<[1], [0], [0], [1], [0, 0, 1, 1], [], []>, transpose_lhs_hint = false} : vector<304x128xbf16>, vector<128x64xbf16>, vector<304x64xf32> -> vector<304x64xf32>
    %get3A_133 = arith.constant 0 : index
    %get3A_134 = arith.constant 0 : index
    %get3A_135 = vector.load %arg8[%get3A_133, %get3A_134] : memref<1x64xf32, #tpu.memory_space<vmem>>, vector<1x64xf32>
    %dot_general3A_136 = arith.constant dense<0.000000e+00> : vector<1x304xf32>
    %dot_general3A_137 = tpu.matmul %get3A_135, %dot_general3A_132, %dot_general3A_136 {dimension_numbers = #tpu.dot_dimension_numbers<[1], [1], [0], [0], [0, 0, 1, 0], [], []>, transpose_lhs_hint = false} : vector<1x64xf32>, vector<304x64xf32>, vector<1x304xf32> -> vector<1x304xf32>
    %get3A_138 = arith.constant 0 : index
    %get3A_139 = arith.constant 0 : index
    %get3A_140 = vector.load %arg9[%get3A_138, %get3A_139] : memref<1x64xf32, #tpu.memory_space<vmem>>, vector<1x64xf32>
    %dot_general3A_141 = arith.constant dense<0.000000e+00> : vector<304x1xf32>
    %dot_general3A_142 = tpu.matmul %dot_general3A_132, %get3A_140, %dot_general3A_141 {dimension_numbers = #tpu.dot_dimension_numbers<[1], [1], [0], [0], [0, 0, 1, 0], [], []>, transpose_lhs_hint = false} : vector<304x64xf32>, vector<1x64xf32>, vector<304x1xf32> -> vector<304x1xf32>
    %add3A_143 = vector.broadcast %dot_general3A_142 : vector<304x1xf32> to vector<304x304xf32>
    %add3A_144 = vector.broadcast %dot_general3A_137 : vector<1x304xf32> to vector<304x304xf32>
    %add3A_145 = arith.addf %add3A_143, %add3A_144 : vector<304x304xf32>
    %mul3A_146 = arith.constant 2.000000e-01 : f32
    %mul3A_147 = vector.broadcast %mul3A_146 : f32 to vector<304x304xf32>
    %mul3A_148 = arith.mulf %mul3A_147, %add3A_145 : vector<304x304xf32>
    %max3A_149 = arith.maximumf %add3A_145, %mul3A_148 : vector<304x304xf32>
    %exp3A_150 = math.exp %max3A_149 : vector<304x304xf32>
    %mul3A_151 = arith.mulf %add3A, %exp3A_150 : vector<304x304xf32>
    %convert_element_type3A_152 = arith.truncf %mul3A_151 : vector<304x304xf32> to vector<304x304xbf16>
    %convert_element_type3A_153 = arith.truncf %dot_general3A_132 : vector<304x64xf32> to vector<304x64xbf16>
    %dot_general3A_154 = arith.constant dense<0.000000e+00> : vector<304x64xf32>
    %dot_general3A_155 = tpu.matmul %convert_element_type3A_152, %convert_element_type3A_153, %dot_general3A_154 {dimension_numbers = #tpu.dot_dimension_numbers<[1], [0], [0], [1], [0, 0, 1, 1], [], []>, transpose_lhs_hint = false} : vector<304x304xbf16>, vector<304x64xbf16>, vector<304x64xf32> -> vector<304x64xf32>
    %reduce_sum3A_156 = arith.constant dense<0.000000e+00> : vector<304xf32>
    %reduce_sum3A_157 = vector.multi_reduction <add>, %mul3A_151, %reduce_sum3A_156 [1] : vector<304x304xf32> to vector<304xf32>
    %broadcast_in_dim3A_158 = vector.shape_cast %reduce_sum3A_157 : vector<304xf32> to vector<304x1xf32>
    %add3A_159 = arith.constant 1.000000e-16 : f32
    %add3A_160 = vector.broadcast %add3A_159 : f32 to vector<304x1xf32>
    %add3A_161 = arith.addf %broadcast_in_dim3A_158, %add3A_160 : vector<304x1xf32>
    %div3A_162 = vector.broadcast %add3A_161 : vector<304x1xf32> to vector<304x64xf32>
    %div3A_163 = arith.divf %dot_general3A_155, %div3A_162 : vector<304x64xf32>
    %get3A_164 = arith.constant 0 : index
    %get3A_165 = arith.constant 0 : index
    %get3A_166 = vector.load %arg10[%get3A_164, %get3A_165] : memref<1x64xf32, #tpu.memory_space<vmem>>, vector<1x64xf32>
    %add3A_167 = vector.broadcast %get3A_166 : vector<1x64xf32> to vector<304x64xf32>
    %add3A_168 = arith.addf %div3A_163, %add3A_167 : vector<304x64xf32>
    %get3A_169 = arith.constant 0 : index
    %get3A_170 = arith.constant 0 : index
    %get3A_171 = vector.load %arg11[%get3A_169, %get3A_170] : memref<64x14xf32, #tpu.memory_space<vmem>>, vector<64x14xf32>
    %convert_element_type3A_172 = arith.truncf %add3A_168 : vector<304x64xf32> to vector<304x64xbf16>
    %convert_element_type3A_173 = arith.truncf %get3A_171 : vector<64x14xf32> to vector<64x14xbf16>
    %dot_general3A_174 = arith.constant dense<0.000000e+00> : vector<304x14xf32>
    %dot_general3A_175 = tpu.matmul %convert_element_type3A_172, %convert_element_type3A_173, %dot_general3A_174 {dimension_numbers = #tpu.dot_dimension_numbers<[1], [0], [0], [1], [0, 0, 1, 1], [], []>, transpose_lhs_hint = false} : vector<304x64xbf16>, vector<64x14xbf16>, vector<304x14xf32> -> vector<304x14xf32>
    %get3A_176 = arith.constant 0 : index
    %get3A_177 = arith.constant 0 : index
    %get3A_178 = vector.load %arg12[%get3A_176, %get3A_177] : memref<1x14xf32, #tpu.memory_space<vmem>>, vector<1x14xf32>
    %add3A_179 = vector.broadcast %get3A_178 : vector<1x14xf32> to vector<304x14xf32>
    %add3A_180 = arith.addf %dot_general3A_175, %add3A_179 : vector<304x14xf32>
    %swap3A = arith.constant 0 : index
    %swap3A_181 = arith.constant 0 : index
    %swap3A_182 = arith.constant 0 : index
    %swap3A_183 = vector.load %arg13[%swap3A, %swap3A_181, %swap3A_182] : memref<1x304x14xf32, #tpu.memory_space<vmem>>, vector<1x304x14xf32>
    %swap3A_184 = vector.shape_cast %swap3A_183 : vector<1x304x14xf32> to vector<304x14xf32>
    %swap3A_185 = vector.shape_cast %add3A_180 : vector<304x14xf32> to vector<1x304x14xf32>
    tpu.vector_store %arg13[%swap3A, %swap3A_181, %swap3A_182], %swap3A_185 {strides = array<i32>} : memref<1x304x14xf32, #tpu.memory_space<vmem>>, vector<1x304x14xf32>,
    return
  }
  func.func @transform_0(%arg0: i32) -> (i32, i32, i32) {
    %c0_i32 = arith.constant 0 : i32
    %c0_i32_0 = arith.constant 0 : i32
    %c0_i32_1 = arith.constant 0 : i32
    return %arg0, %c0_i32, %c0_i32_0 : i32, i32, i32
  }
  func.func @transform_1(%arg0: i32) -> (i32, i32) {
    %c0_i32 = arith.constant 0 : i32
    %c0_i32_0 = arith.constant 0 : i32
    %c0_i32_1 = arith.constant 0 : i32
    return %c0_i32, %c0_i32_0 : i32, i32
  }
  func.func @transform_2(%arg0: i32) -> (i32, i32) {
    %c0_i32 = arith.constant 0 : i32
    %c0_i32_0 = arith.constant 0 : i32
    %c0_i32_1 = arith.constant 0 : i32
    return %c0_i32, %c0_i32_0 : i32, i32
  }
  func.func @transform_3(%arg0: i32) -> (i32, i32) {
    %c0_i32 = arith.constant 0 : i32
    %c0_i32_0 = arith.constant 0 : i32
    %c0_i32_1 = arith.constant 0 : i32
    return %c0_i32, %c0_i32_0 : i32, i32
  }
  func.func @transform_4(%arg0: i32) -> (i32, i32) {
    %c0_i32 = arith.constant 0 : i32
    %c0_i32_0 = arith.constant 0 : i32
    %c0_i32_1 = arith.constant 0 : i32
    return %c0_i32, %c0_i32_0 : i32, i32
  }
  func.func @transform_5(%arg0: i32) -> (i32, i32) {
    %c0_i32 = arith.constant 0 : i32
    %c0_i32_0 = arith.constant 0 : i32
    %c0_i32_1 = arith.constant 0 : i32
    return %c0_i32, %c0_i32_0 : i32, i32
  }
  func.func @transform_6(%arg0: i32) -> (i32, i32) {
    %c0_i32 = arith.constant 0 : i32
    %c0_i32_0 = arith.constant 0 : i32
    %c0_i32_1 = arith.constant 0 : i32
    return %c0_i32, %c0_i32_0 : i32, i32
  }
  func.func @transform_7(%arg0: i32) -> (i32, i32) {
    %c0_i32 = arith.constant 0 : i32
    %c0_i32_0 = arith.constant 0 : i32
    %c0_i32_1 = arith.constant 0 : i32
    return %c0_i32, %c0_i32_0 : i32, i32
  }
  func.func @transform_8(%arg0: i32) -> (i32, i32) {
    %c0_i32 = arith.constant 0 : i32
    %c0_i32_0 = arith.constant 0 : i32
    %c0_i32_1 = arith.constant 0 : i32
    return %c0_i32, %c0_i32_0 : i32, i32
  }
  func.func @transform_9(%arg0: i32) -> (i32, i32) {
    %c0_i32 = arith.constant 0 : i32
    %c0_i32_0 = arith.constant 0 : i32
    %c0_i32_1 = arith.constant 0 : i32
    return %c0_i32, %c0_i32_0 : i32, i32
  }
  func.func @transform_10(%arg0: i32) -> (i32, i32) {
    %c0_i32 = arith.constant 0 : i32
    %c0_i32_0 = arith.constant 0 : i32
    %c0_i32_1 = arith.constant 0 : i32
    return %c0_i32, %c0_i32_0 : i32, i32
  }
  func.func @transform_11(%arg0: i32) -> (i32, i32) {
    %c0_i32 = arith.constant 0 : i32
    %c0_i32_0 = arith.constant 0 : i32
    %c0_i32_1 = arith.constant 0 : i32
    return %c0_i32, %c0_i32_0 : i32, i32
  }
  func.func @transform_12(%arg0: i32) -> (i32, i32, i32) {
    %c0_i32 = arith.constant 0 : i32
    %c0_i32_0 = arith.constant 0 : i32
    %c0_i32_1 = arith.constant 0 : i32
    return %arg0, %c0_i32, %c0_i32_0 : i32, i32, i32
  }
}

module attributes {stable_mosaic.version = 14 : i64} {
  func.func @_enc_body(%arg0: i32, %arg1: memref<1x24x304x32xf32, #tpu.memory_space<vmem>>, %arg2: memref<32x384xf32, #tpu.memory_space<vmem>>, %arg3: memref<1x384xf32, #tpu.memory_space<vmem>>, %arg4: memref<128x128xf32, #tpu.memory_space<vmem>>, %arg5: memref<1x128xf32, #tpu.memory_space<vmem>>, %arg6: memref<32x128xf32, #tpu.memory_space<vmem>>, %arg7: memref<1x128xf32, #tpu.memory_space<vmem>>, %arg8: memref<128x256xf32, #tpu.memory_space<vmem>>, %arg9: memref<1x256xf32, #tpu.memory_space<vmem>>, %arg10: memref<128x128xf32, #tpu.memory_space<vmem>>, %arg11: memref<1x128xf32, #tpu.memory_space<vmem>>, %arg12: memref<128x128xf32, #tpu.memory_space<vmem>>, %arg13: memref<1x128xf32, #tpu.memory_space<vmem>>, %arg14: memref<1x128xf32, #tpu.memory_space<vmem>>, %arg15: memref<1x128xf32, #tpu.memory_space<vmem>>, %arg16: memref<128x256xf32, #tpu.memory_space<vmem>>, %arg17: memref<1x256xf32, #tpu.memory_space<vmem>>, %arg18: memref<256x128xf32, #tpu.memory_space<vmem>>, %arg19: memref<1x128xf32, #tpu.memory_space<vmem>>, %arg20: memref<1x304x128xf32, #tpu.memory_space<vmem>>, %arg21: memref<24x304x384xbf16, #tpu.memory_space<vmem>>, %arg22: memref<24x304x128xbf16, #tpu.memory_space<vmem>>, %arg23: memref<7296x256xf32, #tpu.memory_space<vmem>>, %arg24: memref<304x128xf32, #tpu.memory_space<vmem>>) attributes {dimension_semantics = [#tpu.dimension_semantics<arbitrary>], iteration_bounds = array<i64: 16>, scalar_prefetch = 0 : i64, scratch_operands = 4 : i64, tpu.core_type = #tpu.core_type<tc>, window_params = [{transform_indices = @transform_0, window_bounds = array<i64: 1, 24, 304, 32>}, {pipeline_mode = #tpu.pipeline_mode<synchronous>, transform_indices = @transform_1, window_bounds = array<i64: 32, 384>}, {pipeline_mode = #tpu.pipeline_mode<synchronous>, transform_indices = @transform_2, window_bounds = array<i64: 1, 384>}, {pipeline_mode = #tpu.pipeline_mode<synchronous>, transform_indices = @transform_3, window_bounds = array<i64: 128, 128>}, {pipeline_mode = #tpu.pipeline_mode<synchronous>, transform_indices = @transform_4, window_bounds = array<i64: 1, 128>}, {pipeline_mode = #tpu.pipeline_mode<synchronous>, transform_indices = @transform_5, window_bounds = array<i64: 32, 128>}, {pipeline_mode = #tpu.pipeline_mode<synchronous>, transform_indices = @transform_6, window_bounds = array<i64: 1, 128>}, {pipeline_mode = #tpu.pipeline_mode<synchronous>, transform_indices = @transform_7, window_bounds = array<i64: 128, 256>}, {pipeline_mode = #tpu.pipeline_mode<synchronous>, transform_indices = @transform_8, window_bounds = array<i64: 1, 256>}, {pipeline_mode = #tpu.pipeline_mode<synchronous>, transform_indices = @transform_9, window_bounds = array<i64: 128, 128>}, {pipeline_mode = #tpu.pipeline_mode<synchronous>, transform_indices = @transform_10, window_bounds = array<i64: 1, 128>}, {pipeline_mode = #tpu.pipeline_mode<synchronous>, transform_indices = @transform_11, window_bounds = array<i64: 128, 128>}, {pipeline_mode = #tpu.pipeline_mode<synchronous>, transform_indices = @transform_12, window_bounds = array<i64: 1, 128>}, {pipeline_mode = #tpu.pipeline_mode<synchronous>, transform_indices = @transform_13, window_bounds = array<i64: 1, 128>}, {pipeline_mode = #tpu.pipeline_mode<synchronous>, transform_indices = @transform_14, window_bounds = array<i64: 1, 128>}, {pipeline_mode = #tpu.pipeline_mode<synchronous>, transform_indices = @transform_15, window_bounds = array<i64: 128, 256>}, {pipeline_mode = #tpu.pipeline_mode<synchronous>, transform_indices = @transform_16, window_bounds = array<i64: 1, 256>}, {pipeline_mode = #tpu.pipeline_mode<synchronous>, transform_indices = @transform_17, window_bounds = array<i64: 256, 128>}, {pipeline_mode = #tpu.pipeline_mode<synchronous>, transform_indices = @transform_18, window_bounds = array<i64: 1, 128>}, {transform_indices = @transform_19, window_bounds = array<i64: 1, 304, 128>}]} {
    %iota3A = tpu.iota {dimensions = array<i32: 0>} : vector<304x304xi32>
    %iota3A_0 = tpu.iota {dimensions = array<i32: 1>} : vector<304x304xi32>
    %ge3A = arith.cmpi sge, %iota3A, %iota3A_0 : vector<304x304xi32>
    %get3A = arith.constant 0 : index
    %get3A_1 = arith.constant 0 : index
    %get3A_2 = arith.constant 0 : index
    %get3A_3 = arith.constant 0 : index
    %get3A_4 = vector.load %arg1[%get3A, %get3A_1, %get3A_2, %get3A_3] : memref<1x24x304x32xf32, #tpu.memory_space<vmem>>, vector<1x24x304x32xf32>
    %get3A_5 = vector.shape_cast %get3A_4 : vector<1x24x304x32xf32> to vector<24x304x32xf32>
    %reshape3A = vector.shape_cast %get3A_5 : vector<24x304x32xf32> to vector<7296x32xf32>
    %broadcast_in_dim3A = arith.constant 3.125000e-02 : f32
    %broadcast_in_dim3A_6 = vector.broadcast %broadcast_in_dim3A : f32 to vector<32x1xf32>
    %dot_general3A = arith.constant dense<0.000000e+00> : vector<7296x1xf32>
    %dot_general3A_7 = tpu.matmul %reshape3A, %broadcast_in_dim3A_6, %dot_general3A {dimension_numbers = #tpu.dot_dimension_numbers<[1], [0], [0], [1], [0, 0, 1, 1], [], []>, transpose_lhs_hint = false} : vector<7296x32xf32>, vector<32x1xf32>, vector<7296x1xf32> -> vector<7296x1xf32>
    %mul3A = arith.mulf %reshape3A, %reshape3A : vector<7296x32xf32>
    %dot_general3A_8 = arith.constant dense<0.000000e+00> : vector<7296x1xf32>
    %dot_general3A_9 = tpu.matmul %mul3A, %broadcast_in_dim3A_6, %dot_general3A_8 {dimension_numbers = #tpu.dot_dimension_numbers<[1], [0], [0], [1], [0, 0, 1, 1], [], []>, transpose_lhs_hint = false} : vector<7296x32xf32>, vector<32x1xf32>, vector<7296x1xf32> -> vector<7296x1xf32>
    %sub3A = vector.broadcast %dot_general3A_7 : vector<7296x1xf32> to vector<7296x32xf32>
    %sub3A_10 = arith.subf %reshape3A, %sub3A : vector<7296x32xf32>
    %mul3A_11 = arith.mulf %dot_general3A_7, %dot_general3A_7 : vector<7296x1xf32>
    %sub3A_12 = arith.subf %dot_general3A_9, %mul3A_11 : vector<7296x1xf32>
    %add3A = arith.constant 9.99999974E-6 : f32
    %add3A_13 = vector.broadcast %add3A : f32 to vector<7296x1xf32>
    %add3A_14 = arith.addf %sub3A_12, %add3A_13 : vector<7296x1xf32>
    %rsqrt3A = math.rsqrt %add3A_14 : vector<7296x1xf32>
    %mul3A_15 = vector.broadcast %rsqrt3A : vector<7296x1xf32> to vector<7296x32xf32>
    %mul3A_16 = arith.mulf %sub3A_10, %mul3A_15 : vector<7296x32xf32>
    %get3A_17 = arith.constant 0 : index
    %get3A_18 = arith.constant 0 : index
    %get3A_19 = vector.load %arg2[%get3A_17, %get3A_18] : memref<32x384xf32, #tpu.memory_space<vmem>>, vector<32x384xf32>
    %convert_element_type3A = arith.truncf %mul3A_16 : vector<7296x32xf32> to vector<7296x32xbf16>
    %convert_element_type3A_20 = arith.truncf %get3A_19 : vector<32x384xf32> to vector<32x384xbf16>
    %dot_general3A_21 = arith.constant dense<0.000000e+00> : vector<7296x384xf32>
    %dot_general3A_22 = tpu.matmul %convert_element_type3A, %convert_element_type3A_20, %dot_general3A_21 {dimension_numbers = #tpu.dot_dimension_numbers<[1], [0], [0], [1], [0, 0, 1, 1], [], []>, transpose_lhs_hint = false} : vector<7296x32xbf16>, vector<32x384xbf16>, vector<7296x384xf32> -> vector<7296x384xf32>
    %get3A_23 = arith.constant 0 : index
    %get3A_24 = arith.constant 0 : index
    %get3A_25 = vector.load %arg3[%get3A_23, %get3A_24] : memref<1x384xf32, #tpu.memory_space<vmem>>, vector<1x384xf32>
    %add3A_26 = vector.broadcast %get3A_25 : vector<1x384xf32> to vector<7296x384xf32>
    %add3A_27 = arith.addf %dot_general3A_22, %add3A_26 : vector<7296x384xf32>
    %convert_element_type3A_28 = arith.truncf %add3A_27 : vector<7296x384xf32> to vector<7296x384xbf16>
    %reshape3A_29 = vector.shape_cast %convert_element_type3A_28 : vector<7296x384xbf16> to vector<24x304x384xbf16>
    %swap3A = arith.constant 0 : index
    %swap3A_30 = arith.constant 0 : index
    %swap3A_31 = arith.constant 0 : index
    %swap3A_32 = vector.load %arg21[%swap3A, %swap3A_30, %swap3A_31] : memref<24x304x384xbf16, #tpu.memory_space<vmem>>, vector<24x304x384xbf16>
    tpu.vector_store %arg21[%swap3A, %swap3A_30, %swap3A_31], %reshape3A_29 {strides = array<i32>} : memref<24x304x384xbf16, #tpu.memory_space<vmem>>, vector<24x304x384xbf16>,
    %get3A_33 = arith.constant 0 : index
    %get3A_34 = arith.constant 0 : index
    %get3A_35 = arith.constant 0 : index
    %get3A_36 = vector.load %arg21[%get3A_33, %get3A_34, %get3A_35] : memref<24x304x384xbf16, #tpu.memory_space<vmem>>, vector<1x304x128xbf16>
    %get3A_37 = vector.shape_cast %get3A_36 : vector<1x304x128xbf16> to vector<304x128xbf16>
    %get3A_38 = arith.constant 0 : index
    %get3A_39 = arith.constant 0 : index
    %get3A_40 = arith.constant 128 : index
    %get3A_41 = vector.load %arg21[%get3A_38, %get3A_39, %get3A_40] : memref<24x304x384xbf16, #tpu.memory_space<vmem>>, vector<1x304x128xbf16>
    %get3A_42 = vector.shape_cast %get3A_41 : vector<1x304x128xbf16> to vector<304x128xbf16>
    %get3A_43 = arith.constant 0 : index
    %get3A_44 = arith.constant 0 : index
    %get3A_45 = arith.constant 256 : index
    %get3A_46 = vector.load %arg21[%get3A_43, %get3A_44, %get3A_45] : memref<24x304x384xbf16, #tpu.memory_space<vmem>>, vector<1x304x128xbf16>
    %get3A_47 = vector.shape_cast %get3A_46 : vector<1x304x128xbf16> to vector<304x128xbf16>
    %dot_general3A_48 = arith.constant dense<0.000000e+00> : vector<304x304xf32>
    %dot_general3A_49 = tpu.matmul %get3A_37, %get3A_42, %dot_general3A_48 {dimension_numbers = #tpu.dot_dimension_numbers<[1], [1], [0], [0], [0, 0, 1, 0], [], []>, transpose_lhs_hint = false} : vector<304x128xbf16>, vector<304x128xbf16>, vector<304x304xf32> -> vector<304x304xf32>
    %jit3A = arith.constant -1.000000e+30 : f32
    %broadcast_in_dim3A_50 = vector.broadcast %jit3A : f32 to vector<304x304xf32>
    %select_n3A = arith.select %ge3A, %dot_general3A_49, %broadcast_in_dim3A_50 : vector<304x304xi1>, vector<304x304xf32>
    %exp3A = math.exp %select_n3A : vector<304x304xf32>
    %convert_element_type3A_51 = arith.truncf %exp3A : vector<304x304xf32> to vector<304x304xbf16>
    %dot_general3A_52 = arith.constant dense<0.000000e+00> : vector<304x128xf32>
    %dot_general3A_53 = tpu.matmul %convert_element_type3A_51, %get3A_47, %dot_general3A_52 {dimension_numbers = #tpu.dot_dimension_numbers<[1], [0], [0], [1], [0, 0, 1, 1], [], []>, transpose_lhs_hint = false} : vector<304x304xbf16>, vector<304x128xbf16>, vector<304x128xf32> -> vector<304x128xf32>
    %reduce_sum3A = arith.constant dense<0.000000e+00> : vector<304xf32>
    %reduce_sum3A_54 = vector.multi_reduction <add>, %exp3A, %reduce_sum3A [1] : vector<304x304xf32> to vector<304xf32>
    %broadcast_in_dim3A_55 = vector.shape_cast %reduce_sum3A_54 : vector<304xf32> to vector<304x1xf32>
    %div3A = vector.broadcast %broadcast_in_dim3A_55 : vector<304x1xf32> to vector<304x128xf32>
    %div3A_56 = arith.divf %dot_general3A_53, %div3A : vector<304x128xf32>
    %convert_element_type3A_57 = arith.truncf %div3A_56 : vector<304x128xf32> to vector<304x128xbf16>
    %swap3A_58 = arith.constant 0 : index
    %swap3A_59 = arith.constant 0 : index
    %swap3A_60 = arith.constant 0 : index
    %swap3A_61 = vector.load %arg22[%swap3A_58, %swap3A_59, %swap3A_60] : memref<24x304x128xbf16, #tpu.memory_space<vmem>>, vector<1x304x128xbf16>
    %swap3A_62 = vector.shape_cast %swap3A_61 : vector<1x304x128xbf16> to vector<304x128xbf16>
    %swap3A_63 = vector.shape_cast %convert_element_type3A_57 : vector<304x128xbf16> to vector<1x304x128xbf16>
    tpu.vector_store %arg22[%swap3A_58, %swap3A_59, %swap3A_60], %swap3A_63 {strides = array<i32>} : memref<24x304x128xbf16, #tpu.memory_space<vmem>>, vector<1x304x128xbf16>,
    %get3A_64 = arith.constant 1 : index
    %get3A_65 = arith.constant 0 : index
    %get3A_66 = arith.constant 0 : index
    %get3A_67 = vector.load %arg21[%get3A_64, %get3A_65, %get3A_66] : memref<24x304x384xbf16, #tpu.memory_space<vmem>>, vector<1x304x128xbf16>
    %get3A_68 = vector.shape_cast %get3A_67 : vector<1x304x128xbf16> to vector<304x128xbf16>
    %get3A_69 = arith.constant 1 : index
    %get3A_70 = arith.constant 0 : index
    %get3A_71 = arith.constant 128 : index
    %get3A_72 = vector.load %arg21[%get3A_69, %get3A_70, %get3A_71] : memref<24x304x384xbf16, #tpu.memory_space<vmem>>, vector<1x304x128xbf16>
    %get3A_73 = vector.shape_cast %get3A_72 : vector<1x304x128xbf16> to vector<304x128xbf16>
    %get3A_74 = arith.constant 1 : index
    %get3A_75 = arith.constant 0 : index
    %get3A_76 = arith.constant 256 : index
    %get3A_77 = vector.load %arg21[%get3A_74, %get3A_75, %get3A_76] : memref<24x304x384xbf16, #tpu.memory_space<vmem>>, vector<1x304x128xbf16>
    %get3A_78 = vector.shape_cast %get3A_77 : vector<1x304x128xbf16> to vector<304x128xbf16>
    %dot_general3A_79 = arith.constant dense<0.000000e+00> : vector<304x304xf32>
    %dot_general3A_80 = tpu.matmul %get3A_68, %get3A_73, %dot_general3A_79 {dimension_numbers = #tpu.dot_dimension_numbers<[1], [1], [0], [0], [0, 0, 1, 0], [], []>, transpose_lhs_hint = false} : vector<304x128xbf16>, vector<304x128xbf16>, vector<304x304xf32> -> vector<304x304xf32>
    %jit3A_81 = arith.constant -1.000000e+30 : f32
    %broadcast_in_dim3A_82 = vector.broadcast %jit3A_81 : f32 to vector<304x304xf32>
    %select_n3A_83 = arith.select %ge3A, %dot_general3A_80, %broadcast_in_dim3A_82 : vector<304x304xi1>, vector<304x304xf32>
    %exp3A_84 = math.exp %select_n3A_83 : vector<304x304xf32>
    %convert_element_type3A_85 = arith.truncf %exp3A_84 : vector<304x304xf32> to vector<304x304xbf16>
    %dot_general3A_86 = arith.constant dense<0.000000e+00> : vector<304x128xf32>
    %dot_general3A_87 = tpu.matmul %convert_element_type3A_85, %get3A_78, %dot_general3A_86 {dimension_numbers = #tpu.dot_dimension_numbers<[1], [0], [0], [1], [0, 0, 1, 1], [], []>, transpose_lhs_hint = false} : vector<304x304xbf16>, vector<304x128xbf16>, vector<304x128xf32> -> vector<304x128xf32>
    %reduce_sum3A_88 = arith.constant dense<0.000000e+00> : vector<304xf32>
    %reduce_sum3A_89 = vector.multi_reduction <add>, %exp3A_84, %reduce_sum3A_88 [1] : vector<304x304xf32> to vector<304xf32>
    %broadcast_in_dim3A_90 = vector.shape_cast %reduce_sum3A_89 : vector<304xf32> to vector<304x1xf32>
    %div3A_91 = vector.broadcast %broadcast_in_dim3A_90 : vector<304x1xf32> to vector<304x128xf32>
    %div3A_92 = arith.divf %dot_general3A_87, %div3A_91 : vector<304x128xf32>
    %convert_element_type3A_93 = arith.truncf %div3A_92 : vector<304x128xf32> to vector<304x128xbf16>
    %swap3A_94 = arith.constant 1 : index
    %swap3A_95 = arith.constant 0 : index
    %swap3A_96 = arith.constant 0 : index
    %swap3A_97 = vector.load %arg22[%swap3A_94, %swap3A_95, %swap3A_96] : memref<24x304x128xbf16, #tpu.memory_space<vmem>>, vector<1x304x128xbf16>
    %swap3A_98 = vector.shape_cast %swap3A_97 : vector<1x304x128xbf16> to vector<304x128xbf16>
    %swap3A_99 = vector.shape_cast %convert_element_type3A_93 : vector<304x128xbf16> to vector<1x304x128xbf16>
    tpu.vector_store %arg22[%swap3A_94, %swap3A_95, %swap3A_96], %swap3A_99 {strides = array<i32>} : memref<24x304x128xbf16, #tpu.memory_space<vmem>>, vector<1x304x128xbf16>,
    %get3A_100 = arith.constant 2 : index
    %get3A_101 = arith.constant 0 : index
    %get3A_102 = arith.constant 0 : index
    %get3A_103 = vector.load %arg21[%get3A_100, %get3A_101, %get3A_102] : memref<24x304x384xbf16, #tpu.memory_space<vmem>>, vector<1x304x128xbf16>
    %get3A_104 = vector.shape_cast %get3A_103 : vector<1x304x128xbf16> to vector<304x128xbf16>
    %get3A_105 = arith.constant 2 : index
    %get3A_106 = arith.constant 0 : index
    %get3A_107 = arith.constant 128 : index
    %get3A_108 = vector.load %arg21[%get3A_105, %get3A_106, %get3A_107] : memref<24x304x384xbf16, #tpu.memory_space<vmem>>, vector<1x304x128xbf16>
    %get3A_109 = vector.shape_cast %get3A_108 : vector<1x304x128xbf16> to vector<304x128xbf16>
    %get3A_110 = arith.constant 2 : index
    %get3A_111 = arith.constant 0 : index
    %get3A_112 = arith.constant 256 : index
    %get3A_113 = vector.load %arg21[%get3A_110, %get3A_111, %get3A_112] : memref<24x304x384xbf16, #tpu.memory_space<vmem>>, vector<1x304x128xbf16>
    %get3A_114 = vector.shape_cast %get3A_113 : vector<1x304x128xbf16> to vector<304x128xbf16>
    %dot_general3A_115 = arith.constant dense<0.000000e+00> : vector<304x304xf32>
    %dot_general3A_116 = tpu.matmul %get3A_104, %get3A_109, %dot_general3A_115 {dimension_numbers = #tpu.dot_dimension_numbers<[1], [1], [0], [0], [0, 0, 1, 0], [], []>, transpose_lhs_hint = false} : vector<304x128xbf16>, vector<304x128xbf16>, vector<304x304xf32> -> vector<304x304xf32>
    %jit3A_117 = arith.constant -1.000000e+30 : f32
    %broadcast_in_dim3A_118 = vector.broadcast %jit3A_117 : f32 to vector<304x304xf32>
    %select_n3A_119 = arith.select %ge3A, %dot_general3A_116, %broadcast_in_dim3A_118 : vector<304x304xi1>, vector<304x304xf32>
    %exp3A_120 = math.exp %select_n3A_119 : vector<304x304xf32>
    %convert_element_type3A_121 = arith.truncf %exp3A_120 : vector<304x304xf32> to vector<304x304xbf16>
    %dot_general3A_122 = arith.constant dense<0.000000e+00> : vector<304x128xf32>
    %dot_general3A_123 = tpu.matmul %convert_element_type3A_121, %get3A_114, %dot_general3A_122 {dimension_numbers = #tpu.dot_dimension_numbers<[1], [0], [0], [1], [0, 0, 1, 1], [], []>, transpose_lhs_hint = false} : vector<304x304xbf16>, vector<304x128xbf16>, vector<304x128xf32> -> vector<304x128xf32>
    %reduce_sum3A_124 = arith.constant dense<0.000000e+00> : vector<304xf32>
    %reduce_sum3A_125 = vector.multi_reduction <add>, %exp3A_120, %reduce_sum3A_124 [1] : vector<304x304xf32> to vector<304xf32>
    %broadcast_in_dim3A_126 = vector.shape_cast %reduce_sum3A_125 : vector<304xf32> to vector<304x1xf32>
    %div3A_127 = vector.broadcast %broadcast_in_dim3A_126 : vector<304x1xf32> to vector<304x128xf32>
    %div3A_128 = arith.divf %dot_general3A_123, %div3A_127 : vector<304x128xf32>
    %convert_element_type3A_129 = arith.truncf %div3A_128 : vector<304x128xf32> to vector<304x128xbf16>
    %swap3A_130 = arith.constant 2 : index
    %swap3A_131 = arith.constant 0 : index
    %swap3A_132 = arith.constant 0 : index
    %swap3A_133 = vector.load %arg22[%swap3A_130, %swap3A_131, %swap3A_132] : memref<24x304x128xbf16, #tpu.memory_space<vmem>>, vector<1x304x128xbf16>
    %swap3A_134 = vector.shape_cast %swap3A_133 : vector<1x304x128xbf16> to vector<304x128xbf16>
    %swap3A_135 = vector.shape_cast %convert_element_type3A_129 : vector<304x128xbf16> to vector<1x304x128xbf16>
    tpu.vector_store %arg22[%swap3A_130, %swap3A_131, %swap3A_132], %swap3A_135 {strides = array<i32>} : memref<24x304x128xbf16, #tpu.memory_space<vmem>>, vector<1x304x128xbf16>,
    %get3A_136 = arith.constant 3 : index
    %get3A_137 = arith.constant 0 : index
    %get3A_138 = arith.constant 0 : index
    %get3A_139 = vector.load %arg21[%get3A_136, %get3A_137, %get3A_138] : memref<24x304x384xbf16, #tpu.memory_space<vmem>>, vector<1x304x128xbf16>
    %get3A_140 = vector.shape_cast %get3A_139 : vector<1x304x128xbf16> to vector<304x128xbf16>
    %get3A_141 = arith.constant 3 : index
    %get3A_142 = arith.constant 0 : index
    %get3A_143 = arith.constant 128 : index
    %get3A_144 = vector.load %arg21[%get3A_141, %get3A_142, %get3A_143] : memref<24x304x384xbf16, #tpu.memory_space<vmem>>, vector<1x304x128xbf16>
    %get3A_145 = vector.shape_cast %get3A_144 : vector<1x304x128xbf16> to vector<304x128xbf16>
    %get3A_146 = arith.constant 3 : index
    %get3A_147 = arith.constant 0 : index
    %get3A_148 = arith.constant 256 : index
    %get3A_149 = vector.load %arg21[%get3A_146, %get3A_147, %get3A_148] : memref<24x304x384xbf16, #tpu.memory_space<vmem>>, vector<1x304x128xbf16>
    %get3A_150 = vector.shape_cast %get3A_149 : vector<1x304x128xbf16> to vector<304x128xbf16>
    %dot_general3A_151 = arith.constant dense<0.000000e+00> : vector<304x304xf32>
    %dot_general3A_152 = tpu.matmul %get3A_140, %get3A_145, %dot_general3A_151 {dimension_numbers = #tpu.dot_dimension_numbers<[1], [1], [0], [0], [0, 0, 1, 0], [], []>, transpose_lhs_hint = false} : vector<304x128xbf16>, vector<304x128xbf16>, vector<304x304xf32> -> vector<304x304xf32>
    %jit3A_153 = arith.constant -1.000000e+30 : f32
    %broadcast_in_dim3A_154 = vector.broadcast %jit3A_153 : f32 to vector<304x304xf32>
    %select_n3A_155 = arith.select %ge3A, %dot_general3A_152, %broadcast_in_dim3A_154 : vector<304x304xi1>, vector<304x304xf32>
    %exp3A_156 = math.exp %select_n3A_155 : vector<304x304xf32>
    %convert_element_type3A_157 = arith.truncf %exp3A_156 : vector<304x304xf32> to vector<304x304xbf16>
    %dot_general3A_158 = arith.constant dense<0.000000e+00> : vector<304x128xf32>
    %dot_general3A_159 = tpu.matmul %convert_element_type3A_157, %get3A_150, %dot_general3A_158 {dimension_numbers = #tpu.dot_dimension_numbers<[1], [0], [0], [1], [0, 0, 1, 1], [], []>, transpose_lhs_hint = false} : vector<304x304xbf16>, vector<304x128xbf16>, vector<304x128xf32> -> vector<304x128xf32>
    %reduce_sum3A_160 = arith.constant dense<0.000000e+00> : vector<304xf32>
    %reduce_sum3A_161 = vector.multi_reduction <add>, %exp3A_156, %reduce_sum3A_160 [1] : vector<304x304xf32> to vector<304xf32>
    %broadcast_in_dim3A_162 = vector.shape_cast %reduce_sum3A_161 : vector<304xf32> to vector<304x1xf32>
    %div3A_163 = vector.broadcast %broadcast_in_dim3A_162 : vector<304x1xf32> to vector<304x128xf32>
    %div3A_164 = arith.divf %dot_general3A_159, %div3A_163 : vector<304x128xf32>
    %convert_element_type3A_165 = arith.truncf %div3A_164 : vector<304x128xf32> to vector<304x128xbf16>
    %swap3A_166 = arith.constant 3 : index
    %swap3A_167 = arith.constant 0 : index
    %swap3A_168 = arith.constant 0 : index
    %swap3A_169 = vector.load %arg22[%swap3A_166, %swap3A_167, %swap3A_168] : memref<24x304x128xbf16, #tpu.memory_space<vmem>>, vector<1x304x128xbf16>
    %swap3A_170 = vector.shape_cast %swap3A_169 : vector<1x304x128xbf16> to vector<304x128xbf16>
    %swap3A_171 = vector.shape_cast %convert_element_type3A_165 : vector<304x128xbf16> to vector<1x304x128xbf16>
    tpu.vector_store %arg22[%swap3A_166, %swap3A_167, %swap3A_168], %swap3A_171 {strides = array<i32>} : memref<24x304x128xbf16, #tpu.memory_space<vmem>>, vector<1x304x128xbf16>,
    %get3A_172 = arith.constant 4 : index
    %get3A_173 = arith.constant 0 : index
    %get3A_174 = arith.constant 0 : index
    %get3A_175 = vector.load %arg21[%get3A_172, %get3A_173, %get3A_174] : memref<24x304x384xbf16, #tpu.memory_space<vmem>>, vector<1x304x128xbf16>
    %get3A_176 = vector.shape_cast %get3A_175 : vector<1x304x128xbf16> to vector<304x128xbf16>
    %get3A_177 = arith.constant 4 : index
    %get3A_178 = arith.constant 0 : index
    %get3A_179 = arith.constant 128 : index
    %get3A_180 = vector.load %arg21[%get3A_177, %get3A_178, %get3A_179] : memref<24x304x384xbf16, #tpu.memory_space<vmem>>, vector<1x304x128xbf16>
    %get3A_181 = vector.shape_cast %get3A_180 : vector<1x304x128xbf16> to vector<304x128xbf16>
    %get3A_182 = arith.constant 4 : index
    %get3A_183 = arith.constant 0 : index
    %get3A_184 = arith.constant 256 : index
    %get3A_185 = vector.load %arg21[%get3A_182, %get3A_183, %get3A_184] : memref<24x304x384xbf16, #tpu.memory_space<vmem>>, vector<1x304x128xbf16>
    %get3A_186 = vector.shape_cast %get3A_185 : vector<1x304x128xbf16> to vector<304x128xbf16>
    %dot_general3A_187 = arith.constant dense<0.000000e+00> : vector<304x304xf32>
    %dot_general3A_188 = tpu.matmul %get3A_176, %get3A_181, %dot_general3A_187 {dimension_numbers = #tpu.dot_dimension_numbers<[1], [1], [0], [0], [0, 0, 1, 0], [], []>, transpose_lhs_hint = false} : vector<304x128xbf16>, vector<304x128xbf16>, vector<304x304xf32> -> vector<304x304xf32>
    %jit3A_189 = arith.constant -1.000000e+30 : f32
    %broadcast_in_dim3A_190 = vector.broadcast %jit3A_189 : f32 to vector<304x304xf32>
    %select_n3A_191 = arith.select %ge3A, %dot_general3A_188, %broadcast_in_dim3A_190 : vector<304x304xi1>, vector<304x304xf32>
    %exp3A_192 = math.exp %select_n3A_191 : vector<304x304xf32>
    %convert_element_type3A_193 = arith.truncf %exp3A_192 : vector<304x304xf32> to vector<304x304xbf16>
    %dot_general3A_194 = arith.constant dense<0.000000e+00> : vector<304x128xf32>
    %dot_general3A_195 = tpu.matmul %convert_element_type3A_193, %get3A_186, %dot_general3A_194 {dimension_numbers = #tpu.dot_dimension_numbers<[1], [0], [0], [1], [0, 0, 1, 1], [], []>, transpose_lhs_hint = false} : vector<304x304xbf16>, vector<304x128xbf16>, vector<304x128xf32> -> vector<304x128xf32>
    %reduce_sum3A_196 = arith.constant dense<0.000000e+00> : vector<304xf32>
    %reduce_sum3A_197 = vector.multi_reduction <add>, %exp3A_192, %reduce_sum3A_196 [1] : vector<304x304xf32> to vector<304xf32>
    %broadcast_in_dim3A_198 = vector.shape_cast %reduce_sum3A_197 : vector<304xf32> to vector<304x1xf32>
    %div3A_199 = vector.broadcast %broadcast_in_dim3A_198 : vector<304x1xf32> to vector<304x128xf32>
    %div3A_200 = arith.divf %dot_general3A_195, %div3A_199 : vector<304x128xf32>
    %convert_element_type3A_201 = arith.truncf %div3A_200 : vector<304x128xf32> to vector<304x128xbf16>
    %swap3A_202 = arith.constant 4 : index
    %swap3A_203 = arith.constant 0 : index
    %swap3A_204 = arith.constant 0 : index
    %swap3A_205 = vector.load %arg22[%swap3A_202, %swap3A_203, %swap3A_204] : memref<24x304x128xbf16, #tpu.memory_space<vmem>>, vector<1x304x128xbf16>
    %swap3A_206 = vector.shape_cast %swap3A_205 : vector<1x304x128xbf16> to vector<304x128xbf16>
    %swap3A_207 = vector.shape_cast %convert_element_type3A_201 : vector<304x128xbf16> to vector<1x304x128xbf16>
    tpu.vector_store %arg22[%swap3A_202, %swap3A_203, %swap3A_204], %swap3A_207 {strides = array<i32>} : memref<24x304x128xbf16, #tpu.memory_space<vmem>>, vector<1x304x128xbf16>,
    %get3A_208 = arith.constant 5 : index
    %get3A_209 = arith.constant 0 : index
    %get3A_210 = arith.constant 0 : index
    %get3A_211 = vector.load %arg21[%get3A_208, %get3A_209, %get3A_210] : memref<24x304x384xbf16, #tpu.memory_space<vmem>>, vector<1x304x128xbf16>
    %get3A_212 = vector.shape_cast %get3A_211 : vector<1x304x128xbf16> to vector<304x128xbf16>
    %get3A_213 = arith.constant 5 : index
    %get3A_214 = arith.constant 0 : index
    %get3A_215 = arith.constant 128 : index
    %get3A_216 = vector.load %arg21[%get3A_213, %get3A_214, %get3A_215] : memref<24x304x384xbf16, #tpu.memory_space<vmem>>, vector<1x304x128xbf16>
    %get3A_217 = vector.shape_cast %get3A_216 : vector<1x304x128xbf16> to vector<304x128xbf16>
    %get3A_218 = arith.constant 5 : index
    %get3A_219 = arith.constant 0 : index
    %get3A_220 = arith.constant 256 : index
    %get3A_221 = vector.load %arg21[%get3A_218, %get3A_219, %get3A_220] : memref<24x304x384xbf16, #tpu.memory_space<vmem>>, vector<1x304x128xbf16>
    %get3A_222 = vector.shape_cast %get3A_221 : vector<1x304x128xbf16> to vector<304x128xbf16>
    %dot_general3A_223 = arith.constant dense<0.000000e+00> : vector<304x304xf32>
    %dot_general3A_224 = tpu.matmul %get3A_212, %get3A_217, %dot_general3A_223 {dimension_numbers = #tpu.dot_dimension_numbers<[1], [1], [0], [0], [0, 0, 1, 0], [], []>, transpose_lhs_hint = false} : vector<304x128xbf16>, vector<304x128xbf16>, vector<304x304xf32> -> vector<304x304xf32>
    %jit3A_225 = arith.constant -1.000000e+30 : f32
    %broadcast_in_dim3A_226 = vector.broadcast %jit3A_225 : f32 to vector<304x304xf32>
    %select_n3A_227 = arith.select %ge3A, %dot_general3A_224, %broadcast_in_dim3A_226 : vector<304x304xi1>, vector<304x304xf32>
    %exp3A_228 = math.exp %select_n3A_227 : vector<304x304xf32>
    %convert_element_type3A_229 = arith.truncf %exp3A_228 : vector<304x304xf32> to vector<304x304xbf16>
    %dot_general3A_230 = arith.constant dense<0.000000e+00> : vector<304x128xf32>
    %dot_general3A_231 = tpu.matmul %convert_element_type3A_229, %get3A_222, %dot_general3A_230 {dimension_numbers = #tpu.dot_dimension_numbers<[1], [0], [0], [1], [0, 0, 1, 1], [], []>, transpose_lhs_hint = false} : vector<304x304xbf16>, vector<304x128xbf16>, vector<304x128xf32> -> vector<304x128xf32>
    %reduce_sum3A_232 = arith.constant dense<0.000000e+00> : vector<304xf32>
    %reduce_sum3A_233 = vector.multi_reduction <add>, %exp3A_228, %reduce_sum3A_232 [1] : vector<304x304xf32> to vector<304xf32>
    %broadcast_in_dim3A_234 = vector.shape_cast %reduce_sum3A_233 : vector<304xf32> to vector<304x1xf32>
    %div3A_235 = vector.broadcast %broadcast_in_dim3A_234 : vector<304x1xf32> to vector<304x128xf32>
    %div3A_236 = arith.divf %dot_general3A_231, %div3A_235 : vector<304x128xf32>
    %convert_element_type3A_237 = arith.truncf %div3A_236 : vector<304x128xf32> to vector<304x128xbf16>
    %swap3A_238 = arith.constant 5 : index
    %swap3A_239 = arith.constant 0 : index
    %swap3A_240 = arith.constant 0 : index
    %swap3A_241 = vector.load %arg22[%swap3A_238, %swap3A_239, %swap3A_240] : memref<24x304x128xbf16, #tpu.memory_space<vmem>>, vector<1x304x128xbf16>
    %swap3A_242 = vector.shape_cast %swap3A_241 : vector<1x304x128xbf16> to vector<304x128xbf16>
    %swap3A_243 = vector.shape_cast %convert_element_type3A_237 : vector<304x128xbf16> to vector<1x304x128xbf16>
    tpu.vector_store %arg22[%swap3A_238, %swap3A_239, %swap3A_240], %swap3A_243 {strides = array<i32>} : memref<24x304x128xbf16, #tpu.memory_space<vmem>>, vector<1x304x128xbf16>,
    %get3A_244 = arith.constant 6 : index
    %get3A_245 = arith.constant 0 : index
    %get3A_246 = arith.constant 0 : index
    %get3A_247 = vector.load %arg21[%get3A_244, %get3A_245, %get3A_246] : memref<24x304x384xbf16, #tpu.memory_space<vmem>>, vector<1x304x128xbf16>
    %get3A_248 = vector.shape_cast %get3A_247 : vector<1x304x128xbf16> to vector<304x128xbf16>
    %get3A_249 = arith.constant 6 : index
    %get3A_250 = arith.constant 0 : index
    %get3A_251 = arith.constant 128 : index
    %get3A_252 = vector.load %arg21[%get3A_249, %get3A_250, %get3A_251] : memref<24x304x384xbf16, #tpu.memory_space<vmem>>, vector<1x304x128xbf16>
    %get3A_253 = vector.shape_cast %get3A_252 : vector<1x304x128xbf16> to vector<304x128xbf16>
    %get3A_254 = arith.constant 6 : index
    %get3A_255 = arith.constant 0 : index
    %get3A_256 = arith.constant 256 : index
    %get3A_257 = vector.load %arg21[%get3A_254, %get3A_255, %get3A_256] : memref<24x304x384xbf16, #tpu.memory_space<vmem>>, vector<1x304x128xbf16>
    %get3A_258 = vector.shape_cast %get3A_257 : vector<1x304x128xbf16> to vector<304x128xbf16>
    %dot_general3A_259 = arith.constant dense<0.000000e+00> : vector<304x304xf32>
    %dot_general3A_260 = tpu.matmul %get3A_248, %get3A_253, %dot_general3A_259 {dimension_numbers = #tpu.dot_dimension_numbers<[1], [1], [0], [0], [0, 0, 1, 0], [], []>, transpose_lhs_hint = false} : vector<304x128xbf16>, vector<304x128xbf16>, vector<304x304xf32> -> vector<304x304xf32>
    %jit3A_261 = arith.constant -1.000000e+30 : f32
    %broadcast_in_dim3A_262 = vector.broadcast %jit3A_261 : f32 to vector<304x304xf32>
    %select_n3A_263 = arith.select %ge3A, %dot_general3A_260, %broadcast_in_dim3A_262 : vector<304x304xi1>, vector<304x304xf32>
    %exp3A_264 = math.exp %select_n3A_263 : vector<304x304xf32>
    %convert_element_type3A_265 = arith.truncf %exp3A_264 : vector<304x304xf32> to vector<304x304xbf16>
    %dot_general3A_266 = arith.constant dense<0.000000e+00> : vector<304x128xf32>
    %dot_general3A_267 = tpu.matmul %convert_element_type3A_265, %get3A_258, %dot_general3A_266 {dimension_numbers = #tpu.dot_dimension_numbers<[1], [0], [0], [1], [0, 0, 1, 1], [], []>, transpose_lhs_hint = false} : vector<304x304xbf16>, vector<304x128xbf16>, vector<304x128xf32> -> vector<304x128xf32>
    %reduce_sum3A_268 = arith.constant dense<0.000000e+00> : vector<304xf32>
    %reduce_sum3A_269 = vector.multi_reduction <add>, %exp3A_264, %reduce_sum3A_268 [1] : vector<304x304xf32> to vector<304xf32>
    %broadcast_in_dim3A_270 = vector.shape_cast %reduce_sum3A_269 : vector<304xf32> to vector<304x1xf32>
    %div3A_271 = vector.broadcast %broadcast_in_dim3A_270 : vector<304x1xf32> to vector<304x128xf32>
    %div3A_272 = arith.divf %dot_general3A_267, %div3A_271 : vector<304x128xf32>
    %convert_element_type3A_273 = arith.truncf %div3A_272 : vector<304x128xf32> to vector<304x128xbf16>
    %swap3A_274 = arith.constant 6 : index
    %swap3A_275 = arith.constant 0 : index
    %swap3A_276 = arith.constant 0 : index
    %swap3A_277 = vector.load %arg22[%swap3A_274, %swap3A_275, %swap3A_276] : memref<24x304x128xbf16, #tpu.memory_space<vmem>>, vector<1x304x128xbf16>
    %swap3A_278 = vector.shape_cast %swap3A_277 : vector<1x304x128xbf16> to vector<304x128xbf16>
    %swap3A_279 = vector.shape_cast %convert_element_type3A_273 : vector<304x128xbf16> to vector<1x304x128xbf16>
    tpu.vector_store %arg22[%swap3A_274, %swap3A_275, %swap3A_276], %swap3A_279 {strides = array<i32>} : memref<24x304x128xbf16, #tpu.memory_space<vmem>>, vector<1x304x128xbf16>,
    %get3A_280 = arith.constant 7 : index
    %get3A_281 = arith.constant 0 : index
    %get3A_282 = arith.constant 0 : index
    %get3A_283 = vector.load %arg21[%get3A_280, %get3A_281, %get3A_282] : memref<24x304x384xbf16, #tpu.memory_space<vmem>>, vector<1x304x128xbf16>
    %get3A_284 = vector.shape_cast %get3A_283 : vector<1x304x128xbf16> to vector<304x128xbf16>
    %get3A_285 = arith.constant 7 : index
    %get3A_286 = arith.constant 0 : index
    %get3A_287 = arith.constant 128 : index
    %get3A_288 = vector.load %arg21[%get3A_285, %get3A_286, %get3A_287] : memref<24x304x384xbf16, #tpu.memory_space<vmem>>, vector<1x304x128xbf16>
    %get3A_289 = vector.shape_cast %get3A_288 : vector<1x304x128xbf16> to vector<304x128xbf16>
    %get3A_290 = arith.constant 7 : index
    %get3A_291 = arith.constant 0 : index
    %get3A_292 = arith.constant 256 : index
    %get3A_293 = vector.load %arg21[%get3A_290, %get3A_291, %get3A_292] : memref<24x304x384xbf16, #tpu.memory_space<vmem>>, vector<1x304x128xbf16>
    %get3A_294 = vector.shape_cast %get3A_293 : vector<1x304x128xbf16> to vector<304x128xbf16>
    %dot_general3A_295 = arith.constant dense<0.000000e+00> : vector<304x304xf32>
    %dot_general3A_296 = tpu.matmul %get3A_284, %get3A_289, %dot_general3A_295 {dimension_numbers = #tpu.dot_dimension_numbers<[1], [1], [0], [0], [0, 0, 1, 0], [], []>, transpose_lhs_hint = false} : vector<304x128xbf16>, vector<304x128xbf16>, vector<304x304xf32> -> vector<304x304xf32>
    %jit3A_297 = arith.constant -1.000000e+30 : f32
    %broadcast_in_dim3A_298 = vector.broadcast %jit3A_297 : f32 to vector<304x304xf32>
    %select_n3A_299 = arith.select %ge3A, %dot_general3A_296, %broadcast_in_dim3A_298 : vector<304x304xi1>, vector<304x304xf32>
    %exp3A_300 = math.exp %select_n3A_299 : vector<304x304xf32>
    %convert_element_type3A_301 = arith.truncf %exp3A_300 : vector<304x304xf32> to vector<304x304xbf16>
    %dot_general3A_302 = arith.constant dense<0.000000e+00> : vector<304x128xf32>
    %dot_general3A_303 = tpu.matmul %convert_element_type3A_301, %get3A_294, %dot_general3A_302 {dimension_numbers = #tpu.dot_dimension_numbers<[1], [0], [0], [1], [0, 0, 1, 1], [], []>, transpose_lhs_hint = false} : vector<304x304xbf16>, vector<304x128xbf16>, vector<304x128xf32> -> vector<304x128xf32>
    %reduce_sum3A_304 = arith.constant dense<0.000000e+00> : vector<304xf32>
    %reduce_sum3A_305 = vector.multi_reduction <add>, %exp3A_300, %reduce_sum3A_304 [1] : vector<304x304xf32> to vector<304xf32>
    %broadcast_in_dim3A_306 = vector.shape_cast %reduce_sum3A_305 : vector<304xf32> to vector<304x1xf32>
    %div3A_307 = vector.broadcast %broadcast_in_dim3A_306 : vector<304x1xf32> to vector<304x128xf32>
    %div3A_308 = arith.divf %dot_general3A_303, %div3A_307 : vector<304x128xf32>
    %convert_element_type3A_309 = arith.truncf %div3A_308 : vector<304x128xf32> to vector<304x128xbf16>
    %swap3A_310 = arith.constant 7 : index
    %swap3A_311 = arith.constant 0 : index
    %swap3A_312 = arith.constant 0 : index
    %swap3A_313 = vector.load %arg22[%swap3A_310, %swap3A_311, %swap3A_312] : memref<24x304x128xbf16, #tpu.memory_space<vmem>>, vector<1x304x128xbf16>
    %swap3A_314 = vector.shape_cast %swap3A_313 : vector<1x304x128xbf16> to vector<304x128xbf16>
    %swap3A_315 = vector.shape_cast %convert_element_type3A_309 : vector<304x128xbf16> to vector<1x304x128xbf16>
    tpu.vector_store %arg22[%swap3A_310, %swap3A_311, %swap3A_312], %swap3A_315 {strides = array<i32>} : memref<24x304x128xbf16, #tpu.memory_space<vmem>>, vector<1x304x128xbf16>,
    %get3A_316 = arith.constant 8 : index
    %get3A_317 = arith.constant 0 : index
    %get3A_318 = arith.constant 0 : index
    %get3A_319 = vector.load %arg21[%get3A_316, %get3A_317, %get3A_318] : memref<24x304x384xbf16, #tpu.memory_space<vmem>>, vector<1x304x128xbf16>
    %get3A_320 = vector.shape_cast %get3A_319 : vector<1x304x128xbf16> to vector<304x128xbf16>
    %get3A_321 = arith.constant 8 : index
    %get3A_322 = arith.constant 0 : index
    %get3A_323 = arith.constant 128 : index
    %get3A_324 = vector.load %arg21[%get3A_321, %get3A_322, %get3A_323] : memref<24x304x384xbf16, #tpu.memory_space<vmem>>, vector<1x304x128xbf16>
    %get3A_325 = vector.shape_cast %get3A_324 : vector<1x304x128xbf16> to vector<304x128xbf16>
    %get3A_326 = arith.constant 8 : index
    %get3A_327 = arith.constant 0 : index
    %get3A_328 = arith.constant 256 : index
    %get3A_329 = vector.load %arg21[%get3A_326, %get3A_327, %get3A_328] : memref<24x304x384xbf16, #tpu.memory_space<vmem>>, vector<1x304x128xbf16>
    %get3A_330 = vector.shape_cast %get3A_329 : vector<1x304x128xbf16> to vector<304x128xbf16>
    %dot_general3A_331 = arith.constant dense<0.000000e+00> : vector<304x304xf32>
    %dot_general3A_332 = tpu.matmul %get3A_320, %get3A_325, %dot_general3A_331 {dimension_numbers = #tpu.dot_dimension_numbers<[1], [1], [0], [0], [0, 0, 1, 0], [], []>, transpose_lhs_hint = false} : vector<304x128xbf16>, vector<304x128xbf16>, vector<304x304xf32> -> vector<304x304xf32>
    %jit3A_333 = arith.constant -1.000000e+30 : f32
    %broadcast_in_dim3A_334 = vector.broadcast %jit3A_333 : f32 to vector<304x304xf32>
    %select_n3A_335 = arith.select %ge3A, %dot_general3A_332, %broadcast_in_dim3A_334 : vector<304x304xi1>, vector<304x304xf32>
    %exp3A_336 = math.exp %select_n3A_335 : vector<304x304xf32>
    %convert_element_type3A_337 = arith.truncf %exp3A_336 : vector<304x304xf32> to vector<304x304xbf16>
    %dot_general3A_338 = arith.constant dense<0.000000e+00> : vector<304x128xf32>
    %dot_general3A_339 = tpu.matmul %convert_element_type3A_337, %get3A_330, %dot_general3A_338 {dimension_numbers = #tpu.dot_dimension_numbers<[1], [0], [0], [1], [0, 0, 1, 1], [], []>, transpose_lhs_hint = false} : vector<304x304xbf16>, vector<304x128xbf16>, vector<304x128xf32> -> vector<304x128xf32>
    %reduce_sum3A_340 = arith.constant dense<0.000000e+00> : vector<304xf32>
    %reduce_sum3A_341 = vector.multi_reduction <add>, %exp3A_336, %reduce_sum3A_340 [1] : vector<304x304xf32> to vector<304xf32>
    %broadcast_in_dim3A_342 = vector.shape_cast %reduce_sum3A_341 : vector<304xf32> to vector<304x1xf32>
    %div3A_343 = vector.broadcast %broadcast_in_dim3A_342 : vector<304x1xf32> to vector<304x128xf32>
    %div3A_344 = arith.divf %dot_general3A_339, %div3A_343 : vector<304x128xf32>
    %convert_element_type3A_345 = arith.truncf %div3A_344 : vector<304x128xf32> to vector<304x128xbf16>
    %swap3A_346 = arith.constant 8 : index
    %swap3A_347 = arith.constant 0 : index
    %swap3A_348 = arith.constant 0 : index
    %swap3A_349 = vector.load %arg22[%swap3A_346, %swap3A_347, %swap3A_348] : memref<24x304x128xbf16, #tpu.memory_space<vmem>>, vector<1x304x128xbf16>
    %swap3A_350 = vector.shape_cast %swap3A_349 : vector<1x304x128xbf16> to vector<304x128xbf16>
    %swap3A_351 = vector.shape_cast %convert_element_type3A_345 : vector<304x128xbf16> to vector<1x304x128xbf16>
    tpu.vector_store %arg22[%swap3A_346, %swap3A_347, %swap3A_348], %swap3A_351 {strides = array<i32>} : memref<24x304x128xbf16, #tpu.memory_space<vmem>>, vector<1x304x128xbf16>,
    %get3A_352 = arith.constant 9 : index
    %get3A_353 = arith.constant 0 : index
    %get3A_354 = arith.constant 0 : index
    %get3A_355 = vector.load %arg21[%get3A_352, %get3A_353, %get3A_354] : memref<24x304x384xbf16, #tpu.memory_space<vmem>>, vector<1x304x128xbf16>
    %get3A_356 = vector.shape_cast %get3A_355 : vector<1x304x128xbf16> to vector<304x128xbf16>
    %get3A_357 = arith.constant 9 : index
    %get3A_358 = arith.constant 0 : index
    %get3A_359 = arith.constant 128 : index
    %get3A_360 = vector.load %arg21[%get3A_357, %get3A_358, %get3A_359] : memref<24x304x384xbf16, #tpu.memory_space<vmem>>, vector<1x304x128xbf16>
    %get3A_361 = vector.shape_cast %get3A_360 : vector<1x304x128xbf16> to vector<304x128xbf16>
    %get3A_362 = arith.constant 9 : index
    %get3A_363 = arith.constant 0 : index
    %get3A_364 = arith.constant 256 : index
    %get3A_365 = vector.load %arg21[%get3A_362, %get3A_363, %get3A_364] : memref<24x304x384xbf16, #tpu.memory_space<vmem>>, vector<1x304x128xbf16>
    %get3A_366 = vector.shape_cast %get3A_365 : vector<1x304x128xbf16> to vector<304x128xbf16>
    %dot_general3A_367 = arith.constant dense<0.000000e+00> : vector<304x304xf32>
    %dot_general3A_368 = tpu.matmul %get3A_356, %get3A_361, %dot_general3A_367 {dimension_numbers = #tpu.dot_dimension_numbers<[1], [1], [0], [0], [0, 0, 1, 0], [], []>, transpose_lhs_hint = false} : vector<304x128xbf16>, vector<304x128xbf16>, vector<304x304xf32> -> vector<304x304xf32>
    %jit3A_369 = arith.constant -1.000000e+30 : f32
    %broadcast_in_dim3A_370 = vector.broadcast %jit3A_369 : f32 to vector<304x304xf32>
    %select_n3A_371 = arith.select %ge3A, %dot_general3A_368, %broadcast_in_dim3A_370 : vector<304x304xi1>, vector<304x304xf32>
    %exp3A_372 = math.exp %select_n3A_371 : vector<304x304xf32>
    %convert_element_type3A_373 = arith.truncf %exp3A_372 : vector<304x304xf32> to vector<304x304xbf16>
    %dot_general3A_374 = arith.constant dense<0.000000e+00> : vector<304x128xf32>
    %dot_general3A_375 = tpu.matmul %convert_element_type3A_373, %get3A_366, %dot_general3A_374 {dimension_numbers = #tpu.dot_dimension_numbers<[1], [0], [0], [1], [0, 0, 1, 1], [], []>, transpose_lhs_hint = false} : vector<304x304xbf16>, vector<304x128xbf16>, vector<304x128xf32> -> vector<304x128xf32>
    %reduce_sum3A_376 = arith.constant dense<0.000000e+00> : vector<304xf32>
    %reduce_sum3A_377 = vector.multi_reduction <add>, %exp3A_372, %reduce_sum3A_376 [1] : vector<304x304xf32> to vector<304xf32>
    %broadcast_in_dim3A_378 = vector.shape_cast %reduce_sum3A_377 : vector<304xf32> to vector<304x1xf32>
    %div3A_379 = vector.broadcast %broadcast_in_dim3A_378 : vector<304x1xf32> to vector<304x128xf32>
    %div3A_380 = arith.divf %dot_general3A_375, %div3A_379 : vector<304x128xf32>
    %convert_element_type3A_381 = arith.truncf %div3A_380 : vector<304x128xf32> to vector<304x128xbf16>
    %swap3A_382 = arith.constant 9 : index
    %swap3A_383 = arith.constant 0 : index
    %swap3A_384 = arith.constant 0 : index
    %swap3A_385 = vector.load %arg22[%swap3A_382, %swap3A_383, %swap3A_384] : memref<24x304x128xbf16, #tpu.memory_space<vmem>>, vector<1x304x128xbf16>
    %swap3A_386 = vector.shape_cast %swap3A_385 : vector<1x304x128xbf16> to vector<304x128xbf16>
    %swap3A_387 = vector.shape_cast %convert_element_type3A_381 : vector<304x128xbf16> to vector<1x304x128xbf16>
    tpu.vector_store %arg22[%swap3A_382, %swap3A_383, %swap3A_384], %swap3A_387 {strides = array<i32>} : memref<24x304x128xbf16, #tpu.memory_space<vmem>>, vector<1x304x128xbf16>,
    %get3A_388 = arith.constant 10 : index
    %get3A_389 = arith.constant 0 : index
    %get3A_390 = arith.constant 0 : index
    %get3A_391 = vector.load %arg21[%get3A_388, %get3A_389, %get3A_390] : memref<24x304x384xbf16, #tpu.memory_space<vmem>>, vector<1x304x128xbf16>
    %get3A_392 = vector.shape_cast %get3A_391 : vector<1x304x128xbf16> to vector<304x128xbf16>
    %get3A_393 = arith.constant 10 : index
    %get3A_394 = arith.constant 0 : index
    %get3A_395 = arith.constant 128 : index
    %get3A_396 = vector.load %arg21[%get3A_393, %get3A_394, %get3A_395] : memref<24x304x384xbf16, #tpu.memory_space<vmem>>, vector<1x304x128xbf16>
    %get3A_397 = vector.shape_cast %get3A_396 : vector<1x304x128xbf16> to vector<304x128xbf16>
    %get3A_398 = arith.constant 10 : index
    %get3A_399 = arith.constant 0 : index
    %get3A_400 = arith.constant 256 : index
    %get3A_401 = vector.load %arg21[%get3A_398, %get3A_399, %get3A_400] : memref<24x304x384xbf16, #tpu.memory_space<vmem>>, vector<1x304x128xbf16>
    %get3A_402 = vector.shape_cast %get3A_401 : vector<1x304x128xbf16> to vector<304x128xbf16>
    %dot_general3A_403 = arith.constant dense<0.000000e+00> : vector<304x304xf32>
    %dot_general3A_404 = tpu.matmul %get3A_392, %get3A_397, %dot_general3A_403 {dimension_numbers = #tpu.dot_dimension_numbers<[1], [1], [0], [0], [0, 0, 1, 0], [], []>, transpose_lhs_hint = false} : vector<304x128xbf16>, vector<304x128xbf16>, vector<304x304xf32> -> vector<304x304xf32>
    %jit3A_405 = arith.constant -1.000000e+30 : f32
    %broadcast_in_dim3A_406 = vector.broadcast %jit3A_405 : f32 to vector<304x304xf32>
    %select_n3A_407 = arith.select %ge3A, %dot_general3A_404, %broadcast_in_dim3A_406 : vector<304x304xi1>, vector<304x304xf32>
    %exp3A_408 = math.exp %select_n3A_407 : vector<304x304xf32>
    %convert_element_type3A_409 = arith.truncf %exp3A_408 : vector<304x304xf32> to vector<304x304xbf16>
    %dot_general3A_410 = arith.constant dense<0.000000e+00> : vector<304x128xf32>
    %dot_general3A_411 = tpu.matmul %convert_element_type3A_409, %get3A_402, %dot_general3A_410 {dimension_numbers = #tpu.dot_dimension_numbers<[1], [0], [0], [1], [0, 0, 1, 1], [], []>, transpose_lhs_hint = false} : vector<304x304xbf16>, vector<304x128xbf16>, vector<304x128xf32> -> vector<304x128xf32>
    %reduce_sum3A_412 = arith.constant dense<0.000000e+00> : vector<304xf32>
    %reduce_sum3A_413 = vector.multi_reduction <add>, %exp3A_408, %reduce_sum3A_412 [1] : vector<304x304xf32> to vector<304xf32>
    %broadcast_in_dim3A_414 = vector.shape_cast %reduce_sum3A_413 : vector<304xf32> to vector<304x1xf32>
    %div3A_415 = vector.broadcast %broadcast_in_dim3A_414 : vector<304x1xf32> to vector<304x128xf32>
    %div3A_416 = arith.divf %dot_general3A_411, %div3A_415 : vector<304x128xf32>
    %convert_element_type3A_417 = arith.truncf %div3A_416 : vector<304x128xf32> to vector<304x128xbf16>
    %swap3A_418 = arith.constant 10 : index
    %swap3A_419 = arith.constant 0 : index
    %swap3A_420 = arith.constant 0 : index
    %swap3A_421 = vector.load %arg22[%swap3A_418, %swap3A_419, %swap3A_420] : memref<24x304x128xbf16, #tpu.memory_space<vmem>>, vector<1x304x128xbf16>
    %swap3A_422 = vector.shape_cast %swap3A_421 : vector<1x304x128xbf16> to vector<304x128xbf16>
    %swap3A_423 = vector.shape_cast %convert_element_type3A_417 : vector<304x128xbf16> to vector<1x304x128xbf16>
    tpu.vector_store %arg22[%swap3A_418, %swap3A_419, %swap3A_420], %swap3A_423 {strides = array<i32>} : memref<24x304x128xbf16, #tpu.memory_space<vmem>>, vector<1x304x128xbf16>,
    %get3A_424 = arith.constant 11 : index
    %get3A_425 = arith.constant 0 : index
    %get3A_426 = arith.constant 0 : index
    %get3A_427 = vector.load %arg21[%get3A_424, %get3A_425, %get3A_426] : memref<24x304x384xbf16, #tpu.memory_space<vmem>>, vector<1x304x128xbf16>
    %get3A_428 = vector.shape_cast %get3A_427 : vector<1x304x128xbf16> to vector<304x128xbf16>
    %get3A_429 = arith.constant 11 : index
    %get3A_430 = arith.constant 0 : index
    %get3A_431 = arith.constant 128 : index
    %get3A_432 = vector.load %arg21[%get3A_429, %get3A_430, %get3A_431] : memref<24x304x384xbf16, #tpu.memory_space<vmem>>, vector<1x304x128xbf16>
    %get3A_433 = vector.shape_cast %get3A_432 : vector<1x304x128xbf16> to vector<304x128xbf16>
    %get3A_434 = arith.constant 11 : index
    %get3A_435 = arith.constant 0 : index
    %get3A_436 = arith.constant 256 : index
    %get3A_437 = vector.load %arg21[%get3A_434, %get3A_435, %get3A_436] : memref<24x304x384xbf16, #tpu.memory_space<vmem>>, vector<1x304x128xbf16>
    %get3A_438 = vector.shape_cast %get3A_437 : vector<1x304x128xbf16> to vector<304x128xbf16>
    %dot_general3A_439 = arith.constant dense<0.000000e+00> : vector<304x304xf32>
    %dot_general3A_440 = tpu.matmul %get3A_428, %get3A_433, %dot_general3A_439 {dimension_numbers = #tpu.dot_dimension_numbers<[1], [1], [0], [0], [0, 0, 1, 0], [], []>, transpose_lhs_hint = false} : vector<304x128xbf16>, vector<304x128xbf16>, vector<304x304xf32> -> vector<304x304xf32>
    %jit3A_441 = arith.constant -1.000000e+30 : f32
    %broadcast_in_dim3A_442 = vector.broadcast %jit3A_441 : f32 to vector<304x304xf32>
    %select_n3A_443 = arith.select %ge3A, %dot_general3A_440, %broadcast_in_dim3A_442 : vector<304x304xi1>, vector<304x304xf32>
    %exp3A_444 = math.exp %select_n3A_443 : vector<304x304xf32>
    %convert_element_type3A_445 = arith.truncf %exp3A_444 : vector<304x304xf32> to vector<304x304xbf16>
    %dot_general3A_446 = arith.constant dense<0.000000e+00> : vector<304x128xf32>
    %dot_general3A_447 = tpu.matmul %convert_element_type3A_445, %get3A_438, %dot_general3A_446 {dimension_numbers = #tpu.dot_dimension_numbers<[1], [0], [0], [1], [0, 0, 1, 1], [], []>, transpose_lhs_hint = false} : vector<304x304xbf16>, vector<304x128xbf16>, vector<304x128xf32> -> vector<304x128xf32>
    %reduce_sum3A_448 = arith.constant dense<0.000000e+00> : vector<304xf32>
    %reduce_sum3A_449 = vector.multi_reduction <add>, %exp3A_444, %reduce_sum3A_448 [1] : vector<304x304xf32> to vector<304xf32>
    %broadcast_in_dim3A_450 = vector.shape_cast %reduce_sum3A_449 : vector<304xf32> to vector<304x1xf32>
    %div3A_451 = vector.broadcast %broadcast_in_dim3A_450 : vector<304x1xf32> to vector<304x128xf32>
    %div3A_452 = arith.divf %dot_general3A_447, %div3A_451 : vector<304x128xf32>
    %convert_element_type3A_453 = arith.truncf %div3A_452 : vector<304x128xf32> to vector<304x128xbf16>
    %swap3A_454 = arith.constant 11 : index
    %swap3A_455 = arith.constant 0 : index
    %swap3A_456 = arith.constant 0 : index
    %swap3A_457 = vector.load %arg22[%swap3A_454, %swap3A_455, %swap3A_456] : memref<24x304x128xbf16, #tpu.memory_space<vmem>>, vector<1x304x128xbf16>
    %swap3A_458 = vector.shape_cast %swap3A_457 : vector<1x304x128xbf16> to vector<304x128xbf16>
    %swap3A_459 = vector.shape_cast %convert_element_type3A_453 : vector<304x128xbf16> to vector<1x304x128xbf16>
    tpu.vector_store %arg22[%swap3A_454, %swap3A_455, %swap3A_456], %swap3A_459 {strides = array<i32>} : memref<24x304x128xbf16, #tpu.memory_space<vmem>>, vector<1x304x128xbf16>,
    %get3A_460 = arith.constant 12 : index
    %get3A_461 = arith.constant 0 : index
    %get3A_462 = arith.constant 0 : index
    %get3A_463 = vector.load %arg21[%get3A_460, %get3A_461, %get3A_462] : memref<24x304x384xbf16, #tpu.memory_space<vmem>>, vector<1x304x128xbf16>
    %get3A_464 = vector.shape_cast %get3A_463 : vector<1x304x128xbf16> to vector<304x128xbf16>
    %get3A_465 = arith.constant 12 : index
    %get3A_466 = arith.constant 0 : index
    %get3A_467 = arith.constant 128 : index
    %get3A_468 = vector.load %arg21[%get3A_465, %get3A_466, %get3A_467] : memref<24x304x384xbf16, #tpu.memory_space<vmem>>, vector<1x304x128xbf16>
    %get3A_469 = vector.shape_cast %get3A_468 : vector<1x304x128xbf16> to vector<304x128xbf16>
    %get3A_470 = arith.constant 12 : index
    %get3A_471 = arith.constant 0 : index
    %get3A_472 = arith.constant 256 : index
    %get3A_473 = vector.load %arg21[%get3A_470, %get3A_471, %get3A_472] : memref<24x304x384xbf16, #tpu.memory_space<vmem>>, vector<1x304x128xbf16>
    %get3A_474 = vector.shape_cast %get3A_473 : vector<1x304x128xbf16> to vector<304x128xbf16>
    %dot_general3A_475 = arith.constant dense<0.000000e+00> : vector<304x304xf32>
    %dot_general3A_476 = tpu.matmul %get3A_464, %get3A_469, %dot_general3A_475 {dimension_numbers = #tpu.dot_dimension_numbers<[1], [1], [0], [0], [0, 0, 1, 0], [], []>, transpose_lhs_hint = false} : vector<304x128xbf16>, vector<304x128xbf16>, vector<304x304xf32> -> vector<304x304xf32>
    %jit3A_477 = arith.constant -1.000000e+30 : f32
    %broadcast_in_dim3A_478 = vector.broadcast %jit3A_477 : f32 to vector<304x304xf32>
    %select_n3A_479 = arith.select %ge3A, %dot_general3A_476, %broadcast_in_dim3A_478 : vector<304x304xi1>, vector<304x304xf32>
    %exp3A_480 = math.exp %select_n3A_479 : vector<304x304xf32>
    %convert_element_type3A_481 = arith.truncf %exp3A_480 : vector<304x304xf32> to vector<304x304xbf16>
    %dot_general3A_482 = arith.constant dense<0.000000e+00> : vector<304x128xf32>
    %dot_general3A_483 = tpu.matmul %convert_element_type3A_481, %get3A_474, %dot_general3A_482 {dimension_numbers = #tpu.dot_dimension_numbers<[1], [0], [0], [1], [0, 0, 1, 1], [], []>, transpose_lhs_hint = false} : vector<304x304xbf16>, vector<304x128xbf16>, vector<304x128xf32> -> vector<304x128xf32>
    %reduce_sum3A_484 = arith.constant dense<0.000000e+00> : vector<304xf32>
    %reduce_sum3A_485 = vector.multi_reduction <add>, %exp3A_480, %reduce_sum3A_484 [1] : vector<304x304xf32> to vector<304xf32>
    %broadcast_in_dim3A_486 = vector.shape_cast %reduce_sum3A_485 : vector<304xf32> to vector<304x1xf32>
    %div3A_487 = vector.broadcast %broadcast_in_dim3A_486 : vector<304x1xf32> to vector<304x128xf32>
    %div3A_488 = arith.divf %dot_general3A_483, %div3A_487 : vector<304x128xf32>
    %convert_element_type3A_489 = arith.truncf %div3A_488 : vector<304x128xf32> to vector<304x128xbf16>
    %swap3A_490 = arith.constant 12 : index
    %swap3A_491 = arith.constant 0 : index
    %swap3A_492 = arith.constant 0 : index
    %swap3A_493 = vector.load %arg22[%swap3A_490, %swap3A_491, %swap3A_492] : memref<24x304x128xbf16, #tpu.memory_space<vmem>>, vector<1x304x128xbf16>
    %swap3A_494 = vector.shape_cast %swap3A_493 : vector<1x304x128xbf16> to vector<304x128xbf16>
    %swap3A_495 = vector.shape_cast %convert_element_type3A_489 : vector<304x128xbf16> to vector<1x304x128xbf16>
    tpu.vector_store %arg22[%swap3A_490, %swap3A_491, %swap3A_492], %swap3A_495 {strides = array<i32>} : memref<24x304x128xbf16, #tpu.memory_space<vmem>>, vector<1x304x128xbf16>,
    %get3A_496 = arith.constant 13 : index
    %get3A_497 = arith.constant 0 : index
    %get3A_498 = arith.constant 0 : index
    %get3A_499 = vector.load %arg21[%get3A_496, %get3A_497, %get3A_498] : memref<24x304x384xbf16, #tpu.memory_space<vmem>>, vector<1x304x128xbf16>
    %get3A_500 = vector.shape_cast %get3A_499 : vector<1x304x128xbf16> to vector<304x128xbf16>
    %get3A_501 = arith.constant 13 : index
    %get3A_502 = arith.constant 0 : index
    %get3A_503 = arith.constant 128 : index
    %get3A_504 = vector.load %arg21[%get3A_501, %get3A_502, %get3A_503] : memref<24x304x384xbf16, #tpu.memory_space<vmem>>, vector<1x304x128xbf16>
    %get3A_505 = vector.shape_cast %get3A_504 : vector<1x304x128xbf16> to vector<304x128xbf16>
    %get3A_506 = arith.constant 13 : index
    %get3A_507 = arith.constant 0 : index
    %get3A_508 = arith.constant 256 : index
    %get3A_509 = vector.load %arg21[%get3A_506, %get3A_507, %get3A_508] : memref<24x304x384xbf16, #tpu.memory_space<vmem>>, vector<1x304x128xbf16>
    %get3A_510 = vector.shape_cast %get3A_509 : vector<1x304x128xbf16> to vector<304x128xbf16>
    %dot_general3A_511 = arith.constant dense<0.000000e+00> : vector<304x304xf32>
    %dot_general3A_512 = tpu.matmul %get3A_500, %get3A_505, %dot_general3A_511 {dimension_numbers = #tpu.dot_dimension_numbers<[1], [1], [0], [0], [0, 0, 1, 0], [], []>, transpose_lhs_hint = false} : vector<304x128xbf16>, vector<304x128xbf16>, vector<304x304xf32> -> vector<304x304xf32>
    %jit3A_513 = arith.constant -1.000000e+30 : f32
    %broadcast_in_dim3A_514 = vector.broadcast %jit3A_513 : f32 to vector<304x304xf32>
    %select_n3A_515 = arith.select %ge3A, %dot_general3A_512, %broadcast_in_dim3A_514 : vector<304x304xi1>, vector<304x304xf32>
    %exp3A_516 = math.exp %select_n3A_515 : vector<304x304xf32>
    %convert_element_type3A_517 = arith.truncf %exp3A_516 : vector<304x304xf32> to vector<304x304xbf16>
    %dot_general3A_518 = arith.constant dense<0.000000e+00> : vector<304x128xf32>
    %dot_general3A_519 = tpu.matmul %convert_element_type3A_517, %get3A_510, %dot_general3A_518 {dimension_numbers = #tpu.dot_dimension_numbers<[1], [0], [0], [1], [0, 0, 1, 1], [], []>, transpose_lhs_hint = false} : vector<304x304xbf16>, vector<304x128xbf16>, vector<304x128xf32> -> vector<304x128xf32>
    %reduce_sum3A_520 = arith.constant dense<0.000000e+00> : vector<304xf32>
    %reduce_sum3A_521 = vector.multi_reduction <add>, %exp3A_516, %reduce_sum3A_520 [1] : vector<304x304xf32> to vector<304xf32>
    %broadcast_in_dim3A_522 = vector.shape_cast %reduce_sum3A_521 : vector<304xf32> to vector<304x1xf32>
    %div3A_523 = vector.broadcast %broadcast_in_dim3A_522 : vector<304x1xf32> to vector<304x128xf32>
    %div3A_524 = arith.divf %dot_general3A_519, %div3A_523 : vector<304x128xf32>
    %convert_element_type3A_525 = arith.truncf %div3A_524 : vector<304x128xf32> to vector<304x128xbf16>
    %swap3A_526 = arith.constant 13 : index
    %swap3A_527 = arith.constant 0 : index
    %swap3A_528 = arith.constant 0 : index
    %swap3A_529 = vector.load %arg22[%swap3A_526, %swap3A_527, %swap3A_528] : memref<24x304x128xbf16, #tpu.memory_space<vmem>>, vector<1x304x128xbf16>
    %swap3A_530 = vector.shape_cast %swap3A_529 : vector<1x304x128xbf16> to vector<304x128xbf16>
    %swap3A_531 = vector.shape_cast %convert_element_type3A_525 : vector<304x128xbf16> to vector<1x304x128xbf16>
    tpu.vector_store %arg22[%swap3A_526, %swap3A_527, %swap3A_528], %swap3A_531 {strides = array<i32>} : memref<24x304x128xbf16, #tpu.memory_space<vmem>>, vector<1x304x128xbf16>,
    %get3A_532 = arith.constant 14 : index
    %get3A_533 = arith.constant 0 : index
    %get3A_534 = arith.constant 0 : index
    %get3A_535 = vector.load %arg21[%get3A_532, %get3A_533, %get3A_534] : memref<24x304x384xbf16, #tpu.memory_space<vmem>>, vector<1x304x128xbf16>
    %get3A_536 = vector.shape_cast %get3A_535 : vector<1x304x128xbf16> to vector<304x128xbf16>
    %get3A_537 = arith.constant 14 : index
    %get3A_538 = arith.constant 0 : index
    %get3A_539 = arith.constant 128 : index
    %get3A_540 = vector.load %arg21[%get3A_537, %get3A_538, %get3A_539] : memref<24x304x384xbf16, #tpu.memory_space<vmem>>, vector<1x304x128xbf16>
    %get3A_541 = vector.shape_cast %get3A_540 : vector<1x304x128xbf16> to vector<304x128xbf16>
    %get3A_542 = arith.constant 14 : index
    %get3A_543 = arith.constant 0 : index
    %get3A_544 = arith.constant 256 : index
    %get3A_545 = vector.load %arg21[%get3A_542, %get3A_543, %get3A_544] : memref<24x304x384xbf16, #tpu.memory_space<vmem>>, vector<1x304x128xbf16>
    %get3A_546 = vector.shape_cast %get3A_545 : vector<1x304x128xbf16> to vector<304x128xbf16>
    %dot_general3A_547 = arith.constant dense<0.000000e+00> : vector<304x304xf32>
    %dot_general3A_548 = tpu.matmul %get3A_536, %get3A_541, %dot_general3A_547 {dimension_numbers = #tpu.dot_dimension_numbers<[1], [1], [0], [0], [0, 0, 1, 0], [], []>, transpose_lhs_hint = false} : vector<304x128xbf16>, vector<304x128xbf16>, vector<304x304xf32> -> vector<304x304xf32>
    %jit3A_549 = arith.constant -1.000000e+30 : f32
    %broadcast_in_dim3A_550 = vector.broadcast %jit3A_549 : f32 to vector<304x304xf32>
    %select_n3A_551 = arith.select %ge3A, %dot_general3A_548, %broadcast_in_dim3A_550 : vector<304x304xi1>, vector<304x304xf32>
    %exp3A_552 = math.exp %select_n3A_551 : vector<304x304xf32>
    %convert_element_type3A_553 = arith.truncf %exp3A_552 : vector<304x304xf32> to vector<304x304xbf16>
    %dot_general3A_554 = arith.constant dense<0.000000e+00> : vector<304x128xf32>
    %dot_general3A_555 = tpu.matmul %convert_element_type3A_553, %get3A_546, %dot_general3A_554 {dimension_numbers = #tpu.dot_dimension_numbers<[1], [0], [0], [1], [0, 0, 1, 1], [], []>, transpose_lhs_hint = false} : vector<304x304xbf16>, vector<304x128xbf16>, vector<304x128xf32> -> vector<304x128xf32>
    %reduce_sum3A_556 = arith.constant dense<0.000000e+00> : vector<304xf32>
    %reduce_sum3A_557 = vector.multi_reduction <add>, %exp3A_552, %reduce_sum3A_556 [1] : vector<304x304xf32> to vector<304xf32>
    %broadcast_in_dim3A_558 = vector.shape_cast %reduce_sum3A_557 : vector<304xf32> to vector<304x1xf32>
    %div3A_559 = vector.broadcast %broadcast_in_dim3A_558 : vector<304x1xf32> to vector<304x128xf32>
    %div3A_560 = arith.divf %dot_general3A_555, %div3A_559 : vector<304x128xf32>
    %convert_element_type3A_561 = arith.truncf %div3A_560 : vector<304x128xf32> to vector<304x128xbf16>
    %swap3A_562 = arith.constant 14 : index
    %swap3A_563 = arith.constant 0 : index
    %swap3A_564 = arith.constant 0 : index
    %swap3A_565 = vector.load %arg22[%swap3A_562, %swap3A_563, %swap3A_564] : memref<24x304x128xbf16, #tpu.memory_space<vmem>>, vector<1x304x128xbf16>
    %swap3A_566 = vector.shape_cast %swap3A_565 : vector<1x304x128xbf16> to vector<304x128xbf16>
    %swap3A_567 = vector.shape_cast %convert_element_type3A_561 : vector<304x128xbf16> to vector<1x304x128xbf16>
    tpu.vector_store %arg22[%swap3A_562, %swap3A_563, %swap3A_564], %swap3A_567 {strides = array<i32>} : memref<24x304x128xbf16, #tpu.memory_space<vmem>>, vector<1x304x128xbf16>,
    %get3A_568 = arith.constant 15 : index
    %get3A_569 = arith.constant 0 : index
    %get3A_570 = arith.constant 0 : index
    %get3A_571 = vector.load %arg21[%get3A_568, %get3A_569, %get3A_570] : memref<24x304x384xbf16, #tpu.memory_space<vmem>>, vector<1x304x128xbf16>
    %get3A_572 = vector.shape_cast %get3A_571 : vector<1x304x128xbf16> to vector<304x128xbf16>
    %get3A_573 = arith.constant 15 : index
    %get3A_574 = arith.constant 0 : index
    %get3A_575 = arith.constant 128 : index
    %get3A_576 = vector.load %arg21[%get3A_573, %get3A_574, %get3A_575] : memref<24x304x384xbf16, #tpu.memory_space<vmem>>, vector<1x304x128xbf16>
    %get3A_577 = vector.shape_cast %get3A_576 : vector<1x304x128xbf16> to vector<304x128xbf16>
    %get3A_578 = arith.constant 15 : index
    %get3A_579 = arith.constant 0 : index
    %get3A_580 = arith.constant 256 : index
    %get3A_581 = vector.load %arg21[%get3A_578, %get3A_579, %get3A_580] : memref<24x304x384xbf16, #tpu.memory_space<vmem>>, vector<1x304x128xbf16>
    %get3A_582 = vector.shape_cast %get3A_581 : vector<1x304x128xbf16> to vector<304x128xbf16>
    %dot_general3A_583 = arith.constant dense<0.000000e+00> : vector<304x304xf32>
    %dot_general3A_584 = tpu.matmul %get3A_572, %get3A_577, %dot_general3A_583 {dimension_numbers = #tpu.dot_dimension_numbers<[1], [1], [0], [0], [0, 0, 1, 0], [], []>, transpose_lhs_hint = false} : vector<304x128xbf16>, vector<304x128xbf16>, vector<304x304xf32> -> vector<304x304xf32>
    %jit3A_585 = arith.constant -1.000000e+30 : f32
    %broadcast_in_dim3A_586 = vector.broadcast %jit3A_585 : f32 to vector<304x304xf32>
    %select_n3A_587 = arith.select %ge3A, %dot_general3A_584, %broadcast_in_dim3A_586 : vector<304x304xi1>, vector<304x304xf32>
    %exp3A_588 = math.exp %select_n3A_587 : vector<304x304xf32>
    %convert_element_type3A_589 = arith.truncf %exp3A_588 : vector<304x304xf32> to vector<304x304xbf16>
    %dot_general3A_590 = arith.constant dense<0.000000e+00> : vector<304x128xf32>
    %dot_general3A_591 = tpu.matmul %convert_element_type3A_589, %get3A_582, %dot_general3A_590 {dimension_numbers = #tpu.dot_dimension_numbers<[1], [0], [0], [1], [0, 0, 1, 1], [], []>, transpose_lhs_hint = false} : vector<304x304xbf16>, vector<304x128xbf16>, vector<304x128xf32> -> vector<304x128xf32>
    %reduce_sum3A_592 = arith.constant dense<0.000000e+00> : vector<304xf32>
    %reduce_sum3A_593 = vector.multi_reduction <add>, %exp3A_588, %reduce_sum3A_592 [1] : vector<304x304xf32> to vector<304xf32>
    %broadcast_in_dim3A_594 = vector.shape_cast %reduce_sum3A_593 : vector<304xf32> to vector<304x1xf32>
    %div3A_595 = vector.broadcast %broadcast_in_dim3A_594 : vector<304x1xf32> to vector<304x128xf32>
    %div3A_596 = arith.divf %dot_general3A_591, %div3A_595 : vector<304x128xf32>
    %convert_element_type3A_597 = arith.truncf %div3A_596 : vector<304x128xf32> to vector<304x128xbf16>
    %swap3A_598 = arith.constant 15 : index
    %swap3A_599 = arith.constant 0 : index
    %swap3A_600 = arith.constant 0 : index
    %swap3A_601 = vector.load %arg22[%swap3A_598, %swap3A_599, %swap3A_600] : memref<24x304x128xbf16, #tpu.memory_space<vmem>>, vector<1x304x128xbf16>
    %swap3A_602 = vector.shape_cast %swap3A_601 : vector<1x304x128xbf16> to vector<304x128xbf16>
    %swap3A_603 = vector.shape_cast %convert_element_type3A_597 : vector<304x128xbf16> to vector<1x304x128xbf16>
    tpu.vector_store %arg22[%swap3A_598, %swap3A_599, %swap3A_600], %swap3A_603 {strides = array<i32>} : memref<24x304x128xbf16, #tpu.memory_space<vmem>>, vector<1x304x128xbf16>,
    %get3A_604 = arith.constant 16 : index
    %get3A_605 = arith.constant 0 : index
    %get3A_606 = arith.constant 0 : index
    %get3A_607 = vector.load %arg21[%get3A_604, %get3A_605, %get3A_606] : memref<24x304x384xbf16, #tpu.memory_space<vmem>>, vector<1x304x128xbf16>
    %get3A_608 = vector.shape_cast %get3A_607 : vector<1x304x128xbf16> to vector<304x128xbf16>
    %get3A_609 = arith.constant 16 : index
    %get3A_610 = arith.constant 0 : index
    %get3A_611 = arith.constant 128 : index
    %get3A_612 = vector.load %arg21[%get3A_609, %get3A_610, %get3A_611] : memref<24x304x384xbf16, #tpu.memory_space<vmem>>, vector<1x304x128xbf16>
    %get3A_613 = vector.shape_cast %get3A_612 : vector<1x304x128xbf16> to vector<304x128xbf16>
    %get3A_614 = arith.constant 16 : index
    %get3A_615 = arith.constant 0 : index
    %get3A_616 = arith.constant 256 : index
    %get3A_617 = vector.load %arg21[%get3A_614, %get3A_615, %get3A_616] : memref<24x304x384xbf16, #tpu.memory_space<vmem>>, vector<1x304x128xbf16>
    %get3A_618 = vector.shape_cast %get3A_617 : vector<1x304x128xbf16> to vector<304x128xbf16>
    %dot_general3A_619 = arith.constant dense<0.000000e+00> : vector<304x304xf32>
    %dot_general3A_620 = tpu.matmul %get3A_608, %get3A_613, %dot_general3A_619 {dimension_numbers = #tpu.dot_dimension_numbers<[1], [1], [0], [0], [0, 0, 1, 0], [], []>, transpose_lhs_hint = false} : vector<304x128xbf16>, vector<304x128xbf16>, vector<304x304xf32> -> vector<304x304xf32>
    %jit3A_621 = arith.constant -1.000000e+30 : f32
    %broadcast_in_dim3A_622 = vector.broadcast %jit3A_621 : f32 to vector<304x304xf32>
    %select_n3A_623 = arith.select %ge3A, %dot_general3A_620, %broadcast_in_dim3A_622 : vector<304x304xi1>, vector<304x304xf32>
    %exp3A_624 = math.exp %select_n3A_623 : vector<304x304xf32>
    %convert_element_type3A_625 = arith.truncf %exp3A_624 : vector<304x304xf32> to vector<304x304xbf16>
    %dot_general3A_626 = arith.constant dense<0.000000e+00> : vector<304x128xf32>
    %dot_general3A_627 = tpu.matmul %convert_element_type3A_625, %get3A_618, %dot_general3A_626 {dimension_numbers = #tpu.dot_dimension_numbers<[1], [0], [0], [1], [0, 0, 1, 1], [], []>, transpose_lhs_hint = false} : vector<304x304xbf16>, vector<304x128xbf16>, vector<304x128xf32> -> vector<304x128xf32>
    %reduce_sum3A_628 = arith.constant dense<0.000000e+00> : vector<304xf32>
    %reduce_sum3A_629 = vector.multi_reduction <add>, %exp3A_624, %reduce_sum3A_628 [1] : vector<304x304xf32> to vector<304xf32>
    %broadcast_in_dim3A_630 = vector.shape_cast %reduce_sum3A_629 : vector<304xf32> to vector<304x1xf32>
    %div3A_631 = vector.broadcast %broadcast_in_dim3A_630 : vector<304x1xf32> to vector<304x128xf32>
    %div3A_632 = arith.divf %dot_general3A_627, %div3A_631 : vector<304x128xf32>
    %convert_element_type3A_633 = arith.truncf %div3A_632 : vector<304x128xf32> to vector<304x128xbf16>
    %swap3A_634 = arith.constant 16 : index
    %swap3A_635 = arith.constant 0 : index
    %swap3A_636 = arith.constant 0 : index
    %swap3A_637 = vector.load %arg22[%swap3A_634, %swap3A_635, %swap3A_636] : memref<24x304x128xbf16, #tpu.memory_space<vmem>>, vector<1x304x128xbf16>
    %swap3A_638 = vector.shape_cast %swap3A_637 : vector<1x304x128xbf16> to vector<304x128xbf16>
    %swap3A_639 = vector.shape_cast %convert_element_type3A_633 : vector<304x128xbf16> to vector<1x304x128xbf16>
    tpu.vector_store %arg22[%swap3A_634, %swap3A_635, %swap3A_636], %swap3A_639 {strides = array<i32>} : memref<24x304x128xbf16, #tpu.memory_space<vmem>>, vector<1x304x128xbf16>,
    %get3A_640 = arith.constant 17 : index
    %get3A_641 = arith.constant 0 : index
    %get3A_642 = arith.constant 0 : index
    %get3A_643 = vector.load %arg21[%get3A_640, %get3A_641, %get3A_642] : memref<24x304x384xbf16, #tpu.memory_space<vmem>>, vector<1x304x128xbf16>
    %get3A_644 = vector.shape_cast %get3A_643 : vector<1x304x128xbf16> to vector<304x128xbf16>
    %get3A_645 = arith.constant 17 : index
    %get3A_646 = arith.constant 0 : index
    %get3A_647 = arith.constant 128 : index
    %get3A_648 = vector.load %arg21[%get3A_645, %get3A_646, %get3A_647] : memref<24x304x384xbf16, #tpu.memory_space<vmem>>, vector<1x304x128xbf16>
    %get3A_649 = vector.shape_cast %get3A_648 : vector<1x304x128xbf16> to vector<304x128xbf16>
    %get3A_650 = arith.constant 17 : index
    %get3A_651 = arith.constant 0 : index
    %get3A_652 = arith.constant 256 : index
    %get3A_653 = vector.load %arg21[%get3A_650, %get3A_651, %get3A_652] : memref<24x304x384xbf16, #tpu.memory_space<vmem>>, vector<1x304x128xbf16>
    %get3A_654 = vector.shape_cast %get3A_653 : vector<1x304x128xbf16> to vector<304x128xbf16>
    %dot_general3A_655 = arith.constant dense<0.000000e+00> : vector<304x304xf32>
    %dot_general3A_656 = tpu.matmul %get3A_644, %get3A_649, %dot_general3A_655 {dimension_numbers = #tpu.dot_dimension_numbers<[1], [1], [0], [0], [0, 0, 1, 0], [], []>, transpose_lhs_hint = false} : vector<304x128xbf16>, vector<304x128xbf16>, vector<304x304xf32> -> vector<304x304xf32>
    %jit3A_657 = arith.constant -1.000000e+30 : f32
    %broadcast_in_dim3A_658 = vector.broadcast %jit3A_657 : f32 to vector<304x304xf32>
    %select_n3A_659 = arith.select %ge3A, %dot_general3A_656, %broadcast_in_dim3A_658 : vector<304x304xi1>, vector<304x304xf32>
    %exp3A_660 = math.exp %select_n3A_659 : vector<304x304xf32>
    %convert_element_type3A_661 = arith.truncf %exp3A_660 : vector<304x304xf32> to vector<304x304xbf16>
    %dot_general3A_662 = arith.constant dense<0.000000e+00> : vector<304x128xf32>
    %dot_general3A_663 = tpu.matmul %convert_element_type3A_661, %get3A_654, %dot_general3A_662 {dimension_numbers = #tpu.dot_dimension_numbers<[1], [0], [0], [1], [0, 0, 1, 1], [], []>, transpose_lhs_hint = false} : vector<304x304xbf16>, vector<304x128xbf16>, vector<304x128xf32> -> vector<304x128xf32>
    %reduce_sum3A_664 = arith.constant dense<0.000000e+00> : vector<304xf32>
    %reduce_sum3A_665 = vector.multi_reduction <add>, %exp3A_660, %reduce_sum3A_664 [1] : vector<304x304xf32> to vector<304xf32>
    %broadcast_in_dim3A_666 = vector.shape_cast %reduce_sum3A_665 : vector<304xf32> to vector<304x1xf32>
    %div3A_667 = vector.broadcast %broadcast_in_dim3A_666 : vector<304x1xf32> to vector<304x128xf32>
    %div3A_668 = arith.divf %dot_general3A_663, %div3A_667 : vector<304x128xf32>
    %convert_element_type3A_669 = arith.truncf %div3A_668 : vector<304x128xf32> to vector<304x128xbf16>
    %swap3A_670 = arith.constant 17 : index
    %swap3A_671 = arith.constant 0 : index
    %swap3A_672 = arith.constant 0 : index
    %swap3A_673 = vector.load %arg22[%swap3A_670, %swap3A_671, %swap3A_672] : memref<24x304x128xbf16, #tpu.memory_space<vmem>>, vector<1x304x128xbf16>
    %swap3A_674 = vector.shape_cast %swap3A_673 : vector<1x304x128xbf16> to vector<304x128xbf16>
    %swap3A_675 = vector.shape_cast %convert_element_type3A_669 : vector<304x128xbf16> to vector<1x304x128xbf16>
    tpu.vector_store %arg22[%swap3A_670, %swap3A_671, %swap3A_672], %swap3A_675 {strides = array<i32>} : memref<24x304x128xbf16, #tpu.memory_space<vmem>>, vector<1x304x128xbf16>,
    %get3A_676 = arith.constant 18 : index
    %get3A_677 = arith.constant 0 : index
    %get3A_678 = arith.constant 0 : index
    %get3A_679 = vector.load %arg21[%get3A_676, %get3A_677, %get3A_678] : memref<24x304x384xbf16, #tpu.memory_space<vmem>>, vector<1x304x128xbf16>
    %get3A_680 = vector.shape_cast %get3A_679 : vector<1x304x128xbf16> to vector<304x128xbf16>
    %get3A_681 = arith.constant 18 : index
    %get3A_682 = arith.constant 0 : index
    %get3A_683 = arith.constant 128 : index
    %get3A_684 = vector.load %arg21[%get3A_681, %get3A_682, %get3A_683] : memref<24x304x384xbf16, #tpu.memory_space<vmem>>, vector<1x304x128xbf16>
    %get3A_685 = vector.shape_cast %get3A_684 : vector<1x304x128xbf16> to vector<304x128xbf16>
    %get3A_686 = arith.constant 18 : index
    %get3A_687 = arith.constant 0 : index
    %get3A_688 = arith.constant 256 : index
    %get3A_689 = vector.load %arg21[%get3A_686, %get3A_687, %get3A_688] : memref<24x304x384xbf16, #tpu.memory_space<vmem>>, vector<1x304x128xbf16>
    %get3A_690 = vector.shape_cast %get3A_689 : vector<1x304x128xbf16> to vector<304x128xbf16>
    %dot_general3A_691 = arith.constant dense<0.000000e+00> : vector<304x304xf32>
    %dot_general3A_692 = tpu.matmul %get3A_680, %get3A_685, %dot_general3A_691 {dimension_numbers = #tpu.dot_dimension_numbers<[1], [1], [0], [0], [0, 0, 1, 0], [], []>, transpose_lhs_hint = false} : vector<304x128xbf16>, vector<304x128xbf16>, vector<304x304xf32> -> vector<304x304xf32>
    %jit3A_693 = arith.constant -1.000000e+30 : f32
    %broadcast_in_dim3A_694 = vector.broadcast %jit3A_693 : f32 to vector<304x304xf32>
    %select_n3A_695 = arith.select %ge3A, %dot_general3A_692, %broadcast_in_dim3A_694 : vector<304x304xi1>, vector<304x304xf32>
    %exp3A_696 = math.exp %select_n3A_695 : vector<304x304xf32>
    %convert_element_type3A_697 = arith.truncf %exp3A_696 : vector<304x304xf32> to vector<304x304xbf16>
    %dot_general3A_698 = arith.constant dense<0.000000e+00> : vector<304x128xf32>
    %dot_general3A_699 = tpu.matmul %convert_element_type3A_697, %get3A_690, %dot_general3A_698 {dimension_numbers = #tpu.dot_dimension_numbers<[1], [0], [0], [1], [0, 0, 1, 1], [], []>, transpose_lhs_hint = false} : vector<304x304xbf16>, vector<304x128xbf16>, vector<304x128xf32> -> vector<304x128xf32>
    %reduce_sum3A_700 = arith.constant dense<0.000000e+00> : vector<304xf32>
    %reduce_sum3A_701 = vector.multi_reduction <add>, %exp3A_696, %reduce_sum3A_700 [1] : vector<304x304xf32> to vector<304xf32>
    %broadcast_in_dim3A_702 = vector.shape_cast %reduce_sum3A_701 : vector<304xf32> to vector<304x1xf32>
    %div3A_703 = vector.broadcast %broadcast_in_dim3A_702 : vector<304x1xf32> to vector<304x128xf32>
    %div3A_704 = arith.divf %dot_general3A_699, %div3A_703 : vector<304x128xf32>
    %convert_element_type3A_705 = arith.truncf %div3A_704 : vector<304x128xf32> to vector<304x128xbf16>
    %swap3A_706 = arith.constant 18 : index
    %swap3A_707 = arith.constant 0 : index
    %swap3A_708 = arith.constant 0 : index
    %swap3A_709 = vector.load %arg22[%swap3A_706, %swap3A_707, %swap3A_708] : memref<24x304x128xbf16, #tpu.memory_space<vmem>>, vector<1x304x128xbf16>
    %swap3A_710 = vector.shape_cast %swap3A_709 : vector<1x304x128xbf16> to vector<304x128xbf16>
    %swap3A_711 = vector.shape_cast %convert_element_type3A_705 : vector<304x128xbf16> to vector<1x304x128xbf16>
    tpu.vector_store %arg22[%swap3A_706, %swap3A_707, %swap3A_708], %swap3A_711 {strides = array<i32>} : memref<24x304x128xbf16, #tpu.memory_space<vmem>>, vector<1x304x128xbf16>,
    %get3A_712 = arith.constant 19 : index
    %get3A_713 = arith.constant 0 : index
    %get3A_714 = arith.constant 0 : index
    %get3A_715 = vector.load %arg21[%get3A_712, %get3A_713, %get3A_714] : memref<24x304x384xbf16, #tpu.memory_space<vmem>>, vector<1x304x128xbf16>
    %get3A_716 = vector.shape_cast %get3A_715 : vector<1x304x128xbf16> to vector<304x128xbf16>
    %get3A_717 = arith.constant 19 : index
    %get3A_718 = arith.constant 0 : index
    %get3A_719 = arith.constant 128 : index
    %get3A_720 = vector.load %arg21[%get3A_717, %get3A_718, %get3A_719] : memref<24x304x384xbf16, #tpu.memory_space<vmem>>, vector<1x304x128xbf16>
    %get3A_721 = vector.shape_cast %get3A_720 : vector<1x304x128xbf16> to vector<304x128xbf16>
    %get3A_722 = arith.constant 19 : index
    %get3A_723 = arith.constant 0 : index
    %get3A_724 = arith.constant 256 : index
    %get3A_725 = vector.load %arg21[%get3A_722, %get3A_723, %get3A_724] : memref<24x304x384xbf16, #tpu.memory_space<vmem>>, vector<1x304x128xbf16>
    %get3A_726 = vector.shape_cast %get3A_725 : vector<1x304x128xbf16> to vector<304x128xbf16>
    %dot_general3A_727 = arith.constant dense<0.000000e+00> : vector<304x304xf32>
    %dot_general3A_728 = tpu.matmul %get3A_716, %get3A_721, %dot_general3A_727 {dimension_numbers = #tpu.dot_dimension_numbers<[1], [1], [0], [0], [0, 0, 1, 0], [], []>, transpose_lhs_hint = false} : vector<304x128xbf16>, vector<304x128xbf16>, vector<304x304xf32> -> vector<304x304xf32>
    %jit3A_729 = arith.constant -1.000000e+30 : f32
    %broadcast_in_dim3A_730 = vector.broadcast %jit3A_729 : f32 to vector<304x304xf32>
    %select_n3A_731 = arith.select %ge3A, %dot_general3A_728, %broadcast_in_dim3A_730 : vector<304x304xi1>, vector<304x304xf32>
    %exp3A_732 = math.exp %select_n3A_731 : vector<304x304xf32>
    %convert_element_type3A_733 = arith.truncf %exp3A_732 : vector<304x304xf32> to vector<304x304xbf16>
    %dot_general3A_734 = arith.constant dense<0.000000e+00> : vector<304x128xf32>
    %dot_general3A_735 = tpu.matmul %convert_element_type3A_733, %get3A_726, %dot_general3A_734 {dimension_numbers = #tpu.dot_dimension_numbers<[1], [0], [0], [1], [0, 0, 1, 1], [], []>, transpose_lhs_hint = false} : vector<304x304xbf16>, vector<304x128xbf16>, vector<304x128xf32> -> vector<304x128xf32>
    %reduce_sum3A_736 = arith.constant dense<0.000000e+00> : vector<304xf32>
    %reduce_sum3A_737 = vector.multi_reduction <add>, %exp3A_732, %reduce_sum3A_736 [1] : vector<304x304xf32> to vector<304xf32>
    %broadcast_in_dim3A_738 = vector.shape_cast %reduce_sum3A_737 : vector<304xf32> to vector<304x1xf32>
    %div3A_739 = vector.broadcast %broadcast_in_dim3A_738 : vector<304x1xf32> to vector<304x128xf32>
    %div3A_740 = arith.divf %dot_general3A_735, %div3A_739 : vector<304x128xf32>
    %convert_element_type3A_741 = arith.truncf %div3A_740 : vector<304x128xf32> to vector<304x128xbf16>
    %swap3A_742 = arith.constant 19 : index
    %swap3A_743 = arith.constant 0 : index
    %swap3A_744 = arith.constant 0 : index
    %swap3A_745 = vector.load %arg22[%swap3A_742, %swap3A_743, %swap3A_744] : memref<24x304x128xbf16, #tpu.memory_space<vmem>>, vector<1x304x128xbf16>
    %swap3A_746 = vector.shape_cast %swap3A_745 : vector<1x304x128xbf16> to vector<304x128xbf16>
    %swap3A_747 = vector.shape_cast %convert_element_type3A_741 : vector<304x128xbf16> to vector<1x304x128xbf16>
    tpu.vector_store %arg22[%swap3A_742, %swap3A_743, %swap3A_744], %swap3A_747 {strides = array<i32>} : memref<24x304x128xbf16, #tpu.memory_space<vmem>>, vector<1x304x128xbf16>,
    %get3A_748 = arith.constant 20 : index
    %get3A_749 = arith.constant 0 : index
    %get3A_750 = arith.constant 0 : index
    %get3A_751 = vector.load %arg21[%get3A_748, %get3A_749, %get3A_750] : memref<24x304x384xbf16, #tpu.memory_space<vmem>>, vector<1x304x128xbf16>
    %get3A_752 = vector.shape_cast %get3A_751 : vector<1x304x128xbf16> to vector<304x128xbf16>
    %get3A_753 = arith.constant 20 : index
    %get3A_754 = arith.constant 0 : index
    %get3A_755 = arith.constant 128 : index
    %get3A_756 = vector.load %arg21[%get3A_753, %get3A_754, %get3A_755] : memref<24x304x384xbf16, #tpu.memory_space<vmem>>, vector<1x304x128xbf16>
    %get3A_757 = vector.shape_cast %get3A_756 : vector<1x304x128xbf16> to vector<304x128xbf16>
    %get3A_758 = arith.constant 20 : index
    %get3A_759 = arith.constant 0 : index
    %get3A_760 = arith.constant 256 : index
    %get3A_761 = vector.load %arg21[%get3A_758, %get3A_759, %get3A_760] : memref<24x304x384xbf16, #tpu.memory_space<vmem>>, vector<1x304x128xbf16>
    %get3A_762 = vector.shape_cast %get3A_761 : vector<1x304x128xbf16> to vector<304x128xbf16>
    %dot_general3A_763 = arith.constant dense<0.000000e+00> : vector<304x304xf32>
    %dot_general3A_764 = tpu.matmul %get3A_752, %get3A_757, %dot_general3A_763 {dimension_numbers = #tpu.dot_dimension_numbers<[1], [1], [0], [0], [0, 0, 1, 0], [], []>, transpose_lhs_hint = false} : vector<304x128xbf16>, vector<304x128xbf16>, vector<304x304xf32> -> vector<304x304xf32>
    %jit3A_765 = arith.constant -1.000000e+30 : f32
    %broadcast_in_dim3A_766 = vector.broadcast %jit3A_765 : f32 to vector<304x304xf32>
    %select_n3A_767 = arith.select %ge3A, %dot_general3A_764, %broadcast_in_dim3A_766 : vector<304x304xi1>, vector<304x304xf32>
    %exp3A_768 = math.exp %select_n3A_767 : vector<304x304xf32>
    %convert_element_type3A_769 = arith.truncf %exp3A_768 : vector<304x304xf32> to vector<304x304xbf16>
    %dot_general3A_770 = arith.constant dense<0.000000e+00> : vector<304x128xf32>
    %dot_general3A_771 = tpu.matmul %convert_element_type3A_769, %get3A_762, %dot_general3A_770 {dimension_numbers = #tpu.dot_dimension_numbers<[1], [0], [0], [1], [0, 0, 1, 1], [], []>, transpose_lhs_hint = false} : vector<304x304xbf16>, vector<304x128xbf16>, vector<304x128xf32> -> vector<304x128xf32>
    %reduce_sum3A_772 = arith.constant dense<0.000000e+00> : vector<304xf32>
    %reduce_sum3A_773 = vector.multi_reduction <add>, %exp3A_768, %reduce_sum3A_772 [1] : vector<304x304xf32> to vector<304xf32>
    %broadcast_in_dim3A_774 = vector.shape_cast %reduce_sum3A_773 : vector<304xf32> to vector<304x1xf32>
    %div3A_775 = vector.broadcast %broadcast_in_dim3A_774 : vector<304x1xf32> to vector<304x128xf32>
    %div3A_776 = arith.divf %dot_general3A_771, %div3A_775 : vector<304x128xf32>
    %convert_element_type3A_777 = arith.truncf %div3A_776 : vector<304x128xf32> to vector<304x128xbf16>
    %swap3A_778 = arith.constant 20 : index
    %swap3A_779 = arith.constant 0 : index
    %swap3A_780 = arith.constant 0 : index
    %swap3A_781 = vector.load %arg22[%swap3A_778, %swap3A_779, %swap3A_780] : memref<24x304x128xbf16, #tpu.memory_space<vmem>>, vector<1x304x128xbf16>
    %swap3A_782 = vector.shape_cast %swap3A_781 : vector<1x304x128xbf16> to vector<304x128xbf16>
    %swap3A_783 = vector.shape_cast %convert_element_type3A_777 : vector<304x128xbf16> to vector<1x304x128xbf16>
    tpu.vector_store %arg22[%swap3A_778, %swap3A_779, %swap3A_780], %swap3A_783 {strides = array<i32>} : memref<24x304x128xbf16, #tpu.memory_space<vmem>>, vector<1x304x128xbf16>,
    %get3A_784 = arith.constant 21 : index
    %get3A_785 = arith.constant 0 : index
    %get3A_786 = arith.constant 0 : index
    %get3A_787 = vector.load %arg21[%get3A_784, %get3A_785, %get3A_786] : memref<24x304x384xbf16, #tpu.memory_space<vmem>>, vector<1x304x128xbf16>
    %get3A_788 = vector.shape_cast %get3A_787 : vector<1x304x128xbf16> to vector<304x128xbf16>
    %get3A_789 = arith.constant 21 : index
    %get3A_790 = arith.constant 0 : index
    %get3A_791 = arith.constant 128 : index
    %get3A_792 = vector.load %arg21[%get3A_789, %get3A_790, %get3A_791] : memref<24x304x384xbf16, #tpu.memory_space<vmem>>, vector<1x304x128xbf16>
    %get3A_793 = vector.shape_cast %get3A_792 : vector<1x304x128xbf16> to vector<304x128xbf16>
    %get3A_794 = arith.constant 21 : index
    %get3A_795 = arith.constant 0 : index
    %get3A_796 = arith.constant 256 : index
    %get3A_797 = vector.load %arg21[%get3A_794, %get3A_795, %get3A_796] : memref<24x304x384xbf16, #tpu.memory_space<vmem>>, vector<1x304x128xbf16>
    %get3A_798 = vector.shape_cast %get3A_797 : vector<1x304x128xbf16> to vector<304x128xbf16>
    %dot_general3A_799 = arith.constant dense<0.000000e+00> : vector<304x304xf32>
    %dot_general3A_800 = tpu.matmul %get3A_788, %get3A_793, %dot_general3A_799 {dimension_numbers = #tpu.dot_dimension_numbers<[1], [1], [0], [0], [0, 0, 1, 0], [], []>, transpose_lhs_hint = false} : vector<304x128xbf16>, vector<304x128xbf16>, vector<304x304xf32> -> vector<304x304xf32>
    %jit3A_801 = arith.constant -1.000000e+30 : f32
    %broadcast_in_dim3A_802 = vector.broadcast %jit3A_801 : f32 to vector<304x304xf32>
    %select_n3A_803 = arith.select %ge3A, %dot_general3A_800, %broadcast_in_dim3A_802 : vector<304x304xi1>, vector<304x304xf32>
    %exp3A_804 = math.exp %select_n3A_803 : vector<304x304xf32>
    %convert_element_type3A_805 = arith.truncf %exp3A_804 : vector<304x304xf32> to vector<304x304xbf16>
    %dot_general3A_806 = arith.constant dense<0.000000e+00> : vector<304x128xf32>
    %dot_general3A_807 = tpu.matmul %convert_element_type3A_805, %get3A_798, %dot_general3A_806 {dimension_numbers = #tpu.dot_dimension_numbers<[1], [0], [0], [1], [0, 0, 1, 1], [], []>, transpose_lhs_hint = false} : vector<304x304xbf16>, vector<304x128xbf16>, vector<304x128xf32> -> vector<304x128xf32>
    %reduce_sum3A_808 = arith.constant dense<0.000000e+00> : vector<304xf32>
    %reduce_sum3A_809 = vector.multi_reduction <add>, %exp3A_804, %reduce_sum3A_808 [1] : vector<304x304xf32> to vector<304xf32>
    %broadcast_in_dim3A_810 = vector.shape_cast %reduce_sum3A_809 : vector<304xf32> to vector<304x1xf32>
    %div3A_811 = vector.broadcast %broadcast_in_dim3A_810 : vector<304x1xf32> to vector<304x128xf32>
    %div3A_812 = arith.divf %dot_general3A_807, %div3A_811 : vector<304x128xf32>
    %convert_element_type3A_813 = arith.truncf %div3A_812 : vector<304x128xf32> to vector<304x128xbf16>
    %swap3A_814 = arith.constant 21 : index
    %swap3A_815 = arith.constant 0 : index
    %swap3A_816 = arith.constant 0 : index
    %swap3A_817 = vector.load %arg22[%swap3A_814, %swap3A_815, %swap3A_816] : memref<24x304x128xbf16, #tpu.memory_space<vmem>>, vector<1x304x128xbf16>
    %swap3A_818 = vector.shape_cast %swap3A_817 : vector<1x304x128xbf16> to vector<304x128xbf16>
    %swap3A_819 = vector.shape_cast %convert_element_type3A_813 : vector<304x128xbf16> to vector<1x304x128xbf16>
    tpu.vector_store %arg22[%swap3A_814, %swap3A_815, %swap3A_816], %swap3A_819 {strides = array<i32>} : memref<24x304x128xbf16, #tpu.memory_space<vmem>>, vector<1x304x128xbf16>,
    %get3A_820 = arith.constant 22 : index
    %get3A_821 = arith.constant 0 : index
    %get3A_822 = arith.constant 0 : index
    %get3A_823 = vector.load %arg21[%get3A_820, %get3A_821, %get3A_822] : memref<24x304x384xbf16, #tpu.memory_space<vmem>>, vector<1x304x128xbf16>
    %get3A_824 = vector.shape_cast %get3A_823 : vector<1x304x128xbf16> to vector<304x128xbf16>
    %get3A_825 = arith.constant 22 : index
    %get3A_826 = arith.constant 0 : index
    %get3A_827 = arith.constant 128 : index
    %get3A_828 = vector.load %arg21[%get3A_825, %get3A_826, %get3A_827] : memref<24x304x384xbf16, #tpu.memory_space<vmem>>, vector<1x304x128xbf16>
    %get3A_829 = vector.shape_cast %get3A_828 : vector<1x304x128xbf16> to vector<304x128xbf16>
    %get3A_830 = arith.constant 22 : index
    %get3A_831 = arith.constant 0 : index
    %get3A_832 = arith.constant 256 : index
    %get3A_833 = vector.load %arg21[%get3A_830, %get3A_831, %get3A_832] : memref<24x304x384xbf16, #tpu.memory_space<vmem>>, vector<1x304x128xbf16>
    %get3A_834 = vector.shape_cast %get3A_833 : vector<1x304x128xbf16> to vector<304x128xbf16>
    %dot_general3A_835 = arith.constant dense<0.000000e+00> : vector<304x304xf32>
    %dot_general3A_836 = tpu.matmul %get3A_824, %get3A_829, %dot_general3A_835 {dimension_numbers = #tpu.dot_dimension_numbers<[1], [1], [0], [0], [0, 0, 1, 0], [], []>, transpose_lhs_hint = false} : vector<304x128xbf16>, vector<304x128xbf16>, vector<304x304xf32> -> vector<304x304xf32>
    %jit3A_837 = arith.constant -1.000000e+30 : f32
    %broadcast_in_dim3A_838 = vector.broadcast %jit3A_837 : f32 to vector<304x304xf32>
    %select_n3A_839 = arith.select %ge3A, %dot_general3A_836, %broadcast_in_dim3A_838 : vector<304x304xi1>, vector<304x304xf32>
    %exp3A_840 = math.exp %select_n3A_839 : vector<304x304xf32>
    %convert_element_type3A_841 = arith.truncf %exp3A_840 : vector<304x304xf32> to vector<304x304xbf16>
    %dot_general3A_842 = arith.constant dense<0.000000e+00> : vector<304x128xf32>
    %dot_general3A_843 = tpu.matmul %convert_element_type3A_841, %get3A_834, %dot_general3A_842 {dimension_numbers = #tpu.dot_dimension_numbers<[1], [0], [0], [1], [0, 0, 1, 1], [], []>, transpose_lhs_hint = false} : vector<304x304xbf16>, vector<304x128xbf16>, vector<304x128xf32> -> vector<304x128xf32>
    %reduce_sum3A_844 = arith.constant dense<0.000000e+00> : vector<304xf32>
    %reduce_sum3A_845 = vector.multi_reduction <add>, %exp3A_840, %reduce_sum3A_844 [1] : vector<304x304xf32> to vector<304xf32>
    %broadcast_in_dim3A_846 = vector.shape_cast %reduce_sum3A_845 : vector<304xf32> to vector<304x1xf32>
    %div3A_847 = vector.broadcast %broadcast_in_dim3A_846 : vector<304x1xf32> to vector<304x128xf32>
    %div3A_848 = arith.divf %dot_general3A_843, %div3A_847 : vector<304x128xf32>
    %convert_element_type3A_849 = arith.truncf %div3A_848 : vector<304x128xf32> to vector<304x128xbf16>
    %swap3A_850 = arith.constant 22 : index
    %swap3A_851 = arith.constant 0 : index
    %swap3A_852 = arith.constant 0 : index
    %swap3A_853 = vector.load %arg22[%swap3A_850, %swap3A_851, %swap3A_852] : memref<24x304x128xbf16, #tpu.memory_space<vmem>>, vector<1x304x128xbf16>
    %swap3A_854 = vector.shape_cast %swap3A_853 : vector<1x304x128xbf16> to vector<304x128xbf16>
    %swap3A_855 = vector.shape_cast %convert_element_type3A_849 : vector<304x128xbf16> to vector<1x304x128xbf16>
    tpu.vector_store %arg22[%swap3A_850, %swap3A_851, %swap3A_852], %swap3A_855 {strides = array<i32>} : memref<24x304x128xbf16, #tpu.memory_space<vmem>>, vector<1x304x128xbf16>,
    %get3A_856 = arith.constant 23 : index
    %get3A_857 = arith.constant 0 : index
    %get3A_858 = arith.constant 0 : index
    %get3A_859 = vector.load %arg21[%get3A_856, %get3A_857, %get3A_858] : memref<24x304x384xbf16, #tpu.memory_space<vmem>>, vector<1x304x128xbf16>
    %get3A_860 = vector.shape_cast %get3A_859 : vector<1x304x128xbf16> to vector<304x128xbf16>
    %get3A_861 = arith.constant 23 : index
    %get3A_862 = arith.constant 0 : index
    %get3A_863 = arith.constant 128 : index
    %get3A_864 = vector.load %arg21[%get3A_861, %get3A_862, %get3A_863] : memref<24x304x384xbf16, #tpu.memory_space<vmem>>, vector<1x304x128xbf16>
    %get3A_865 = vector.shape_cast %get3A_864 : vector<1x304x128xbf16> to vector<304x128xbf16>
    %get3A_866 = arith.constant 23 : index
    %get3A_867 = arith.constant 0 : index
    %get3A_868 = arith.constant 256 : index
    %get3A_869 = vector.load %arg21[%get3A_866, %get3A_867, %get3A_868] : memref<24x304x384xbf16, #tpu.memory_space<vmem>>, vector<1x304x128xbf16>
    %get3A_870 = vector.shape_cast %get3A_869 : vector<1x304x128xbf16> to vector<304x128xbf16>
    %dot_general3A_871 = arith.constant dense<0.000000e+00> : vector<304x304xf32>
    %dot_general3A_872 = tpu.matmul %get3A_860, %get3A_865, %dot_general3A_871 {dimension_numbers = #tpu.dot_dimension_numbers<[1], [1], [0], [0], [0, 0, 1, 0], [], []>, transpose_lhs_hint = false} : vector<304x128xbf16>, vector<304x128xbf16>, vector<304x304xf32> -> vector<304x304xf32>
    %jit3A_873 = arith.constant -1.000000e+30 : f32
    %broadcast_in_dim3A_874 = vector.broadcast %jit3A_873 : f32 to vector<304x304xf32>
    %select_n3A_875 = arith.select %ge3A, %dot_general3A_872, %broadcast_in_dim3A_874 : vector<304x304xi1>, vector<304x304xf32>
    %exp3A_876 = math.exp %select_n3A_875 : vector<304x304xf32>
    %convert_element_type3A_877 = arith.truncf %exp3A_876 : vector<304x304xf32> to vector<304x304xbf16>
    %dot_general3A_878 = arith.constant dense<0.000000e+00> : vector<304x128xf32>
    %dot_general3A_879 = tpu.matmul %convert_element_type3A_877, %get3A_870, %dot_general3A_878 {dimension_numbers = #tpu.dot_dimension_numbers<[1], [0], [0], [1], [0, 0, 1, 1], [], []>, transpose_lhs_hint = false} : vector<304x304xbf16>, vector<304x128xbf16>, vector<304x128xf32> -> vector<304x128xf32>
    %reduce_sum3A_880 = arith.constant dense<0.000000e+00> : vector<304xf32>
    %reduce_sum3A_881 = vector.multi_reduction <add>, %exp3A_876, %reduce_sum3A_880 [1] : vector<304x304xf32> to vector<304xf32>
    %broadcast_in_dim3A_882 = vector.shape_cast %reduce_sum3A_881 : vector<304xf32> to vector<304x1xf32>
    %div3A_883 = vector.broadcast %broadcast_in_dim3A_882 : vector<304x1xf32> to vector<304x128xf32>
    %div3A_884 = arith.divf %dot_general3A_879, %div3A_883 : vector<304x128xf32>
    %convert_element_type3A_885 = arith.truncf %div3A_884 : vector<304x128xf32> to vector<304x128xbf16>
    %swap3A_886 = arith.constant 23 : index
    %swap3A_887 = arith.constant 0 : index
    %swap3A_888 = arith.constant 0 : index
    %swap3A_889 = vector.load %arg22[%swap3A_886, %swap3A_887, %swap3A_888] : memref<24x304x128xbf16, #tpu.memory_space<vmem>>, vector<1x304x128xbf16>
    %swap3A_890 = vector.shape_cast %swap3A_889 : vector<1x304x128xbf16> to vector<304x128xbf16>
    %swap3A_891 = vector.shape_cast %convert_element_type3A_885 : vector<304x128xbf16> to vector<1x304x128xbf16>
    tpu.vector_store %arg22[%swap3A_886, %swap3A_887, %swap3A_888], %swap3A_891 {strides = array<i32>} : memref<24x304x128xbf16, #tpu.memory_space<vmem>>, vector<1x304x128xbf16>,
    %get3A_892 = arith.constant 0 : index
    %get3A_893 = arith.constant 0 : index
    %get3A_894 = arith.constant 0 : index
    %get3A_895 = vector.load %arg22[%get3A_892, %get3A_893, %get3A_894] : memref<24x304x128xbf16, #tpu.memory_space<vmem>>, vector<24x304x128xbf16>
    %reshape3A_896 = vector.shape_cast %get3A_895 : vector<24x304x128xbf16> to vector<7296x128xbf16>
    %get3A_897 = arith.constant 0 : index
    %get3A_898 = arith.constant 0 : index
    %get3A_899 = vector.load %arg6[%get3A_897, %get3A_898] : memref<32x128xf32, #tpu.memory_space<vmem>>, vector<32x128xf32>
    %convert_element_type3A_900 = arith.truncf %reshape3A : vector<7296x32xf32> to vector<7296x32xbf16>
    %convert_element_type3A_901 = arith.truncf %get3A_899 : vector<32x128xf32> to vector<32x128xbf16>
    %dot_general3A_902 = arith.constant dense<0.000000e+00> : vector<7296x128xf32>
    %dot_general3A_903 = tpu.matmul %convert_element_type3A_900, %convert_element_type3A_901, %dot_general3A_902 {dimension_numbers = #tpu.dot_dimension_numbers<[1], [0], [0], [1], [0, 0, 1, 1], [], []>, transpose_lhs_hint = false} : vector<7296x32xbf16>, vector<32x128xbf16>, vector<7296x128xf32> -> vector<7296x128xf32>
    %get3A_904 = arith.constant 0 : index
    %get3A_905 = arith.constant 0 : index
    %get3A_906 = vector.load %arg7[%get3A_904, %get3A_905] : memref<1x128xf32, #tpu.memory_space<vmem>>, vector<1x128xf32>
    %add3A_907 = vector.broadcast %get3A_906 : vector<1x128xf32> to vector<7296x128xf32>
    %add3A_908 = arith.addf %dot_general3A_903, %add3A_907 : vector<7296x128xf32>
    %get3A_909 = arith.constant 0 : index
    %get3A_910 = arith.constant 0 : index
    %get3A_911 = vector.load %arg4[%get3A_909, %get3A_910] : memref<128x128xf32, #tpu.memory_space<vmem>>, vector<128x128xf32>
    %convert_element_type3A_912 = arith.truncf %get3A_911 : vector<128x128xf32> to vector<128x128xbf16>
    %dot_general3A_913 = arith.constant dense<0.000000e+00> : vector<7296x128xf32>
    %dot_general3A_914 = tpu.matmul %reshape3A_896, %convert_element_type3A_912, %dot_general3A_913 {dimension_numbers = #tpu.dot_dimension_numbers<[1], [0], [0], [1], [0, 0, 1, 1], [], []>, transpose_lhs_hint = false} : vector<7296x128xbf16>, vector<128x128xbf16>, vector<7296x128xf32> -> vector<7296x128xf32>
    %add3A_915 = arith.addf %add3A_908, %dot_general3A_914 : vector<7296x128xf32>
    %get3A_916 = arith.constant 0 : index
    %get3A_917 = arith.constant 0 : index
    %get3A_918 = vector.load %arg5[%get3A_916, %get3A_917] : memref<1x128xf32, #tpu.memory_space<vmem>>, vector<1x128xf32>
    %add3A_919 = vector.broadcast %get3A_918 : vector<1x128xf32> to vector<7296x128xf32>
    %add3A_920 = arith.addf %add3A_915, %add3A_919 : vector<7296x128xf32>
    %broadcast_in_dim3A_921 = arith.constant 7.812500e-03 : f32
    %broadcast_in_dim3A_922 = vector.broadcast %broadcast_in_dim3A_921 : f32 to vector<128x1xf32>
    %dot_general3A_923 = arith.constant dense<0.000000e+00> : vector<7296x1xf32>
    %dot_general3A_924 = tpu.matmul %add3A_920, %broadcast_in_dim3A_922, %dot_general3A_923 {dimension_numbers = #tpu.dot_dimension_numbers<[1], [0], [0], [1], [0, 0, 1, 1], [], []>, transpose_lhs_hint = false} : vector<7296x128xf32>, vector<128x1xf32>, vector<7296x1xf32> -> vector<7296x1xf32>
    %mul3A_925 = arith.mulf %add3A_920, %add3A_920 : vector<7296x128xf32>
    %dot_general3A_926 = arith.constant dense<0.000000e+00> : vector<7296x1xf32>
    %dot_general3A_927 = tpu.matmul %mul3A_925, %broadcast_in_dim3A_922, %dot_general3A_926 {dimension_numbers = #tpu.dot_dimension_numbers<[1], [0], [0], [1], [0, 0, 1, 1], [], []>, transpose_lhs_hint = false} : vector<7296x128xf32>, vector<128x1xf32>, vector<7296x1xf32> -> vector<7296x1xf32>
    %sub3A_928 = vector.broadcast %dot_general3A_924 : vector<7296x1xf32> to vector<7296x128xf32>
    %sub3A_929 = arith.subf %add3A_920, %sub3A_928 : vector<7296x128xf32>
    %mul3A_930 = arith.mulf %dot_general3A_924, %dot_general3A_924 : vector<7296x1xf32>
    %sub3A_931 = arith.subf %dot_general3A_927, %mul3A_930 : vector<7296x1xf32>
    %add3A_932 = arith.constant 9.99999974E-6 : f32
    %add3A_933 = vector.broadcast %add3A_932 : f32 to vector<7296x1xf32>
    %add3A_934 = arith.addf %sub3A_931, %add3A_933 : vector<7296x1xf32>
    %rsqrt3A_935 = math.rsqrt %add3A_934 : vector<7296x1xf32>
    %mul3A_936 = vector.broadcast %rsqrt3A_935 : vector<7296x1xf32> to vector<7296x128xf32>
    %mul3A_937 = arith.mulf %sub3A_929, %mul3A_936 : vector<7296x128xf32>
    %get3A_938 = arith.constant 0 : index
    %get3A_939 = arith.constant 0 : index
    %get3A_940 = vector.load %arg8[%get3A_938, %get3A_939] : memref<128x256xf32, #tpu.memory_space<vmem>>, vector<128x256xf32>
    %convert_element_type3A_941 = arith.truncf %mul3A_937 : vector<7296x128xf32> to vector<7296x128xbf16>
    %convert_element_type3A_942 = arith.truncf %get3A_940 : vector<128x256xf32> to vector<128x256xbf16>
    %dot_general3A_943 = arith.constant dense<0.000000e+00> : vector<7296x256xf32>
    %dot_general3A_944 = tpu.matmul %convert_element_type3A_941, %convert_element_type3A_942, %dot_general3A_943 {dimension_numbers = #tpu.dot_dimension_numbers<[1], [0], [0], [1], [0, 0, 1, 1], [], []>, transpose_lhs_hint = false} : vector<7296x128xbf16>, vector<128x256xbf16>, vector<7296x256xf32> -> vector<7296x256xf32>
    %get3A_945 = arith.constant 0 : index
    %get3A_946 = arith.constant 0 : index
    %get3A_947 = vector.load %arg9[%get3A_945, %get3A_946] : memref<1x256xf32, #tpu.memory_space<vmem>>, vector<1x256xf32>
    %add3A_948 = vector.broadcast %get3A_947 : vector<1x256xf32> to vector<7296x256xf32>
    %add3A_949 = arith.addf %dot_general3A_944, %add3A_948 : vector<7296x256xf32>
    %swap3A_950 = arith.constant 0 : index
    %swap3A_951 = arith.constant 0 : index
    %swap3A_952 = vector.load %arg23[%swap3A_950, %swap3A_951] : memref<7296x256xf32, #tpu.memory_space<vmem>>, vector<7296x256xf32>
    tpu.vector_store %arg23[%swap3A_950, %swap3A_951], %add3A_949 {strides = array<i32>} : memref<7296x256xf32, #tpu.memory_space<vmem>>, vector<7296x256xf32>,
    %slice3A = vector.extract_strided_slice %add3A_920 {offsets = [6992, 0], sizes = [304, 128], strides = [1, 1]} : vector<7296x128xf32> to vector<304x128xf32>
    %slice3A_953 = vector.extract_strided_slice %mul3A_937 {offsets = [6992, 0], sizes = [304, 128], strides = [1, 1]} : vector<7296x128xf32> to vector<304x128xf32>
    %get3A_954 = arith.constant 0 : index
    %get3A_955 = arith.constant 0 : index
    %get3A_956 = vector.load %arg10[%get3A_954, %get3A_955] : memref<128x128xf32, #tpu.memory_space<vmem>>, vector<128x128xf32>
    %convert_element_type3A_957 = arith.truncf %slice3A_953 : vector<304x128xf32> to vector<304x128xbf16>
    %convert_element_type3A_958 = arith.truncf %get3A_956 : vector<128x128xf32> to vector<128x128xbf16>
    %dot_general3A_959 = arith.constant dense<0.000000e+00> : vector<304x128xf32>
    %dot_general3A_960 = tpu.matmul %convert_element_type3A_957, %convert_element_type3A_958, %dot_general3A_959 {dimension_numbers = #tpu.dot_dimension_numbers<[1], [0], [0], [1], [0, 0, 1, 1], [], []>, transpose_lhs_hint = false} : vector<304x128xbf16>, vector<128x128xbf16>, vector<304x128xf32> -> vector<304x128xf32>
    %get3A_961 = arith.constant 0 : index
    %get3A_962 = arith.constant 0 : index
    %get3A_963 = vector.load %arg11[%get3A_961, %get3A_962] : memref<1x128xf32, #tpu.memory_space<vmem>>, vector<1x128xf32>
    %add3A_964 = vector.broadcast %get3A_963 : vector<1x128xf32> to vector<304x128xf32>
    %add3A_965 = arith.addf %dot_general3A_960, %add3A_964 : vector<304x128xf32>
    %broadcast_in_dim3A_966 = arith.constant 1.000000e+00 : f32
    %broadcast_in_dim3A_967 = vector.broadcast %broadcast_in_dim3A_966 : f32 to vector<128x1xf32>
    %get3A_968 = arith.constant 0 : index
    %get3A_969 = arith.constant 0 : index
    %get3A_970 = vector.load %arg23[%get3A_968, %get3A_969] : memref<7296x256xf32, #tpu.memory_space<vmem>>, vector<304x128xf32>
    %mul3A_971 = arith.mulf %add3A_965, %get3A_970 : vector<304x128xf32>
    %dot_general3A_972 = arith.constant dense<0.000000e+00> : vector<304x1xf32>
    %dot_general3A_973 = tpu.matmul %mul3A_971, %broadcast_in_dim3A_967, %dot_general3A_972 {dimension_numbers = #tpu.dot_dimension_numbers<[1], [0], [0], [1], [0, 0, 1, 1], [], []>, transpose_lhs_hint = false} : vector<304x128xf32>, vector<128x1xf32>, vector<304x1xf32> -> vector<304x1xf32>
    %swap3A_974 = arith.constant 0 : index
    %swap3A_975 = arith.constant 0 : index
    %swap3A_976 = vector.load %arg24[%swap3A_974, %swap3A_975] : memref<304x128xf32, #tpu.memory_space<vmem>>, vector<304x1xf32>
    tpu.vector_store %arg24[%swap3A_974, %swap3A_975], %dot_general3A_973 {strides = array<i32>} : memref<304x128xf32, #tpu.memory_space<vmem>>, vector<304x1xf32>,
    %get3A_977 = arith.constant 304 : index
    %get3A_978 = arith.constant 0 : index
    %get3A_979 = vector.load %arg23[%get3A_977, %get3A_978] : memref<7296x256xf32, #tpu.memory_space<vmem>>, vector<304x128xf32>
    %mul3A_980 = arith.mulf %add3A_965, %get3A_979 : vector<304x128xf32>
    %dot_general3A_981 = arith.constant dense<0.000000e+00> : vector<304x1xf32>
    %dot_general3A_982 = tpu.matmul %mul3A_980, %broadcast_in_dim3A_967, %dot_general3A_981 {dimension_numbers = #tpu.dot_dimension_numbers<[1], [0], [0], [1], [0, 0, 1, 1], [], []>, transpose_lhs_hint = false} : vector<304x128xf32>, vector<128x1xf32>, vector<304x1xf32> -> vector<304x1xf32>
    %swap3A_983 = arith.constant 0 : index
    %swap3A_984 = arith.constant 1 : index
    %swap3A_985 = vector.load %arg24[%swap3A_983, %swap3A_984] : memref<304x128xf32, #tpu.memory_space<vmem>>, vector<304x1xf32>
    tpu.vector_store %arg24[%swap3A_983, %swap3A_984], %dot_general3A_982 {strides = array<i32>} : memref<304x128xf32, #tpu.memory_space<vmem>>, vector<304x1xf32>,
    %get3A_986 = arith.constant 608 : index
    %get3A_987 = arith.constant 0 : index
    %get3A_988 = vector.load %arg23[%get3A_986, %get3A_987] : memref<7296x256xf32, #tpu.memory_space<vmem>>, vector<304x128xf32>
    %mul3A_989 = arith.mulf %add3A_965, %get3A_988 : vector<304x128xf32>
    %dot_general3A_990 = arith.constant dense<0.000000e+00> : vector<304x1xf32>
    %dot_general3A_991 = tpu.matmul %mul3A_989, %broadcast_in_dim3A_967, %dot_general3A_990 {dimension_numbers = #tpu.dot_dimension_numbers<[1], [0], [0], [1], [0, 0, 1, 1], [], []>, transpose_lhs_hint = false} : vector<304x128xf32>, vector<128x1xf32>, vector<304x1xf32> -> vector<304x1xf32>
    %swap3A_992 = arith.constant 0 : index
    %swap3A_993 = arith.constant 2 : index
    %swap3A_994 = vector.load %arg24[%swap3A_992, %swap3A_993] : memref<304x128xf32, #tpu.memory_space<vmem>>, vector<304x1xf32>
    tpu.vector_store %arg24[%swap3A_992, %swap3A_993], %dot_general3A_991 {strides = array<i32>} : memref<304x128xf32, #tpu.memory_space<vmem>>, vector<304x1xf32>,
    %get3A_995 = arith.constant 912 : index
    %get3A_996 = arith.constant 0 : index
    %get3A_997 = vector.load %arg23[%get3A_995, %get3A_996] : memref<7296x256xf32, #tpu.memory_space<vmem>>, vector<304x128xf32>
    %mul3A_998 = arith.mulf %add3A_965, %get3A_997 : vector<304x128xf32>
    %dot_general3A_999 = arith.constant dense<0.000000e+00> : vector<304x1xf32>
    %dot_general3A_1000 = tpu.matmul %mul3A_998, %broadcast_in_dim3A_967, %dot_general3A_999 {dimension_numbers = #tpu.dot_dimension_numbers<[1], [0], [0], [1], [0, 0, 1, 1], [], []>, transpose_lhs_hint = false} : vector<304x128xf32>, vector<128x1xf32>, vector<304x1xf32> -> vector<304x1xf32>
    %swap3A_1001 = arith.constant 0 : index
    %swap3A_1002 = arith.constant 3 : index
    %swap3A_1003 = vector.load %arg24[%swap3A_1001, %swap3A_1002] : memref<304x128xf32, #tpu.memory_space<vmem>>, vector<304x1xf32>
    tpu.vector_store %arg24[%swap3A_1001, %swap3A_1002], %dot_general3A_1000 {strides = array<i32>} : memref<304x128xf32, #tpu.memory_space<vmem>>, vector<304x1xf32>,
    %get3A_1004 = arith.constant 1216 : index
    %get3A_1005 = arith.constant 0 : index
    %get3A_1006 = vector.load %arg23[%get3A_1004, %get3A_1005] : memref<7296x256xf32, #tpu.memory_space<vmem>>, vector<304x128xf32>
    %mul3A_1007 = arith.mulf %add3A_965, %get3A_1006 : vector<304x128xf32>
    %dot_general3A_1008 = arith.constant dense<0.000000e+00> : vector<304x1xf32>
    %dot_general3A_1009 = tpu.matmul %mul3A_1007, %broadcast_in_dim3A_967, %dot_general3A_1008 {dimension_numbers = #tpu.dot_dimension_numbers<[1], [0], [0], [1], [0, 0, 1, 1], [], []>, transpose_lhs_hint = false} : vector<304x128xf32>, vector<128x1xf32>, vector<304x1xf32> -> vector<304x1xf32>
    %swap3A_1010 = arith.constant 0 : index
    %swap3A_1011 = arith.constant 4 : index
    %swap3A_1012 = vector.load %arg24[%swap3A_1010, %swap3A_1011] : memref<304x128xf32, #tpu.memory_space<vmem>>, vector<304x1xf32>
    tpu.vector_store %arg24[%swap3A_1010, %swap3A_1011], %dot_general3A_1009 {strides = array<i32>} : memref<304x128xf32, #tpu.memory_space<vmem>>, vector<304x1xf32>,
    %get3A_1013 = arith.constant 1520 : index
    %get3A_1014 = arith.constant 0 : index
    %get3A_1015 = vector.load %arg23[%get3A_1013, %get3A_1014] : memref<7296x256xf32, #tpu.memory_space<vmem>>, vector<304x128xf32>
    %mul3A_1016 = arith.mulf %add3A_965, %get3A_1015 : vector<304x128xf32>
    %dot_general3A_1017 = arith.constant dense<0.000000e+00> : vector<304x1xf32>
    %dot_general3A_1018 = tpu.matmul %mul3A_1016, %broadcast_in_dim3A_967, %dot_general3A_1017 {dimension_numbers = #tpu.dot_dimension_numbers<[1], [0], [0], [1], [0, 0, 1, 1], [], []>, transpose_lhs_hint = false} : vector<304x128xf32>, vector<128x1xf32>, vector<304x1xf32> -> vector<304x1xf32>
    %swap3A_1019 = arith.constant 0 : index
    %swap3A_1020 = arith.constant 5 : index
    %swap3A_1021 = vector.load %arg24[%swap3A_1019, %swap3A_1020] : memref<304x128xf32, #tpu.memory_space<vmem>>, vector<304x1xf32>
    tpu.vector_store %arg24[%swap3A_1019, %swap3A_1020], %dot_general3A_1018 {strides = array<i32>} : memref<304x128xf32, #tpu.memory_space<vmem>>, vector<304x1xf32>,
    %get3A_1022 = arith.constant 1824 : index
    %get3A_1023 = arith.constant 0 : index
    %get3A_1024 = vector.load %arg23[%get3A_1022, %get3A_1023] : memref<7296x256xf32, #tpu.memory_space<vmem>>, vector<304x128xf32>
    %mul3A_1025 = arith.mulf %add3A_965, %get3A_1024 : vector<304x128xf32>
    %dot_general3A_1026 = arith.constant dense<0.000000e+00> : vector<304x1xf32>
    %dot_general3A_1027 = tpu.matmul %mul3A_1025, %broadcast_in_dim3A_967, %dot_general3A_1026 {dimension_numbers = #tpu.dot_dimension_numbers<[1], [0], [0], [1], [0, 0, 1, 1], [], []>, transpose_lhs_hint = false} : vector<304x128xf32>, vector<128x1xf32>, vector<304x1xf32> -> vector<304x1xf32>
    %swap3A_1028 = arith.constant 0 : index
    %swap3A_1029 = arith.constant 6 : index
    %swap3A_1030 = vector.load %arg24[%swap3A_1028, %swap3A_1029] : memref<304x128xf32, #tpu.memory_space<vmem>>, vector<304x1xf32>
    tpu.vector_store %arg24[%swap3A_1028, %swap3A_1029], %dot_general3A_1027 {strides = array<i32>} : memref<304x128xf32, #tpu.memory_space<vmem>>, vector<304x1xf32>,
    %get3A_1031 = arith.constant 2128 : index
    %get3A_1032 = arith.constant 0 : index
    %get3A_1033 = vector.load %arg23[%get3A_1031, %get3A_1032] : memref<7296x256xf32, #tpu.memory_space<vmem>>, vector<304x128xf32>
    %mul3A_1034 = arith.mulf %add3A_965, %get3A_1033 : vector<304x128xf32>
    %dot_general3A_1035 = arith.constant dense<0.000000e+00> : vector<304x1xf32>
    %dot_general3A_1036 = tpu.matmul %mul3A_1034, %broadcast_in_dim3A_967, %dot_general3A_1035 {dimension_numbers = #tpu.dot_dimension_numbers<[1], [0], [0], [1], [0, 0, 1, 1], [], []>, transpose_lhs_hint = false} : vector<304x128xf32>, vector<128x1xf32>, vector<304x1xf32> -> vector<304x1xf32>
    %swap3A_1037 = arith.constant 0 : index
    %swap3A_1038 = arith.constant 7 : index
    %swap3A_1039 = vector.load %arg24[%swap3A_1037, %swap3A_1038] : memref<304x128xf32, #tpu.memory_space<vmem>>, vector<304x1xf32>
    tpu.vector_store %arg24[%swap3A_1037, %swap3A_1038], %dot_general3A_1036 {strides = array<i32>} : memref<304x128xf32, #tpu.memory_space<vmem>>, vector<304x1xf32>,
    %get3A_1040 = arith.constant 2432 : index
    %get3A_1041 = arith.constant 0 : index
    %get3A_1042 = vector.load %arg23[%get3A_1040, %get3A_1041] : memref<7296x256xf32, #tpu.memory_space<vmem>>, vector<304x128xf32>
    %mul3A_1043 = arith.mulf %add3A_965, %get3A_1042 : vector<304x128xf32>
    %dot_general3A_1044 = arith.constant dense<0.000000e+00> : vector<304x1xf32>
    %dot_general3A_1045 = tpu.matmul %mul3A_1043, %broadcast_in_dim3A_967, %dot_general3A_1044 {dimension_numbers = #tpu.dot_dimension_numbers<[1], [0], [0], [1], [0, 0, 1, 1], [], []>, transpose_lhs_hint = false} : vector<304x128xf32>, vector<128x1xf32>, vector<304x1xf32> -> vector<304x1xf32>
    %swap3A_1046 = arith.constant 0 : index
    %swap3A_1047 = arith.constant 8 : index
    %swap3A_1048 = vector.load %arg24[%swap3A_1046, %swap3A_1047] : memref<304x128xf32, #tpu.memory_space<vmem>>, vector<304x1xf32>
    tpu.vector_store %arg24[%swap3A_1046, %swap3A_1047], %dot_general3A_1045 {strides = array<i32>} : memref<304x128xf32, #tpu.memory_space<vmem>>, vector<304x1xf32>,
    %get3A_1049 = arith.constant 2736 : index
    %get3A_1050 = arith.constant 0 : index
    %get3A_1051 = vector.load %arg23[%get3A_1049, %get3A_1050] : memref<7296x256xf32, #tpu.memory_space<vmem>>, vector<304x128xf32>
    %mul3A_1052 = arith.mulf %add3A_965, %get3A_1051 : vector<304x128xf32>
    %dot_general3A_1053 = arith.constant dense<0.000000e+00> : vector<304x1xf32>
    %dot_general3A_1054 = tpu.matmul %mul3A_1052, %broadcast_in_dim3A_967, %dot_general3A_1053 {dimension_numbers = #tpu.dot_dimension_numbers<[1], [0], [0], [1], [0, 0, 1, 1], [], []>, transpose_lhs_hint = false} : vector<304x128xf32>, vector<128x1xf32>, vector<304x1xf32> -> vector<304x1xf32>
    %swap3A_1055 = arith.constant 0 : index
    %swap3A_1056 = arith.constant 9 : index
    %swap3A_1057 = vector.load %arg24[%swap3A_1055, %swap3A_1056] : memref<304x128xf32, #tpu.memory_space<vmem>>, vector<304x1xf32>
    tpu.vector_store %arg24[%swap3A_1055, %swap3A_1056], %dot_general3A_1054 {strides = array<i32>} : memref<304x128xf32, #tpu.memory_space<vmem>>, vector<304x1xf32>,
    %get3A_1058 = arith.constant 3040 : index
    %get3A_1059 = arith.constant 0 : index
    %get3A_1060 = vector.load %arg23[%get3A_1058, %get3A_1059] : memref<7296x256xf32, #tpu.memory_space<vmem>>, vector<304x128xf32>
    %mul3A_1061 = arith.mulf %add3A_965, %get3A_1060 : vector<304x128xf32>
    %dot_general3A_1062 = arith.constant dense<0.000000e+00> : vector<304x1xf32>
    %dot_general3A_1063 = tpu.matmul %mul3A_1061, %broadcast_in_dim3A_967, %dot_general3A_1062 {dimension_numbers = #tpu.dot_dimension_numbers<[1], [0], [0], [1], [0, 0, 1, 1], [], []>, transpose_lhs_hint = false} : vector<304x128xf32>, vector<128x1xf32>, vector<304x1xf32> -> vector<304x1xf32>
    %swap3A_1064 = arith.constant 0 : index
    %swap3A_1065 = arith.constant 10 : index
    %swap3A_1066 = vector.load %arg24[%swap3A_1064, %swap3A_1065] : memref<304x128xf32, #tpu.memory_space<vmem>>, vector<304x1xf32>
    tpu.vector_store %arg24[%swap3A_1064, %swap3A_1065], %dot_general3A_1063 {strides = array<i32>} : memref<304x128xf32, #tpu.memory_space<vmem>>, vector<304x1xf32>,
    %get3A_1067 = arith.constant 3344 : index
    %get3A_1068 = arith.constant 0 : index
    %get3A_1069 = vector.load %arg23[%get3A_1067, %get3A_1068] : memref<7296x256xf32, #tpu.memory_space<vmem>>, vector<304x128xf32>
    %mul3A_1070 = arith.mulf %add3A_965, %get3A_1069 : vector<304x128xf32>
    %dot_general3A_1071 = arith.constant dense<0.000000e+00> : vector<304x1xf32>
    %dot_general3A_1072 = tpu.matmul %mul3A_1070, %broadcast_in_dim3A_967, %dot_general3A_1071 {dimension_numbers = #tpu.dot_dimension_numbers<[1], [0], [0], [1], [0, 0, 1, 1], [], []>, transpose_lhs_hint = false} : vector<304x128xf32>, vector<128x1xf32>, vector<304x1xf32> -> vector<304x1xf32>
    %swap3A_1073 = arith.constant 0 : index
    %swap3A_1074 = arith.constant 11 : index
    %swap3A_1075 = vector.load %arg24[%swap3A_1073, %swap3A_1074] : memref<304x128xf32, #tpu.memory_space<vmem>>, vector<304x1xf32>
    tpu.vector_store %arg24[%swap3A_1073, %swap3A_1074], %dot_general3A_1072 {strides = array<i32>} : memref<304x128xf32, #tpu.memory_space<vmem>>, vector<304x1xf32>,
    %get3A_1076 = arith.constant 3648 : index
    %get3A_1077 = arith.constant 0 : index
    %get3A_1078 = vector.load %arg23[%get3A_1076, %get3A_1077] : memref<7296x256xf32, #tpu.memory_space<vmem>>, vector<304x128xf32>
    %mul3A_1079 = arith.mulf %add3A_965, %get3A_1078 : vector<304x128xf32>
    %dot_general3A_1080 = arith.constant dense<0.000000e+00> : vector<304x1xf32>
    %dot_general3A_1081 = tpu.matmul %mul3A_1079, %broadcast_in_dim3A_967, %dot_general3A_1080 {dimension_numbers = #tpu.dot_dimension_numbers<[1], [0], [0], [1], [0, 0, 1, 1], [], []>, transpose_lhs_hint = false} : vector<304x128xf32>, vector<128x1xf32>, vector<304x1xf32> -> vector<304x1xf32>
    %swap3A_1082 = arith.constant 0 : index
    %swap3A_1083 = arith.constant 12 : index
    %swap3A_1084 = vector.load %arg24[%swap3A_1082, %swap3A_1083] : memref<304x128xf32, #tpu.memory_space<vmem>>, vector<304x1xf32>
    tpu.vector_store %arg24[%swap3A_1082, %swap3A_1083], %dot_general3A_1081 {strides = array<i32>} : memref<304x128xf32, #tpu.memory_space<vmem>>, vector<304x1xf32>,
    %get3A_1085 = arith.constant 3952 : index
    %get3A_1086 = arith.constant 0 : index
    %get3A_1087 = vector.load %arg23[%get3A_1085, %get3A_1086] : memref<7296x256xf32, #tpu.memory_space<vmem>>, vector<304x128xf32>
    %mul3A_1088 = arith.mulf %add3A_965, %get3A_1087 : vector<304x128xf32>
    %dot_general3A_1089 = arith.constant dense<0.000000e+00> : vector<304x1xf32>
    %dot_general3A_1090 = tpu.matmul %mul3A_1088, %broadcast_in_dim3A_967, %dot_general3A_1089 {dimension_numbers = #tpu.dot_dimension_numbers<[1], [0], [0], [1], [0, 0, 1, 1], [], []>, transpose_lhs_hint = false} : vector<304x128xf32>, vector<128x1xf32>, vector<304x1xf32> -> vector<304x1xf32>
    %swap3A_1091 = arith.constant 0 : index
    %swap3A_1092 = arith.constant 13 : index
    %swap3A_1093 = vector.load %arg24[%swap3A_1091, %swap3A_1092] : memref<304x128xf32, #tpu.memory_space<vmem>>, vector<304x1xf32>
    tpu.vector_store %arg24[%swap3A_1091, %swap3A_1092], %dot_general3A_1090 {strides = array<i32>} : memref<304x128xf32, #tpu.memory_space<vmem>>, vector<304x1xf32>,
    %get3A_1094 = arith.constant 4256 : index
    %get3A_1095 = arith.constant 0 : index
    %get3A_1096 = vector.load %arg23[%get3A_1094, %get3A_1095] : memref<7296x256xf32, #tpu.memory_space<vmem>>, vector<304x128xf32>
    %mul3A_1097 = arith.mulf %add3A_965, %get3A_1096 : vector<304x128xf32>
    %dot_general3A_1098 = arith.constant dense<0.000000e+00> : vector<304x1xf32>
    %dot_general3A_1099 = tpu.matmul %mul3A_1097, %broadcast_in_dim3A_967, %dot_general3A_1098 {dimension_numbers = #tpu.dot_dimension_numbers<[1], [0], [0], [1], [0, 0, 1, 1], [], []>, transpose_lhs_hint = false} : vector<304x128xf32>, vector<128x1xf32>, vector<304x1xf32> -> vector<304x1xf32>
    %swap3A_1100 = arith.constant 0 : index
    %swap3A_1101 = arith.constant 14 : index
    %swap3A_1102 = vector.load %arg24[%swap3A_1100, %swap3A_1101] : memref<304x128xf32, #tpu.memory_space<vmem>>, vector<304x1xf32>
    tpu.vector_store %arg24[%swap3A_1100, %swap3A_1101], %dot_general3A_1099 {strides = array<i32>} : memref<304x128xf32, #tpu.memory_space<vmem>>, vector<304x1xf32>,
    %get3A_1103 = arith.constant 4560 : index
    %get3A_1104 = arith.constant 0 : index
    %get3A_1105 = vector.load %arg23[%get3A_1103, %get3A_1104] : memref<7296x256xf32, #tpu.memory_space<vmem>>, vector<304x128xf32>
    %mul3A_1106 = arith.mulf %add3A_965, %get3A_1105 : vector<304x128xf32>
    %dot_general3A_1107 = arith.constant dense<0.000000e+00> : vector<304x1xf32>
    %dot_general3A_1108 = tpu.matmul %mul3A_1106, %broadcast_in_dim3A_967, %dot_general3A_1107 {dimension_numbers = #tpu.dot_dimension_numbers<[1], [0], [0], [1], [0, 0, 1, 1], [], []>, transpose_lhs_hint = false} : vector<304x128xf32>, vector<128x1xf32>, vector<304x1xf32> -> vector<304x1xf32>
    %swap3A_1109 = arith.constant 0 : index
    %swap3A_1110 = arith.constant 15 : index
    %swap3A_1111 = vector.load %arg24[%swap3A_1109, %swap3A_1110] : memref<304x128xf32, #tpu.memory_space<vmem>>, vector<304x1xf32>
    tpu.vector_store %arg24[%swap3A_1109, %swap3A_1110], %dot_general3A_1108 {strides = array<i32>} : memref<304x128xf32, #tpu.memory_space<vmem>>, vector<304x1xf32>,
    %get3A_1112 = arith.constant 4864 : index
    %get3A_1113 = arith.constant 0 : index
    %get3A_1114 = vector.load %arg23[%get3A_1112, %get3A_1113] : memref<7296x256xf32, #tpu.memory_space<vmem>>, vector<304x128xf32>
    %mul3A_1115 = arith.mulf %add3A_965, %get3A_1114 : vector<304x128xf32>
    %dot_general3A_1116 = arith.constant dense<0.000000e+00> : vector<304x1xf32>
    %dot_general3A_1117 = tpu.matmul %mul3A_1115, %broadcast_in_dim3A_967, %dot_general3A_1116 {dimension_numbers = #tpu.dot_dimension_numbers<[1], [0], [0], [1], [0, 0, 1, 1], [], []>, transpose_lhs_hint = false} : vector<304x128xf32>, vector<128x1xf32>, vector<304x1xf32> -> vector<304x1xf32>
    %swap3A_1118 = arith.constant 0 : index
    %swap3A_1119 = arith.constant 16 : index
    %swap3A_1120 = vector.load %arg24[%swap3A_1118, %swap3A_1119] : memref<304x128xf32, #tpu.memory_space<vmem>>, vector<304x1xf32>
    tpu.vector_store %arg24[%swap3A_1118, %swap3A_1119], %dot_general3A_1117 {strides = array<i32>} : memref<304x128xf32, #tpu.memory_space<vmem>>, vector<304x1xf32>,
    %get3A_1121 = arith.constant 5168 : index
    %get3A_1122 = arith.constant 0 : index
    %get3A_1123 = vector.load %arg23[%get3A_1121, %get3A_1122] : memref<7296x256xf32, #tpu.memory_space<vmem>>, vector<304x128xf32>
    %mul3A_1124 = arith.mulf %add3A_965, %get3A_1123 : vector<304x128xf32>
    %dot_general3A_1125 = arith.constant dense<0.000000e+00> : vector<304x1xf32>
    %dot_general3A_1126 = tpu.matmul %mul3A_1124, %broadcast_in_dim3A_967, %dot_general3A_1125 {dimension_numbers = #tpu.dot_dimension_numbers<[1], [0], [0], [1], [0, 0, 1, 1], [], []>, transpose_lhs_hint = false} : vector<304x128xf32>, vector<128x1xf32>, vector<304x1xf32> -> vector<304x1xf32>
    %swap3A_1127 = arith.constant 0 : index
    %swap3A_1128 = arith.constant 17 : index
    %swap3A_1129 = vector.load %arg24[%swap3A_1127, %swap3A_1128] : memref<304x128xf32, #tpu.memory_space<vmem>>, vector<304x1xf32>
    tpu.vector_store %arg24[%swap3A_1127, %swap3A_1128], %dot_general3A_1126 {strides = array<i32>} : memref<304x128xf32, #tpu.memory_space<vmem>>, vector<304x1xf32>,
    %get3A_1130 = arith.constant 5472 : index
    %get3A_1131 = arith.constant 0 : index
    %get3A_1132 = vector.load %arg23[%get3A_1130, %get3A_1131] : memref<7296x256xf32, #tpu.memory_space<vmem>>, vector<304x128xf32>
    %mul3A_1133 = arith.mulf %add3A_965, %get3A_1132 : vector<304x128xf32>
    %dot_general3A_1134 = arith.constant dense<0.000000e+00> : vector<304x1xf32>
    %dot_general3A_1135 = tpu.matmul %mul3A_1133, %broadcast_in_dim3A_967, %dot_general3A_1134 {dimension_numbers = #tpu.dot_dimension_numbers<[1], [0], [0], [1], [0, 0, 1, 1], [], []>, transpose_lhs_hint = false} : vector<304x128xf32>, vector<128x1xf32>, vector<304x1xf32> -> vector<304x1xf32>
    %swap3A_1136 = arith.constant 0 : index
    %swap3A_1137 = arith.constant 18 : index
    %swap3A_1138 = vector.load %arg24[%swap3A_1136, %swap3A_1137] : memref<304x128xf32, #tpu.memory_space<vmem>>, vector<304x1xf32>
    tpu.vector_store %arg24[%swap3A_1136, %swap3A_1137], %dot_general3A_1135 {strides = array<i32>} : memref<304x128xf32, #tpu.memory_space<vmem>>, vector<304x1xf32>,
    %get3A_1139 = arith.constant 5776 : index
    %get3A_1140 = arith.constant 0 : index
    %get3A_1141 = vector.load %arg23[%get3A_1139, %get3A_1140] : memref<7296x256xf32, #tpu.memory_space<vmem>>, vector<304x128xf32>
    %mul3A_1142 = arith.mulf %add3A_965, %get3A_1141 : vector<304x128xf32>
    %dot_general3A_1143 = arith.constant dense<0.000000e+00> : vector<304x1xf32>
    %dot_general3A_1144 = tpu.matmul %mul3A_1142, %broadcast_in_dim3A_967, %dot_general3A_1143 {dimension_numbers = #tpu.dot_dimension_numbers<[1], [0], [0], [1], [0, 0, 1, 1], [], []>, transpose_lhs_hint = false} : vector<304x128xf32>, vector<128x1xf32>, vector<304x1xf32> -> vector<304x1xf32>
    %swap3A_1145 = arith.constant 0 : index
    %swap3A_1146 = arith.constant 19 : index
    %swap3A_1147 = vector.load %arg24[%swap3A_1145, %swap3A_1146] : memref<304x128xf32, #tpu.memory_space<vmem>>, vector<304x1xf32>
    tpu.vector_store %arg24[%swap3A_1145, %swap3A_1146], %dot_general3A_1144 {strides = array<i32>} : memref<304x128xf32, #tpu.memory_space<vmem>>, vector<304x1xf32>,
    %get3A_1148 = arith.constant 6080 : index
    %get3A_1149 = arith.constant 0 : index
    %get3A_1150 = vector.load %arg23[%get3A_1148, %get3A_1149] : memref<7296x256xf32, #tpu.memory_space<vmem>>, vector<304x128xf32>
    %mul3A_1151 = arith.mulf %add3A_965, %get3A_1150 : vector<304x128xf32>
    %dot_general3A_1152 = arith.constant dense<0.000000e+00> : vector<304x1xf32>
    %dot_general3A_1153 = tpu.matmul %mul3A_1151, %broadcast_in_dim3A_967, %dot_general3A_1152 {dimension_numbers = #tpu.dot_dimension_numbers<[1], [0], [0], [1], [0, 0, 1, 1], [], []>, transpose_lhs_hint = false} : vector<304x128xf32>, vector<128x1xf32>, vector<304x1xf32> -> vector<304x1xf32>
    %swap3A_1154 = arith.constant 0 : index
    %swap3A_1155 = arith.constant 20 : index
    %swap3A_1156 = vector.load %arg24[%swap3A_1154, %swap3A_1155] : memref<304x128xf32, #tpu.memory_space<vmem>>, vector<304x1xf32>
    tpu.vector_store %arg24[%swap3A_1154, %swap3A_1155], %dot_general3A_1153 {strides = array<i32>} : memref<304x128xf32, #tpu.memory_space<vmem>>, vector<304x1xf32>,
    %get3A_1157 = arith.constant 6384 : index
    %get3A_1158 = arith.constant 0 : index
    %get3A_1159 = vector.load %arg23[%get3A_1157, %get3A_1158] : memref<7296x256xf32, #tpu.memory_space<vmem>>, vector<304x128xf32>
    %mul3A_1160 = arith.mulf %add3A_965, %get3A_1159 : vector<304x128xf32>
    %dot_general3A_1161 = arith.constant dense<0.000000e+00> : vector<304x1xf32>
    %dot_general3A_1162 = tpu.matmul %mul3A_1160, %broadcast_in_dim3A_967, %dot_general3A_1161 {dimension_numbers = #tpu.dot_dimension_numbers<[1], [0], [0], [1], [0, 0, 1, 1], [], []>, transpose_lhs_hint = false} : vector<304x128xf32>, vector<128x1xf32>, vector<304x1xf32> -> vector<304x1xf32>
    %swap3A_1163 = arith.constant 0 : index
    %swap3A_1164 = arith.constant 21 : index
    %swap3A_1165 = vector.load %arg24[%swap3A_1163, %swap3A_1164] : memref<304x128xf32, #tpu.memory_space<vmem>>, vector<304x1xf32>
    tpu.vector_store %arg24[%swap3A_1163, %swap3A_1164], %dot_general3A_1162 {strides = array<i32>} : memref<304x128xf32, #tpu.memory_space<vmem>>, vector<304x1xf32>,
    %get3A_1166 = arith.constant 6688 : index
    %get3A_1167 = arith.constant 0 : index
    %get3A_1168 = vector.load %arg23[%get3A_1166, %get3A_1167] : memref<7296x256xf32, #tpu.memory_space<vmem>>, vector<304x128xf32>
    %mul3A_1169 = arith.mulf %add3A_965, %get3A_1168 : vector<304x128xf32>
    %dot_general3A_1170 = arith.constant dense<0.000000e+00> : vector<304x1xf32>
    %dot_general3A_1171 = tpu.matmul %mul3A_1169, %broadcast_in_dim3A_967, %dot_general3A_1170 {dimension_numbers = #tpu.dot_dimension_numbers<[1], [0], [0], [1], [0, 0, 1, 1], [], []>, transpose_lhs_hint = false} : vector<304x128xf32>, vector<128x1xf32>, vector<304x1xf32> -> vector<304x1xf32>
    %swap3A_1172 = arith.constant 0 : index
    %swap3A_1173 = arith.constant 22 : index
    %swap3A_1174 = vector.load %arg24[%swap3A_1172, %swap3A_1173] : memref<304x128xf32, #tpu.memory_space<vmem>>, vector<304x1xf32>
    tpu.vector_store %arg24[%swap3A_1172, %swap3A_1173], %dot_general3A_1171 {strides = array<i32>} : memref<304x128xf32, #tpu.memory_space<vmem>>, vector<304x1xf32>,
    %get3A_1175 = arith.constant 6992 : index
    %get3A_1176 = arith.constant 0 : index
    %get3A_1177 = vector.load %arg23[%get3A_1175, %get3A_1176] : memref<7296x256xf32, #tpu.memory_space<vmem>>, vector<304x128xf32>
    %mul3A_1178 = arith.mulf %add3A_965, %get3A_1177 : vector<304x128xf32>
    %dot_general3A_1179 = arith.constant dense<0.000000e+00> : vector<304x1xf32>
    %dot_general3A_1180 = tpu.matmul %mul3A_1178, %broadcast_in_dim3A_967, %dot_general3A_1179 {dimension_numbers = #tpu.dot_dimension_numbers<[1], [0], [0], [1], [0, 0, 1, 1], [], []>, transpose_lhs_hint = false} : vector<304x128xf32>, vector<128x1xf32>, vector<304x1xf32> -> vector<304x1xf32>
    %swap3A_1181 = arith.constant 0 : index
    %swap3A_1182 = arith.constant 23 : index
    %swap3A_1183 = vector.load %arg24[%swap3A_1181, %swap3A_1182] : memref<304x128xf32, #tpu.memory_space<vmem>>, vector<304x1xf32>
    tpu.vector_store %arg24[%swap3A_1181, %swap3A_1182], %dot_general3A_1180 {strides = array<i32>} : memref<304x128xf32, #tpu.memory_space<vmem>>, vector<304x1xf32>,
    %iota3A_1184 = tpu.iota {dimensions = array<i32: 1>} : vector<304x128xi32>
    %lt3A = arith.constant 24 : i32
    %lt3A_1185 = vector.broadcast %lt3A : i32 to vector<304x128xi32>
    %lt3A_1186 = arith.cmpi slt, %iota3A_1184, %lt3A_1185 : vector<304x128xi32>
    %get3A_1187 = arith.constant 0 : index
    %get3A_1188 = arith.constant 0 : index
    %get3A_1189 = vector.load %arg24[%get3A_1187, %get3A_1188] : memref<304x128xf32, #tpu.memory_space<vmem>>, vector<304x128xf32>
    %jit3A_1190 = arith.constant -1.000000e+30 : f32
    %broadcast_in_dim3A_1191 = vector.broadcast %jit3A_1190 : f32 to vector<304x128xf32>
    %select_n3A_1192 = arith.select %lt3A_1186, %get3A_1189, %broadcast_in_dim3A_1191 : vector<304x128xi1>, vector<304x128xf32>
    %reduce_max3A = arith.constant dense<0xFF800000> : vector<304xf32>
    %reduce_max3A_1193 = vector.multi_reduction <maximumf>, %select_n3A_1192, %reduce_max3A [1] : vector<304x128xf32> to vector<304xf32>
    %broadcast_in_dim3A_1194 = vector.shape_cast %reduce_max3A_1193 : vector<304xf32> to vector<304x1xf32>
    %sub3A_1195 = vector.broadcast %broadcast_in_dim3A_1194 : vector<304x1xf32> to vector<304x128xf32>
    %sub3A_1196 = arith.subf %select_n3A_1192, %sub3A_1195 : vector<304x128xf32>
    %exp3A_1197 = math.exp %sub3A_1196 : vector<304x128xf32>
    %reduce_sum3A_1198 = arith.constant dense<0.000000e+00> : vector<304xf32>
    %reduce_sum3A_1199 = vector.multi_reduction <add>, %exp3A_1197, %reduce_sum3A_1198 [1] : vector<304x128xf32> to vector<304xf32>
    %broadcast_in_dim3A_1200 = vector.shape_cast %reduce_sum3A_1199 : vector<304xf32> to vector<304x1xf32>
    %div3A_1201 = vector.broadcast %broadcast_in_dim3A_1200 : vector<304x1xf32> to vector<304x128xf32>
    %div3A_1202 = arith.divf %exp3A_1197, %div3A_1201 : vector<304x128xf32>
    %broadcast_in_dim3A_1203 = arith.constant 0.000000e+00 : f32
    %broadcast_in_dim3A_1204 = vector.broadcast %broadcast_in_dim3A_1203 : f32 to vector<304x128xf32>
    %slice3A_1205 = vector.extract_strided_slice %div3A_1202 {offsets = [0, 0], sizes = [304, 1], strides = [1, 1]} : vector<304x128xf32> to vector<304x1xf32>
    %get3A_1206 = arith.constant 0 : index
    %get3A_1207 = arith.constant 128 : index
    %get3A_1208 = vector.load %arg23[%get3A_1206, %get3A_1207] : memref<7296x256xf32, #tpu.memory_space<vmem>>, vector<304x128xf32>
    %mul3A_1209 = vector.broadcast %slice3A_1205 : vector<304x1xf32> to vector<304x128xf32>
    %mul3A_1210 = arith.mulf %mul3A_1209, %get3A_1208 : vector<304x128xf32>
    %add3A_1211 = arith.addf %broadcast_in_dim3A_1204, %mul3A_1210 : vector<304x128xf32>
    %slice3A_1212 = vector.extract_strided_slice %div3A_1202 {offsets = [0, 1], sizes = [304, 1], strides = [1, 1]} : vector<304x128xf32> to vector<304x1xf32>
    %get3A_1213 = arith.constant 304 : index
    %get3A_1214 = arith.constant 128 : index
    %get3A_1215 = vector.load %arg23[%get3A_1213, %get3A_1214] : memref<7296x256xf32, #tpu.memory_space<vmem>>, vector<304x128xf32>
    %mul3A_1216 = vector.broadcast %slice3A_1212 : vector<304x1xf32> to vector<304x128xf32>
    %mul3A_1217 = arith.mulf %mul3A_1216, %get3A_1215 : vector<304x128xf32>
    %add3A_1218 = arith.addf %add3A_1211, %mul3A_1217 : vector<304x128xf32>
    %slice3A_1219 = vector.extract_strided_slice %div3A_1202 {offsets = [0, 2], sizes = [304, 1], strides = [1, 1]} : vector<304x128xf32> to vector<304x1xf32>
    %get3A_1220 = arith.constant 608 : index
    %get3A_1221 = arith.constant 128 : index
    %get3A_1222 = vector.load %arg23[%get3A_1220, %get3A_1221] : memref<7296x256xf32, #tpu.memory_space<vmem>>, vector<304x128xf32>
    %mul3A_1223 = vector.broadcast %slice3A_1219 : vector<304x1xf32> to vector<304x128xf32>
    %mul3A_1224 = arith.mulf %mul3A_1223, %get3A_1222 : vector<304x128xf32>
    %add3A_1225 = arith.addf %add3A_1218, %mul3A_1224 : vector<304x128xf32>
    %slice3A_1226 = vector.extract_strided_slice %div3A_1202 {offsets = [0, 3], sizes = [304, 1], strides = [1, 1]} : vector<304x128xf32> to vector<304x1xf32>
    %get3A_1227 = arith.constant 912 : index
    %get3A_1228 = arith.constant 128 : index
    %get3A_1229 = vector.load %arg23[%get3A_1227, %get3A_1228] : memref<7296x256xf32, #tpu.memory_space<vmem>>, vector<304x128xf32>
    %mul3A_1230 = vector.broadcast %slice3A_1226 : vector<304x1xf32> to vector<304x128xf32>
    %mul3A_1231 = arith.mulf %mul3A_1230, %get3A_1229 : vector<304x128xf32>
    %add3A_1232 = arith.addf %add3A_1225, %mul3A_1231 : vector<304x128xf32>
    %slice3A_1233 = vector.extract_strided_slice %div3A_1202 {offsets = [0, 4], sizes = [304, 1], strides = [1, 1]} : vector<304x128xf32> to vector<304x1xf32>
    %get3A_1234 = arith.constant 1216 : index
    %get3A_1235 = arith.constant 128 : index
    %get3A_1236 = vector.load %arg23[%get3A_1234, %get3A_1235] : memref<7296x256xf32, #tpu.memory_space<vmem>>, vector<304x128xf32>
    %mul3A_1237 = vector.broadcast %slice3A_1233 : vector<304x1xf32> to vector<304x128xf32>
    %mul3A_1238 = arith.mulf %mul3A_1237, %get3A_1236 : vector<304x128xf32>
    %add3A_1239 = arith.addf %add3A_1232, %mul3A_1238 : vector<304x128xf32>
    %slice3A_1240 = vector.extract_strided_slice %div3A_1202 {offsets = [0, 5], sizes = [304, 1], strides = [1, 1]} : vector<304x128xf32> to vector<304x1xf32>
    %get3A_1241 = arith.constant 1520 : index
    %get3A_1242 = arith.constant 128 : index
    %get3A_1243 = vector.load %arg23[%get3A_1241, %get3A_1242] : memref<7296x256xf32, #tpu.memory_space<vmem>>, vector<304x128xf32>
    %mul3A_1244 = vector.broadcast %slice3A_1240 : vector<304x1xf32> to vector<304x128xf32>
    %mul3A_1245 = arith.mulf %mul3A_1244, %get3A_1243 : vector<304x128xf32>
    %add3A_1246 = arith.addf %add3A_1239, %mul3A_1245 : vector<304x128xf32>
    %slice3A_1247 = vector.extract_strided_slice %div3A_1202 {offsets = [0, 6], sizes = [304, 1], strides = [1, 1]} : vector<304x128xf32> to vector<304x1xf32>
    %get3A_1248 = arith.constant 1824 : index
    %get3A_1249 = arith.constant 128 : index
    %get3A_1250 = vector.load %arg23[%get3A_1248, %get3A_1249] : memref<7296x256xf32, #tpu.memory_space<vmem>>, vector<304x128xf32>
    %mul3A_1251 = vector.broadcast %slice3A_1247 : vector<304x1xf32> to vector<304x128xf32>
    %mul3A_1252 = arith.mulf %mul3A_1251, %get3A_1250 : vector<304x128xf32>
    %add3A_1253 = arith.addf %add3A_1246, %mul3A_1252 : vector<304x128xf32>
    %slice3A_1254 = vector.extract_strided_slice %div3A_1202 {offsets = [0, 7], sizes = [304, 1], strides = [1, 1]} : vector<304x128xf32> to vector<304x1xf32>
    %get3A_1255 = arith.constant 2128 : index
    %get3A_1256 = arith.constant 128 : index
    %get3A_1257 = vector.load %arg23[%get3A_1255, %get3A_1256] : memref<7296x256xf32, #tpu.memory_space<vmem>>, vector<304x128xf32>
    %mul3A_1258 = vector.broadcast %slice3A_1254 : vector<304x1xf32> to vector<304x128xf32>
    %mul3A_1259 = arith.mulf %mul3A_1258, %get3A_1257 : vector<304x128xf32>
    %add3A_1260 = arith.addf %add3A_1253, %mul3A_1259 : vector<304x128xf32>
    %slice3A_1261 = vector.extract_strided_slice %div3A_1202 {offsets = [0, 8], sizes = [304, 1], strides = [1, 1]} : vector<304x128xf32> to vector<304x1xf32>
    %get3A_1262 = arith.constant 2432 : index
    %get3A_1263 = arith.constant 128 : index
    %get3A_1264 = vector.load %arg23[%get3A_1262, %get3A_1263] : memref<7296x256xf32, #tpu.memory_space<vmem>>, vector<304x128xf32>
    %mul3A_1265 = vector.broadcast %slice3A_1261 : vector<304x1xf32> to vector<304x128xf32>
    %mul3A_1266 = arith.mulf %mul3A_1265, %get3A_1264 : vector<304x128xf32>
    %add3A_1267 = arith.addf %add3A_1260, %mul3A_1266 : vector<304x128xf32>
    %slice3A_1268 = vector.extract_strided_slice %div3A_1202 {offsets = [0, 9], sizes = [304, 1], strides = [1, 1]} : vector<304x128xf32> to vector<304x1xf32>
    %get3A_1269 = arith.constant 2736 : index
    %get3A_1270 = arith.constant 128 : index
    %get3A_1271 = vector.load %arg23[%get3A_1269, %get3A_1270] : memref<7296x256xf32, #tpu.memory_space<vmem>>, vector<304x128xf32>
    %mul3A_1272 = vector.broadcast %slice3A_1268 : vector<304x1xf32> to vector<304x128xf32>
    %mul3A_1273 = arith.mulf %mul3A_1272, %get3A_1271 : vector<304x128xf32>
    %add3A_1274 = arith.addf %add3A_1267, %mul3A_1273 : vector<304x128xf32>
    %slice3A_1275 = vector.extract_strided_slice %div3A_1202 {offsets = [0, 10], sizes = [304, 1], strides = [1, 1]} : vector<304x128xf32> to vector<304x1xf32>
    %get3A_1276 = arith.constant 3040 : index
    %get3A_1277 = arith.constant 128 : index
    %get3A_1278 = vector.load %arg23[%get3A_1276, %get3A_1277] : memref<7296x256xf32, #tpu.memory_space<vmem>>, vector<304x128xf32>
    %mul3A_1279 = vector.broadcast %slice3A_1275 : vector<304x1xf32> to vector<304x128xf32>
    %mul3A_1280 = arith.mulf %mul3A_1279, %get3A_1278 : vector<304x128xf32>
    %add3A_1281 = arith.addf %add3A_1274, %mul3A_1280 : vector<304x128xf32>
    %slice3A_1282 = vector.extract_strided_slice %div3A_1202 {offsets = [0, 11], sizes = [304, 1], strides = [1, 1]} : vector<304x128xf32> to vector<304x1xf32>
    %get3A_1283 = arith.constant 3344 : index
    %get3A_1284 = arith.constant 128 : index
    %get3A_1285 = vector.load %arg23[%get3A_1283, %get3A_1284] : memref<7296x256xf32, #tpu.memory_space<vmem>>, vector<304x128xf32>
    %mul3A_1286 = vector.broadcast %slice3A_1282 : vector<304x1xf32> to vector<304x128xf32>
    %mul3A_1287 = arith.mulf %mul3A_1286, %get3A_1285 : vector<304x128xf32>
    %add3A_1288 = arith.addf %add3A_1281, %mul3A_1287 : vector<304x128xf32>
    %slice3A_1289 = vector.extract_strided_slice %div3A_1202 {offsets = [0, 12], sizes = [304, 1], strides = [1, 1]} : vector<304x128xf32> to vector<304x1xf32>
    %get3A_1290 = arith.constant 3648 : index
    %get3A_1291 = arith.constant 128 : index
    %get3A_1292 = vector.load %arg23[%get3A_1290, %get3A_1291] : memref<7296x256xf32, #tpu.memory_space<vmem>>, vector<304x128xf32>
    %mul3A_1293 = vector.broadcast %slice3A_1289 : vector<304x1xf32> to vector<304x128xf32>
    %mul3A_1294 = arith.mulf %mul3A_1293, %get3A_1292 : vector<304x128xf32>
    %add3A_1295 = arith.addf %add3A_1288, %mul3A_1294 : vector<304x128xf32>
    %slice3A_1296 = vector.extract_strided_slice %div3A_1202 {offsets = [0, 13], sizes = [304, 1], strides = [1, 1]} : vector<304x128xf32> to vector<304x1xf32>
    %get3A_1297 = arith.constant 3952 : index
    %get3A_1298 = arith.constant 128 : index
    %get3A_1299 = vector.load %arg23[%get3A_1297, %get3A_1298] : memref<7296x256xf32, #tpu.memory_space<vmem>>, vector<304x128xf32>
    %mul3A_1300 = vector.broadcast %slice3A_1296 : vector<304x1xf32> to vector<304x128xf32>
    %mul3A_1301 = arith.mulf %mul3A_1300, %get3A_1299 : vector<304x128xf32>
    %add3A_1302 = arith.addf %add3A_1295, %mul3A_1301 : vector<304x128xf32>
    %slice3A_1303 = vector.extract_strided_slice %div3A_1202 {offsets = [0, 14], sizes = [304, 1], strides = [1, 1]} : vector<304x128xf32> to vector<304x1xf32>
    %get3A_1304 = arith.constant 4256 : index
    %get3A_1305 = arith.constant 128 : index
    %get3A_1306 = vector.load %arg23[%get3A_1304, %get3A_1305] : memref<7296x256xf32, #tpu.memory_space<vmem>>, vector<304x128xf32>
    %mul3A_1307 = vector.broadcast %slice3A_1303 : vector<304x1xf32> to vector<304x128xf32>
    %mul3A_1308 = arith.mulf %mul3A_1307, %get3A_1306 : vector<304x128xf32>
    %add3A_1309 = arith.addf %add3A_1302, %mul3A_1308 : vector<304x128xf32>
    %slice3A_1310 = vector.extract_strided_slice %div3A_1202 {offsets = [0, 15], sizes = [304, 1], strides = [1, 1]} : vector<304x128xf32> to vector<304x1xf32>
    %get3A_1311 = arith.constant 4560 : index
    %get3A_1312 = arith.constant 128 : index
    %get3A_1313 = vector.load %arg23[%get3A_1311, %get3A_1312] : memref<7296x256xf32, #tpu.memory_space<vmem>>, vector<304x128xf32>
    %mul3A_1314 = vector.broadcast %slice3A_1310 : vector<304x1xf32> to vector<304x128xf32>
    %mul3A_1315 = arith.mulf %mul3A_1314, %get3A_1313 : vector<304x128xf32>
    %add3A_1316 = arith.addf %add3A_1309, %mul3A_1315 : vector<304x128xf32>
    %slice3A_1317 = vector.extract_strided_slice %div3A_1202 {offsets = [0, 16], sizes = [304, 1], strides = [1, 1]} : vector<304x128xf32> to vector<304x1xf32>
    %get3A_1318 = arith.constant 4864 : index
    %get3A_1319 = arith.constant 128 : index
    %get3A_1320 = vector.load %arg23[%get3A_1318, %get3A_1319] : memref<7296x256xf32, #tpu.memory_space<vmem>>, vector<304x128xf32>
    %mul3A_1321 = vector.broadcast %slice3A_1317 : vector<304x1xf32> to vector<304x128xf32>
    %mul3A_1322 = arith.mulf %mul3A_1321, %get3A_1320 : vector<304x128xf32>
    %add3A_1323 = arith.addf %add3A_1316, %mul3A_1322 : vector<304x128xf32>
    %slice3A_1324 = vector.extract_strided_slice %div3A_1202 {offsets = [0, 17], sizes = [304, 1], strides = [1, 1]} : vector<304x128xf32> to vector<304x1xf32>
    %get3A_1325 = arith.constant 5168 : index
    %get3A_1326 = arith.constant 128 : index
    %get3A_1327 = vector.load %arg23[%get3A_1325, %get3A_1326] : memref<7296x256xf32, #tpu.memory_space<vmem>>, vector<304x128xf32>
    %mul3A_1328 = vector.broadcast %slice3A_1324 : vector<304x1xf32> to vector<304x128xf32>
    %mul3A_1329 = arith.mulf %mul3A_1328, %get3A_1327 : vector<304x128xf32>
    %add3A_1330 = arith.addf %add3A_1323, %mul3A_1329 : vector<304x128xf32>
    %slice3A_1331 = vector.extract_strided_slice %div3A_1202 {offsets = [0, 18], sizes = [304, 1], strides = [1, 1]} : vector<304x128xf32> to vector<304x1xf32>
    %get3A_1332 = arith.constant 5472 : index
    %get3A_1333 = arith.constant 128 : index
    %get3A_1334 = vector.load %arg23[%get3A_1332, %get3A_1333] : memref<7296x256xf32, #tpu.memory_space<vmem>>, vector<304x128xf32>
    %mul3A_1335 = vector.broadcast %slice3A_1331 : vector<304x1xf32> to vector<304x128xf32>
    %mul3A_1336 = arith.mulf %mul3A_1335, %get3A_1334 : vector<304x128xf32>
    %add3A_1337 = arith.addf %add3A_1330, %mul3A_1336 : vector<304x128xf32>
    %slice3A_1338 = vector.extract_strided_slice %div3A_1202 {offsets = [0, 19], sizes = [304, 1], strides = [1, 1]} : vector<304x128xf32> to vector<304x1xf32>
    %get3A_1339 = arith.constant 5776 : index
    %get3A_1340 = arith.constant 128 : index
    %get3A_1341 = vector.load %arg23[%get3A_1339, %get3A_1340] : memref<7296x256xf32, #tpu.memory_space<vmem>>, vector<304x128xf32>
    %mul3A_1342 = vector.broadcast %slice3A_1338 : vector<304x1xf32> to vector<304x128xf32>
    %mul3A_1343 = arith.mulf %mul3A_1342, %get3A_1341 : vector<304x128xf32>
    %add3A_1344 = arith.addf %add3A_1337, %mul3A_1343 : vector<304x128xf32>
    %slice3A_1345 = vector.extract_strided_slice %div3A_1202 {offsets = [0, 20], sizes = [304, 1], strides = [1, 1]} : vector<304x128xf32> to vector<304x1xf32>
    %get3A_1346 = arith.constant 6080 : index
    %get3A_1347 = arith.constant 128 : index
    %get3A_1348 = vector.load %arg23[%get3A_1346, %get3A_1347] : memref<7296x256xf32, #tpu.memory_space<vmem>>, vector<304x128xf32>
    %mul3A_1349 = vector.broadcast %slice3A_1345 : vector<304x1xf32> to vector<304x128xf32>
    %mul3A_1350 = arith.mulf %mul3A_1349, %get3A_1348 : vector<304x128xf32>
    %add3A_1351 = arith.addf %add3A_1344, %mul3A_1350 : vector<304x128xf32>
    %slice3A_1352 = vector.extract_strided_slice %div3A_1202 {offsets = [0, 21], sizes = [304, 1], strides = [1, 1]} : vector<304x128xf32> to vector<304x1xf32>
    %get3A_1353 = arith.constant 6384 : index
    %get3A_1354 = arith.constant 128 : index
    %get3A_1355 = vector.load %arg23[%get3A_1353, %get3A_1354] : memref<7296x256xf32, #tpu.memory_space<vmem>>, vector<304x128xf32>
    %mul3A_1356 = vector.broadcast %slice3A_1352 : vector<304x1xf32> to vector<304x128xf32>
    %mul3A_1357 = arith.mulf %mul3A_1356, %get3A_1355 : vector<304x128xf32>
    %add3A_1358 = arith.addf %add3A_1351, %mul3A_1357 : vector<304x128xf32>
    %slice3A_1359 = vector.extract_strided_slice %div3A_1202 {offsets = [0, 22], sizes = [304, 1], strides = [1, 1]} : vector<304x128xf32> to vector<304x1xf32>
    %get3A_1360 = arith.constant 6688 : index
    %get3A_1361 = arith.constant 128 : index
    %get3A_1362 = vector.load %arg23[%get3A_1360, %get3A_1361] : memref<7296x256xf32, #tpu.memory_space<vmem>>, vector<304x128xf32>
    %mul3A_1363 = vector.broadcast %slice3A_1359 : vector<304x1xf32> to vector<304x128xf32>
    %mul3A_1364 = arith.mulf %mul3A_1363, %get3A_1362 : vector<304x128xf32>
    %add3A_1365 = arith.addf %add3A_1358, %mul3A_1364 : vector<304x128xf32>
    %slice3A_1366 = vector.extract_strided_slice %div3A_1202 {offsets = [0, 23], sizes = [304, 1], strides = [1, 1]} : vector<304x128xf32> to vector<304x1xf32>
    %get3A_1367 = arith.constant 6992 : index
    %get3A_1368 = arith.constant 128 : index
    %get3A_1369 = vector.load %arg23[%get3A_1367, %get3A_1368] : memref<7296x256xf32, #tpu.memory_space<vmem>>, vector<304x128xf32>
    %mul3A_1370 = vector.broadcast %slice3A_1366 : vector<304x1xf32> to vector<304x128xf32>
    %mul3A_1371 = arith.mulf %mul3A_1370, %get3A_1369 : vector<304x128xf32>
    %add3A_1372 = arith.addf %add3A_1365, %mul3A_1371 : vector<304x128xf32>
    %get3A_1373 = arith.constant 0 : index
    %get3A_1374 = arith.constant 0 : index
    %get3A_1375 = vector.load %arg12[%get3A_1373, %get3A_1374] : memref<128x128xf32, #tpu.memory_space<vmem>>, vector<128x128xf32>
    %convert_element_type3A_1376 = arith.truncf %add3A_1372 : vector<304x128xf32> to vector<304x128xbf16>
    %convert_element_type3A_1377 = arith.truncf %get3A_1375 : vector<128x128xf32> to vector<128x128xbf16>
    %dot_general3A_1378 = arith.constant dense<0.000000e+00> : vector<304x128xf32>
    %dot_general3A_1379 = tpu.matmul %convert_element_type3A_1376, %convert_element_type3A_1377, %dot_general3A_1378 {dimension_numbers = #tpu.dot_dimension_numbers<[1], [0], [0], [1], [0, 0, 1, 1], [], []>, transpose_lhs_hint = false} : vector<304x128xbf16>, vector<128x128xbf16>, vector<304x128xf32> -> vector<304x128xf32>
    %add3A_1380 = arith.addf %slice3A, %dot_general3A_1379 : vector<304x128xf32>
    %get3A_1381 = arith.constant 0 : index
    %get3A_1382 = arith.constant 0 : index
    %get3A_1383 = vector.load %arg13[%get3A_1381, %get3A_1382] : memref<1x128xf32, #tpu.memory_space<vmem>>, vector<1x128xf32>
    %add3A_1384 = vector.broadcast %get3A_1383 : vector<1x128xf32> to vector<304x128xf32>
    %add3A_1385 = arith.addf %add3A_1380, %add3A_1384 : vector<304x128xf32>
    %get3A_1386 = arith.constant 0 : index
    %get3A_1387 = arith.constant 0 : index
    %get3A_1388 = vector.load %arg14[%get3A_1386, %get3A_1387] : memref<1x128xf32, #tpu.memory_space<vmem>>, vector<1x128xf32>
    %get3A_1389 = arith.constant 0 : index
    %get3A_1390 = arith.constant 0 : index
    %get3A_1391 = vector.load %arg15[%get3A_1389, %get3A_1390] : memref<1x128xf32, #tpu.memory_space<vmem>>, vector<1x128xf32>
    %broadcast_in_dim3A_1392 = arith.constant 7.812500e-03 : f32
    %broadcast_in_dim3A_1393 = vector.broadcast %broadcast_in_dim3A_1392 : f32 to vector<128x1xf32>
    %dot_general3A_1394 = arith.constant dense<0.000000e+00> : vector<304x1xf32>
    %dot_general3A_1395 = tpu.matmul %add3A_1385, %broadcast_in_dim3A_1393, %dot_general3A_1394 {dimension_numbers = #tpu.dot_dimension_numbers<[1], [0], [0], [1], [0, 0, 1, 1], [], []>, transpose_lhs_hint = false} : vector<304x128xf32>, vector<128x1xf32>, vector<304x1xf32> -> vector<304x1xf32>
    %mul3A_1396 = arith.mulf %add3A_1385, %add3A_1385 : vector<304x128xf32>
    %dot_general3A_1397 = arith.constant dense<0.000000e+00> : vector<304x1xf32>
    %dot_general3A_1398 = tpu.matmul %mul3A_1396, %broadcast_in_dim3A_1393, %dot_general3A_1397 {dimension_numbers = #tpu.dot_dimension_numbers<[1], [0], [0], [1], [0, 0, 1, 1], [], []>, transpose_lhs_hint = false} : vector<304x128xf32>, vector<128x1xf32>, vector<304x1xf32> -> vector<304x1xf32>
    %mul3A_1399 = arith.mulf %dot_general3A_1395, %dot_general3A_1395 : vector<304x1xf32>
    %sub3A_1400 = arith.subf %dot_general3A_1398, %mul3A_1399 : vector<304x1xf32>
    %sub3A_1401 = vector.broadcast %dot_general3A_1395 : vector<304x1xf32> to vector<304x128xf32>
    %sub3A_1402 = arith.subf %add3A_1385, %sub3A_1401 : vector<304x128xf32>
    %add3A_1403 = arith.constant 9.99999974E-6 : f32
    %add3A_1404 = vector.broadcast %add3A_1403 : f32 to vector<304x1xf32>
    %add3A_1405 = arith.addf %sub3A_1400, %add3A_1404 : vector<304x1xf32>
    %rsqrt3A_1406 = math.rsqrt %add3A_1405 : vector<304x1xf32>
    %mul3A_1407 = vector.broadcast %rsqrt3A_1406 : vector<304x1xf32> to vector<304x128xf32>
    %mul3A_1408 = arith.mulf %sub3A_1402, %mul3A_1407 : vector<304x128xf32>
    %mul3A_1409 = vector.broadcast %get3A_1388 : vector<1x128xf32> to vector<304x128xf32>
    %mul3A_1410 = arith.mulf %mul3A_1408, %mul3A_1409 : vector<304x128xf32>
    %add3A_1411 = vector.broadcast %get3A_1391 : vector<1x128xf32> to vector<304x128xf32>
    %add3A_1412 = arith.addf %mul3A_1410, %add3A_1411 : vector<304x128xf32>
    %get3A_1413 = arith.constant 0 : index
    %get3A_1414 = arith.constant 0 : index
    %get3A_1415 = vector.load %arg16[%get3A_1413, %get3A_1414] : memref<128x256xf32, #tpu.memory_space<vmem>>, vector<128x256xf32>
    %convert_element_type3A_1416 = arith.truncf %add3A_1412 : vector<304x128xf32> to vector<304x128xbf16>
    %convert_element_type3A_1417 = arith.truncf %get3A_1415 : vector<128x256xf32> to vector<128x256xbf16>
    %dot_general3A_1418 = arith.constant dense<0.000000e+00> : vector<304x256xf32>
    %dot_general3A_1419 = tpu.matmul %convert_element_type3A_1416, %convert_element_type3A_1417, %dot_general3A_1418 {dimension_numbers = #tpu.dot_dimension_numbers<[1], [0], [0], [1], [0, 0, 1, 1], [], []>, transpose_lhs_hint = false} : vector<304x128xbf16>, vector<128x256xbf16>, vector<304x256xf32> -> vector<304x256xf32>
    %get3A_1420 = arith.constant 0 : index
    %get3A_1421 = arith.constant 0 : index
    %get3A_1422 = vector.load %arg17[%get3A_1420, %get3A_1421] : memref<1x256xf32, #tpu.memory_space<vmem>>, vector<1x256xf32>
    %add3A_1423 = vector.broadcast %get3A_1422 : vector<1x256xf32> to vector<304x256xf32>
    %add3A_1424 = arith.addf %dot_general3A_1419, %add3A_1423 : vector<304x256xf32>
    %max3A = arith.constant 0.000000e+00 : f32
    %max3A_1425 = vector.broadcast %max3A : f32 to vector<304x256xf32>
    %max3A_1426 = arith.maximumf %add3A_1424, %max3A_1425 : vector<304x256xf32>
    %get3A_1427 = arith.constant 0 : index
    %get3A_1428 = arith.constant 0 : index
    %get3A_1429 = vector.load %arg18[%get3A_1427, %get3A_1428] : memref<256x128xf32, #tpu.memory_space<vmem>>, vector<256x128xf32>
    %convert_element_type3A_1430 = arith.truncf %max3A_1426 : vector<304x256xf32> to vector<304x256xbf16>
    %convert_element_type3A_1431 = arith.truncf %get3A_1429 : vector<256x128xf32> to vector<256x128xbf16>
    %dot_general3A_1432 = arith.constant dense<0.000000e+00> : vector<304x128xf32>
    %dot_general3A_1433 = tpu.matmul %convert_element_type3A_1430, %convert_element_type3A_1431, %dot_general3A_1432 {dimension_numbers = #tpu.dot_dimension_numbers<[1], [0], [0], [1], [0, 0, 1, 1], [], []>, transpose_lhs_hint = false} : vector<304x256xbf16>, vector<256x128xbf16>, vector<304x128xf32> -> vector<304x128xf32>
    %add3A_1434 = arith.addf %add3A_1385, %dot_general3A_1433 : vector<304x128xf32>
    %get3A_1435 = arith.constant 0 : index
    %get3A_1436 = arith.constant 0 : index
    %get3A_1437 = vector.load %arg19[%get3A_1435, %get3A_1436] : memref<1x128xf32, #tpu.memory_space<vmem>>, vector<1x128xf32>
    %add3A_1438 = vector.broadcast %get3A_1437 : vector<1x128xf32> to vector<304x128xf32>
    %add3A_1439 = arith.addf %add3A_1434, %add3A_1438 : vector<304x128xf32>
    %swap3A_1440 = arith.constant 0 : index
    %swap3A_1441 = arith.constant 0 : index
    %swap3A_1442 = arith.constant 0 : index
    %swap3A_1443 = vector.load %arg20[%swap3A_1440, %swap3A_1441, %swap3A_1442] : memref<1x304x128xf32, #tpu.memory_space<vmem>>, vector<1x304x128xf32>
    %swap3A_1444 = vector.shape_cast %swap3A_1443 : vector<1x304x128xf32> to vector<304x128xf32>
    %swap3A_1445 = vector.shape_cast %add3A_1439 : vector<304x128xf32> to vector<1x304x128xf32>
    tpu.vector_store %arg20[%swap3A_1440, %swap3A_1441, %swap3A_1442], %swap3A_1445 {strides = array<i32>} : memref<1x304x128xf32, #tpu.memory_space<vmem>>, vector<1x304x128xf32>,
    return
  }
  func.func @transform_0(%arg0: i32) -> (i32, i32, i32, i32) {
    %c0_i32 = arith.constant 0 : i32
    %c0_i32_0 = arith.constant 0 : i32
    %c0_i32_1 = arith.constant 0 : i32
    %c0_i32_2 = arith.constant 0 : i32
    return %arg0, %c0_i32, %c0_i32_0, %c0_i32_1 : i32, i32, i32, i32
  }
  func.func @transform_1(%arg0: i32) -> (i32, i32) {
    %c0_i32 = arith.constant 0 : i32
    %c0_i32_0 = arith.constant 0 : i32
    %c0_i32_1 = arith.constant 0 : i32
    return %c0_i32, %c0_i32_0 : i32, i32
  }
  func.func @transform_2(%arg0: i32) -> (i32, i32) {
    %c0_i32 = arith.constant 0 : i32
    %c0_i32_0 = arith.constant 0 : i32
    %c0_i32_1 = arith.constant 0 : i32
    return %c0_i32, %c0_i32_0 : i32, i32
  }
  func.func @transform_3(%arg0: i32) -> (i32, i32) {
    %c0_i32 = arith.constant 0 : i32
    %c0_i32_0 = arith.constant 0 : i32
    %c0_i32_1 = arith.constant 0 : i32
    return %c0_i32, %c0_i32_0 : i32, i32
  }
  func.func @transform_4(%arg0: i32) -> (i32, i32) {
    %c0_i32 = arith.constant 0 : i32
    %c0_i32_0 = arith.constant 0 : i32
    %c0_i32_1 = arith.constant 0 : i32
    return %c0_i32, %c0_i32_0 : i32, i32
  }
  func.func @transform_5(%arg0: i32) -> (i32, i32) {
    %c0_i32 = arith.constant 0 : i32
    %c0_i32_0 = arith.constant 0 : i32
    %c0_i32_1 = arith.constant 0 : i32
    return %c0_i32, %c0_i32_0 : i32, i32
  }
  func.func @transform_6(%arg0: i32) -> (i32, i32) {
    %c0_i32 = arith.constant 0 : i32
    %c0_i32_0 = arith.constant 0 : i32
    %c0_i32_1 = arith.constant 0 : i32
    return %c0_i32, %c0_i32_0 : i32, i32
  }
  func.func @transform_7(%arg0: i32) -> (i32, i32) {
    %c0_i32 = arith.constant 0 : i32
    %c0_i32_0 = arith.constant 0 : i32
    %c0_i32_1 = arith.constant 0 : i32
    return %c0_i32, %c0_i32_0 : i32, i32
  }
  func.func @transform_8(%arg0: i32) -> (i32, i32) {
    %c0_i32 = arith.constant 0 : i32
    %c0_i32_0 = arith.constant 0 : i32
    %c0_i32_1 = arith.constant 0 : i32
    return %c0_i32, %c0_i32_0 : i32, i32
  }
  func.func @transform_9(%arg0: i32) -> (i32, i32) {
    %c0_i32 = arith.constant 0 : i32
    %c0_i32_0 = arith.constant 0 : i32
    %c0_i32_1 = arith.constant 0 : i32
    return %c0_i32, %c0_i32_0 : i32, i32
  }
  func.func @transform_10(%arg0: i32) -> (i32, i32) {
    %c0_i32 = arith.constant 0 : i32
    %c0_i32_0 = arith.constant 0 : i32
    %c0_i32_1 = arith.constant 0 : i32
    return %c0_i32, %c0_i32_0 : i32, i32
  }
  func.func @transform_11(%arg0: i32) -> (i32, i32) {
    %c0_i32 = arith.constant 0 : i32
    %c0_i32_0 = arith.constant 0 : i32
    %c0_i32_1 = arith.constant 0 : i32
    return %c0_i32, %c0_i32_0 : i32, i32
  }
  func.func @transform_12(%arg0: i32) -> (i32, i32) {
    %c0_i32 = arith.constant 0 : i32
    %c0_i32_0 = arith.constant 0 : i32
    %c0_i32_1 = arith.constant 0 : i32
    return %c0_i32, %c0_i32_0 : i32, i32
  }
  func.func @transform_13(%arg0: i32) -> (i32, i32) {
    %c0_i32 = arith.constant 0 : i32
    %c0_i32_0 = arith.constant 0 : i32
    %c0_i32_1 = arith.constant 0 : i32
    return %c0_i32, %c0_i32_0 : i32, i32
  }
  func.func @transform_14(%arg0: i32) -> (i32, i32) {
    %c0_i32 = arith.constant 0 : i32
    %c0_i32_0 = arith.constant 0 : i32
    %c0_i32_1 = arith.constant 0 : i32
    return %c0_i32, %c0_i32_0 : i32, i32
  }
  func.func @transform_15(%arg0: i32) -> (i32, i32) {
    %c0_i32 = arith.constant 0 : i32
    %c0_i32_0 = arith.constant 0 : i32
    %c0_i32_1 = arith.constant 0 : i32
    return %c0_i32, %c0_i32_0 : i32, i32
  }
  func.func @transform_16(%arg0: i32) -> (i32, i32) {
    %c0_i32 = arith.constant 0 : i32
    %c0_i32_0 = arith.constant 0 : i32
    %c0_i32_1 = arith.constant 0 : i32
    return %c0_i32, %c0_i32_0 : i32, i32
  }
  func.func @transform_17(%arg0: i32) -> (i32, i32) {
    %c0_i32 = arith.constant 0 : i32
    %c0_i32_0 = arith.constant 0 : i32
    %c0_i32_1 = arith.constant 0 : i32
    return %c0_i32, %c0_i32_0 : i32, i32
  }
  func.func @transform_18(%arg0: i32) -> (i32, i32) {
    %c0_i32 = arith.constant 0 : i32
    %c0_i32_0 = arith.constant 0 : i32
    %c0_i32_1 = arith.constant 0 : i32
    return %c0_i32, %c0_i32_0 : i32, i32
  }
  func.func @transform_19(%arg0: i32) -> (i32, i32, i32) {
    %c0_i32 = arith.constant 0 : i32
    %c0_i32_0 = arith.constant 0 : i32
    %c0_i32_1 = arith.constant 0 : i32
    return %arg0, %c0_i32, %c0_i32_0 : i32, i32, i32
  }
}

</mosaic_0001>

<sc_bundles>
// kernel: kernel.5.cloned.1.call-start
scs
__scs_entry_jumppad:
0x0: {  	(pc) =	sbr.rel $0x88, $3  }
0x1: {  	(tag) =	ssettag $0x0;
	lr =	simm.s32 $0x1  }
0x2: {  	[smem:$0x3F79] =	sst lr;
	_ =	strace $0xD0000000  }
0x3: {  	_ = 	snop  }
0x4: {  	_ = 	snop  }
0x5: {  	_ = 	snop  }
0x6: {  	_ = 	snop  }
0x7: {  	_ = 	snop  }
__scs_overlays_trampoline_lowered:
0x8: {  	[smem:$0x3F88] =	sst s0  }
0x9: {  	[smem:$0x3F89] =	sst s1  }
0xa: {  	[smem:$0x3F8A] =	sst s2  }
0xb: {  	[smem:$0x3F8B] =	sst s3  }
0xc: {  	[smem:$0x3F8C] =	sst s4  }
0xd: {  	[smem:$0x3F8D] =	sst s5  }
0xe: {  	[smem:$0x3F8E] =	sst s6  }
0xf: {  	[smem:$0x3F8F] =	sst s7  }
0x10: {  	[smem:$0x3F90] =	sst s8  }
0x11: {  	[smem:$0x3F91] =	sst s9;
	s0 =	simm.s32 @!p0 $0x0  }
0x12: {  	s1 =	sld [smem:$0x3F77];
	s0 =	simm.s32 @p0 $0x1  }
0x13: {  	[smem:$0x3F92] =	sst s0;
	s0 =	simm.s32 @!p1 $0x0  }
0x14: {  	s2 =	sld [smem:$0x3F76];
	s0 =	simm.s32 @p1 $0x1  }
0x15: {  	[smem:$0x3F93] =	sst s0;
	s0 =	simm.s32 @!p2 $0x0  }
0x16: {  	s3 =	sld [smem:$0x3FDB];
	s0 =	simm.s32 @p2 $0x1  }
0x17: {  	s4 =	simm.s32 $0x1BF5;
	[smem:$0x3F95] =	sst s0  }
0x18: {  	s0 =	sld [smem:$0x3F78];
	_ =	swait.ge [sflag:s4], $0x0  }
0x19: {  	s7 =	sld [smem:$0x3F79]  }
0x1a: {  	s8 =	sadd.s32 $0xFFFFE003, lr  }
0x1b: {  	s9 =	sadd.s32 $0xFFFFFEF7, lr;
	s5 =	simm.s32 $0xFFFFFFFF;
	p2 =	slt.u32 s8, $0xFFFFF086  }
0x1c: {  	p1 =	slt.u32 s9, $0xF7A;
	s5 =	simm.s32 @!p2 $0x0  }
0x1d: {  	s5 =	simm.s32 @p1 $0x1;
	p0 =	seq.s32 s7, s2  }
0x1e: {  	s7 =	smul.u32 @!p0 $0xF7A, s2;
	p2 =	seq.s32 @!p0 s5, $0x0  }
0x1f: {  	s9 =	smul.u32 $0xF7A, s1;
	s8 =	simm.s32 @!p0 $0x1BF5;
	p2 =	por !p2, p0  }
0x20: {  	[sflag:s8] =	ssyncset.s32 @!p0 $0xFFFFF086;
	s6 =	sadd.s32 @!p0 s3, s7;
	s7 =	simm.s32 @!p0 $0x108  }
0x21: {  	s3 =	sadd.s32 s3, s9;
	s6 =	sadd.s32 @!p0 $0x88, s6;
	s7 =	simm.s32 @p2 $0x1082  }
0x22: {  	[simem:s7], [sflag:s8] =	dma.local @!p0 [hbm:s6], $0xF7A  }
0x23: {  	s9 =	sor.u32 $0xD0000000, s2;
	s6 =	simm.s32 $0x108;
	_ =	swait.ge @!p0 [sflag:s8], $0x0  }
0x24: {  	s3 =	sadd.s32 $0x88, s3;
	s6 =	simm.s32 @!p1 $0x1082;
	[sflag:s4] =	ssyncset.s32 $0xFFFFF086  }
0x25: {  	[simem:s6], [sflag:s4] =	dma.local [hbm:s3], $0xF7A  }
0x26: {  	[smem:$0x3F79] =	sst s1;
	(tag) =	ssettag s2;
	_ =	strace s9  }
0x27: {  	s1 =	sld [smem:$0x3F89]  }
0x28: {  	s2 =	sld [smem:$0x3F8A]  }
0x29: {  	s4 =	sld [smem:$0x3F8C]  }
0x2a: {  	p0 =	seq.s32 s5, $0x0;
	s5 =	sld [smem:$0x3F8D]  }
0x2b: {  	s6 =	sld [smem:$0x3F8E]  }
0x2c: {  	s7 =	sld [smem:$0x3F8F]  }
0x2d: {  	s3 =	simm.s32 $0x108;
	s8 =	sld [smem:$0x3F90]  }
0x2e: {  	s3 =	simm.s32 @!p0 $0x1082;
	s9 =	sld [smem:$0x3F91]  }
0x2f: {  	lr =	sadd.s32 s0, s3;
	s0 =	sld [smem:$0x3F88]  }
0x30: {  	s3 =	sld [smem:$0x3F8B]  }
0x31: {  	[smem:$0x3F94] =	sst s10  }
0x32: {  	s10 =	sld [smem:$0x3F92];
	_ =	sdelay $0x3  }
0x33: {  	p0 =	seq.s32 s10, $0x1;
	s10 =	sld [smem:$0x3F94];
	_ =	sdelay $0x3  }
0x34: {  	[smem:$0x3F94] =	sst s10  }
0x35: {  	s10 =	sld [smem:$0x3F93];
	_ =	sdelay $0x3  }
0x36: {  	p1 =	seq.s32 s10, $0x1;
	s10 =	sld [smem:$0x3F94];
	_ =	sdelay $0x3  }
0x37: {  	[smem:$0x3F94] =	sst s10  }
0x38: {  	s10 =	sld [smem:$0x3F95]  }
0x39: {  	_ = 	snop;
	(pc) =	sbr.ind lr, $3  }
0x3a: {  	_ = 	snop  }
0x3b: {  	_ = 	snop  }
0x3c: {  	p2 =	seq.s32 s10, $0x1;
	s10 =	sld [smem:$0x3F94]  }
0x3d: {  	_ =	shalt  }
0x3e: {  	_ =	shalt  }
0x3f: {  	_ =	shalt  }
0x40: {  	_ =	shalt  }
0x41: {  	_ =	shalt  }
0x42: {  	_ =	shalt  }
0x43: {  	_ =	shalt  }
0x44: {  	_ =	shalt  }
0x45: {  	_ =	shalt  }
0x46: {  	_ =	shalt  }
0x47: {  	_ =	shalt  }
0x48: {  	_ =	shalt  }
0x49: {  	_ =	shalt  }
0x4a: {  	_ =	shalt  }
0x4b: {  	_ =	shalt  }
0x4c: {  	_ =	shalt  }
0x4d: {  	_ =	shalt  }
0x4e: {  	_ =	shalt  }
0x4f: {  	_ =	shalt  }
0x50: {  	_ =	shalt  }
0x51: {  	_ =	shalt  }
0x52: {  	_ =	shalt  }
0x53: {  	_ =	shalt  }
0x54: {  	_ =	shalt  }
0x55: {  	_ =	shalt  }
0x56: {  	_ =	shalt  }
0x57: {  	_ =	shalt  }
0x58: {  	_ =	shalt  }
0x59: {  	_ =	shalt  }
0x5a: {  	_ =	shalt  }
0x5b: {  	_ =	shalt  }
0x5c: {  	_ =	shalt  }
0x5d: {  	_ =	shalt  }
0x5e: {  	_ =	shalt  }
0x5f: {  	_ =	shalt  }
0x60: {  	_ =	shalt  }
0x61: {  	_ =	shalt  }
0x62: {  	_ =	shalt  }
0x63: {  	_ =	shalt  }
0x64: {  	_ =	shalt  }
0x65: {  	_ =	shalt  }
0x66: {  	_ =	shalt  }
0x67: {  	_ =	shalt  }
0x68: {  	_ =	shalt  }
0x69: {  	_ =	shalt  }
0x6a: {  	_ =	shalt  }
0x6b: {  	_ =	shalt  }
0x6c: {  	_ =	shalt  }
0x6d: {  	_ =	shalt  }
0x6e: {  	_ =	shalt  }
0x6f: {  	_ =	shalt  }
0x70: {  	_ =	shalt  }
0x71: {  	_ =	shalt  }
0x72: {  	_ =	shalt  }
0x73: {  	_ =	shalt  }
0x74: {  	_ =	shalt  }
0x75: {  	_ =	shalt  }
0x76: {  	_ =	shalt  }
0x77: {  	_ =	shalt  }
0x78: {  	_ =	shalt  }
0x79: {  	_ =	shalt  }
0x7a: {  	_ =	shalt  }
0x7b: {  	_ =	shalt  }
0x7c: {  	_ =	shalt  }
0x7d: {  	_ =	shalt  }
0x7e: {  	_ =	shalt  }
0x7f: {  	_ =	shalt  }
0x80: {  	_ =	shalt  }
0x81: {  	_ =	shalt  }
0x82: {  	_ =	shalt  }
0x83: {  	_ =	shalt  }
0x84: {  	_ =	shalt  }
0x85: {  	_ =	shalt  }
0x86: {  	_ =	shalt  }
0x87: {  	_ =	shalt  }
.Lfunc_end0:
.L_simem_size_0:
called_computation_lowered:
.L_overlay_start_0:
0x88: {  	s0 =	sld [smem:$0x3FD9]  }
0x89: {  	s1 =	sld [smem:$0x3FFE];
	_ =	sdelay $0x3  }
0x8a: {  	s0 =	sadd.s32 s1, s0  }
0x8b: {  	[smem:$0x3FA0] =	sst s0  }
0x8c: {  	_ = 	snop  }
0x8d: {  	s0 =	sld [smem:$0x3FD0];
	(tm) =	ssettm $0x1  }
0x8e: {  	s16 =	sld [smem:$0x3FFB];
	_ =	sdelay $0x3  }
0x8f: {  	_ =	strace s16  }
0x90: {  	s1 =	sld [smem:$0x3FFC];
	_ =	sdelay $0x3  }
0x91: {  	_ =	strace s1  }
0x92: {  	s1 =	sld [smem:$0x3FFD];
	_ =	sdelay $0x3  }
0x93: {  	_ =	strace s1  }
0x94: {  	_ =	strace $0x8FFFFFFF  }
0x95: {  	s17 =	sld [smem:$0x3FDB];
	_ =	sdelay $0x1  }
0x96: {  	s2 =	simm.s32 $_scs_section_size  }
0x97: {  	s3 =	simm.s32 $_size__tile_overlayer_lowered;
	s4 =	simm.s32 $_tile_overlayer_lowered  }
0x98: {  	s20 =	simm.s32 $0x1BFF;
	s19 =	sshll.u32 s4, $0x1;
	s1 =	sadd.s32 s2, s17  }
0x99: {  	s5 =	simm.s32 $0x0;
	s18 =	sshll.u32 s3, $0x1;
	s3 =	sadd.s32 s19, s1  }
0x9a: {  	[timem:s5], [sflag:s20] =	dma.local [hbm:s3], s18  }
0x9b: {  	_ =	swait.ge [sflag:s20], s18  }
0x9c: {  	s2 =	ssub.s32 $0x0, s18;
	[sflag:s20] =	ssyncset.done $0x0  }
0x9d: {  	[sflag:s20] =	ssyncadd.s32 s2;
	_ =	sdelay $0x1  }
0x9e: {  	s21 =	simm.s32 $0x1B8B  }
0x9f: {  	_ =	swait.ge [sflag:s21], $0x1  }
0xa0: {  	[sflag:s21] =	ssyncset.done $0x0  }
0xa1: {  	s23 =	simm.s32 $0x1B8E;
	s22 =	sld [smem:$0x3FFE];
	[sflag:s21] =	ssyncadd.s32 $0xFFFFFFFF  }
0xa2: {  	s24 =	simm.s32 $execute0_lowered;
	[smem:$0x3FD2] =	sst s23  }
0xa3: {  	s3 =	sshll.u32 s24, $0x1;
	_ =	strace $0x80000046;
	[dreg:$0x1] =	wrdreg $0xFFFFFFFF  }
0xa4: {  	s25 =	simm.s32 $_size_execute0_lowered;
	s1 =	sadd.s32 s1, s3;
	[dreg:$0x0] =	wrdreg $0x0  }
0xa5: {  	s3 =	sshll.u32 s25, $0x1;
	[dreg:$0x2] =	wrdreg s1  }
0xa6: {  	[dreg:$0x3] =	wrdreg s3  }
0xa7: {  	[dreg:$0x4] =	wrdreg $0xC0  }
0xa8: {  	_ =	task [dreg:s5], $0x5FFFF  }
0xa9: {  	[dreg:$0x1] =	wrdreg $0xFFFFFFFF  }
0xaa: {  	[dreg:$0x0] =	wrdreg $0x60  }
0xab: {  	[dreg:$0x2] =	wrdreg s0  }
0xac: {  	[dreg:$0x3] =	wrdreg s22  }
0xad: {  	[dreg:$0x4] =	wrdreg $0x1A000  }
0xae: {  	[dreg:$0x5] =	wrdreg $0x9  }
0xaf: {  	_ =	task.clear_ibuf [dreg:s5], $0x6FFFF;
	_ =	strace $0x90000046  }
0xb0: {  	s26 =	simm.s32 $0x9;
	_ =	strace $0x80000048  }
0xb1: {  	_ =	swait.ge [sflag:s26], $0x1  }
0xb2: {  	[sflag:s26] =	ssyncadd.s32 $0xFFFFFFFF  }
0xb3: {  	_ =	strace $0x90000048  }
0xb4: {  	_ =	sfence  }
0xb5: {  	s28 =	sld [smem:$0x0];
	_ =	sdelay $0x1  }
0xb6: {  	s29 =	srdreg.scid  }
0xb7: {  	s30 =	sshll.u32 s29, $0xD;
	s31 =	sshrl.u32 s29, $0x2  }
0xb8: {  	s2 =	sand.u32 $0x4000, s30;
	s1 =	sand.u32 $0x1, s29;
	s0 =	sadd.s32 s31, s28  }
0xb9: {  	s1 =	sor.u32 s2, s1;
	s0 =	sshll.u32 s0, $0x11  }
0xba: {  	s0 =	sor.u32 s0, s1  }
0xbb: {  	s0 =	sadd.s32 $0x8F2B, s0  }
0xbc: {  	[sflag:s0] =	ssyncadd.remote.s32 $0x1  }
0xbd: {  	_ =	sfence.sel $0xFFFF  }
0xbe: {  	[dreg:$0x0] =	wrdreg $0xFFFFFFFF;
	(pc) =	sbr.abs _section_cstart, $3  }
0xbf: {  	[dreg:$0x1] =	wrdreg $0xFFFFFFFF  }
0xc0: {  	_ =	task.clear_ibuf [dreg:s5], $0x2FFFF;
	_ =	strace $0x9FFFFFFF  }
0xc1: {  	(tm) =	ssettm $0x7FFFFFFF  }
tec
execute0_lowered:
.L_overlay_start_1:
0x0: {  	(tag) =	ssettag $0x1  }
0x1: {  	s5 =	rddreg [dreg:$0x0]  }
0x2: {  	s2 =	rddreg [dreg:$0x1]  }
0x3: {  	s1 =	rddreg [dreg:$0x2]  }
0x4: {  	s0 =	rddreg [dreg:$0x3];
	s3 =	simm.s32 $0x0;
	s4 =	simm.s32 $0x40  }
0x5: {  	s7 =	simm.s32 $0x0;
	[smem:$0x7FF] =	sst s3;
	s6 =	sadd.s32 $0x5200, s2  }
0x6: {  	v0 =	vimm.f32 $0.0e+00;
	s2 =	sadd.s32 $0x5400, s2;
	s3 =	stileid.u32;
	_ =	strace $0x80000047  }
.LBB2_1:
0x7: {  	p0 =	sne.s32 s4, $0x5A40;
	[tilespmem:s7+$0x300] =	vst v0;
	s7 =	smov.u32 s4;
	s4 =	sadd.s32 $0x40, s4  }
.Ltmp0:
0x8: {  	(pc) =	sbr.rel @p0 .LBB2_1-.Ltmp0, $2  }
0x9: {  	_ =	sdelay $0x2  }
0xa: {  	s7 =	sshra.s32 s7, $0x2  }
0xb: {  	s4 =	smul.u32 $0x5A80, s3;
	_ =	sdelay $0x1  }
0xc: {  	s4 =	sshrl.u32 s4, $0x2  }
0xd: {  	[tilespmem:s7+$0x300] =	vst v0;
	s25 =	simm.s32 $0x300;
	s26 =	simm.s32 $0x1;
	s4 =	sadd.s32 s4, s1  }
0xe: {  	[spmem:s4] =	stream.linear.scatter [tilespmem:s25], [sflag:$0x1], $0x16A0, $0x38;
	[tilespmem:$0x30A0] =	vst v63  }
0xf: {  	_ =	swait.ge [sflag:s26], $0x16A0  }
0x10: {  	s28 =	smul.u32 $0x18, s3;
	[sflag:s26] =	ssyncset.done $0x0  }
0x11: {  	[sflag:s26] =	ssyncadd.s32 $0xFFFFE960  }
0x12: {  	s8 =	simm.s32 $0x0;
	s5 =	sadd.s32 s5, s28;
	[bflag:$0x0] =	sbarrier.arrive $0xFFFF  }
0x13: {  	[tilespmem:s8], [sflag:$0x1] =	stream.linear.gather [hbm4b:s5+s8], $0xC0, $0x38;
	[tilespmem:$0x30A0] =	vst v63  }
0x14: {  	_ =	swait.ge [sflag:s26], $0xC0  }
0x15: {  	[sflag:s26] =	ssyncset.done $0x0  }
0x16: {  	s29 =	simm.s32 $0x100;
	s6 =	sadd.s32 s6, s28;
	[sflag:s26] =	ssyncadd.s32 $0xFFFFFF40  }
0x17: {  	[tilespmem:s29], [sflag:$0x1] =	stream.linear.gather [hbm4b:s6+s8], $0xC0, $0x38;
	[tilespmem:$0x30A0] =	vst v63  }
0x18: {  	_ =	swait.ge [sflag:s26], $0xC0  }
0x19: {  	[sflag:s26] =	ssyncset.done $0x0  }
0x1a: {  	[sflag:s26] =	ssyncadd.s32 $0xFFFFFF40  }
0x1b: {  	v38 =	vld [tilespmem:$0x100]  }
0x1c: {  	v1 =	vld [tilespmem:$0x0]  }
0x1d: {  	v2 =	vld [tilespmem:$0x110]  }
0x1e: {  	v3 =	vld [tilespmem:$0x10]  }
0x1f: {  	v4 =	vld [tilespmem:$0x120]  }
0x20: {  	v56 =	vimm.f32 $1.000000000e+00;
	v5 =	vld [tilespmem:$0x20]  }
0x21: {  	v6 =	vld [tilespmem:$0x130];
	[tilespmem:$0x200] =	vst v56  }
0x22: {  	v7 =	vld [tilespmem:$0x30];
	[tilespmem:$0x210] =	vst v56  }
0x23: {  	v8 =	vld [tilespmem:$0x140];
	[tilespmem:$0x220] =	vst v56  }
0x24: {  	v9 =	vld [tilespmem:$0x40];
	[tilespmem:$0x230] =	vst v56  }
0x25: {  	v10 =	vld [tilespmem:$0x150];
	[tilespmem:$0x240] =	vst v56  }
0x26: {  	v11 =	vld [tilespmem:$0x50];
	[tilespmem:$0x250] =	vst v56  }
0x27: {  	v12 =	vld [tilespmem:$0x160];
	[tilespmem:$0x260] =	vst v56  }
0x28: {  	v40 =	vld [tilespmem:$0x60];
	[tilespmem:$0x270] =	vst v56  }
0x29: {  	v43 =	vld [tilespmem:$0x170];
	[tilespmem:$0x280] =	vst v56  }
0x2a: {  	v46 =	vld [tilespmem:$0x70];
	[tilespmem:$0x290] =	vst v56;
	v0 =	vmul.u32 $0x130, v38  }
0x2b: {  	v49 =	vld [tilespmem:$0x180];
	[tilespmem:$0x2A0] =	vst v56;
	v2 =	vmul.u32 $0x130, v2  }
0x2c: {  	v53 =	vld [tilespmem:$0x80];
	[tilespmem:$0x2B0] =	vst v56;
	v39 =	vmul.u32 $0x130, v4;
	v0 =	vadd.s32 v1, v0  }
0x2d: {  	v57 =	vld [tilespmem:$0x190];
	v42 =	vmul.u32 $0x130, v6;
	v41 =	vadd.s32 v3, v2;
	[tilespmem:$0x100] =	vst v0  }
0x2e: {  	v59 =	vld [tilespmem:$0x90];
	v45 =	vmul.u32 $0x130, v8;
	v44 =	vadd.s32 v5, v39;
	[tilespmem:$0x110] =	vst v41  }
0x2f: {  	v60 =	vld [tilespmem:$0x1A0];
	v48 =	vmul.u32 $0x130, v10;
	v47 =	vadd.s32 v7, v42;
	[tilespmem:$0x120] =	vst v44  }
0x30: {  	v62 =	vld [tilespmem:$0x1B0];
	v51 =	vmul.u32 $0x130, v12;
	v50 =	vadd.s32 v9, v45;
	[tilespmem:$0x130] =	vst v47  }
0x31: {  	v61 =	vld [tilespmem:$0xA0];
	v55 =	vmul.u32 $0x130, v43;
	v52 =	vadd.s32 v11, v48;
	[tilespmem:$0x140] =	vst v50  }
0x32: {  	v63 =	vld [tilespmem:$0xB0];
	v54 =	vadd.s32 v40, v51;
	[tilespmem:$0x150] =	vst v52;
	v0 =	vmul.u32 $0x130, v57  }
0x33: {  	v58 =	vmul.u32 $0x130, v49;
	v1 =	vadd.s32 v46, v55;
	[tilespmem:$0x160] =	vst v54  }
0x34: {  	[tilespmem:$0x170] =	vst v1;
	v1 =	vmul.u32 $0x130, v60;
	v0 =	vadd.s32 v59, v0  }
0x35: {  	v2 =	vadd.s32 v53, v58;
	[tilespmem:$0x190] =	vst v0;
	v0 =	vmul.u32 $0x130, v62  }
0x36: {  	[tilespmem:$0x180] =	vst v2;
	v1 =	vadd.s32 v61, v1  }
0x37: {  	[tilespmem:$0x1A0] =	vst v1;
	v0 =	vadd.s32 v63, v0  }
0x38: {  	s30 =	simm.s32 $0xC0;
	s31 =	simm.s32 $0x200;
	[tilespmem:$0x1B0] =	vst v0  }
0x39: {  	[spmem:s1] =	stream.indirect.scatter.add.f32 [tilespmem:s31], [sflag:$0x1], $0x1, s29, s30, $0xb8;
	[tilespmem:$0x30A0] =	vst v63  }
0x3a: {  	_ =	swait.ge [sflag:s26], $0xC0  }
0x3b: {  	[sflag:s26] =	ssyncset.done $0x0  }
0x3c: {  	[sflag:s26] =	ssyncadd.s32 $0xFFFFFF40  }
0x3d: {  	p0 =	sne.s32 s3, $0x0;
	[bflag:$0x0] =	sbarrier.arrive $0xFFFF  }
0x3e: {  	_ =	sfence.sel @p0 $0x180000  }
0x3f: {  	[bflag:$0x0] =	sbarrier.arrive @p0 $0xFFFF  }
0x40: {  	_ =	strace @p0 $0x90000047  }
0x41: {  	s3 =	simm.s32 @!p0 $0x1C01;
	s1 =	sshrl.u32 @!p0 s1, $0x3;
	[bflag:$0x2] =	sbarrier.arrive @p0 $0xFFFF  }
0x42: {  	[hbm:s2], [sflag:s3] =	dma.local @!p0 [spmem:s1], $0x2D40  }
0x43: {  	s1 =	simm.s32 @!p0 $0x1  }
0x44: {  	_ =	swait.ge @!p0 [sflag:s1], $0x2D40  }
0x45: {  	[sflag:s1] =	ssyncset.done @!p0 $0x0  }
0x46: {  	[sflag:s1] =	ssyncadd.s32 @!p0 $0xFFFFD2C0  }
0x47: {  	_ =	sfence.sel @!p0 $0x180000  }
0x48: {  	[bflag:$0x0] =	sbarrier.arrive @!p0 $0xFFFF  }
0x49: {  	_ =	strace @!p0 $0x90000047  }
0x4a: {  	s0 =	sadd.s32 @!p0 $0x100000, s0;
	[bflag:$0x2] =	sbarrier.arrive @!p0 $0xFFFF  }
0x4b: {  	[sflag:s0] =	ssyncadd.tile.s32 @!p0 $0x1;
	_ =	shalt  }
.Lfunc_end2:
_tile_overlayer_lowered:
.L_overlay_start_2:
0x4c: {  	(tag) =	ssettag $0x2  }
0x4d: {  	s0 =	rddreg [dreg:$0x0];
	s2 =	stileid.u32  }
0x4e: {  	s1 =	rddreg [dreg:$0x1];
	p0 =	sne.s32 s2, $0x0  }
0x4f: {  	s3 =	rddreg [dreg:$0x2];
	[bflag:$0x3] =	sbarrier.arrive $0xFFFF;
	s2 =	simm.s32 @!p0 $0x1C01  }
0x50: {  	[timem:s3], [sflag:s2] =	dma.local @!p0 [hbm:s0], s1  }
0x51: {  	s0 =	simm.s32 @!p0 $0x1  }
0x52: {  	_ =	swait.ge @!p0 [sflag:s0], s1  }
0x53: {  	s1 =	ssub.s32 @!p0 $0x0, s1;
	[sflag:s0] =	ssyncset.done @!p0 $0x0  }
0x54: {  	[sflag:s0] =	ssyncadd.s32 @!p0 s1  }
0x55: {  	[bflag:$0x3] =	sbarrier.arrive $0xFFFF  }
0x56: {  	_ =	shalt  }

</sc_bundles>
